<compile_context>
chip_gen: v7x
topology: tpu7x:2x2x1
jax: 0.10.2.dev20260603
libtpu: 0.0.44.dev20260713+nightly
codegen_flags: <defaults>
</compile_context>

<pallas_src>
import functools

import jax
import jax.numpy as jnp
from jax import lax
from jax.experimental import pallas as pl
from jax.experimental.pallas import tpu as pltpu
from jax.experimental.pallas import tpu_sc as plsc

N = 10000
E = 320000
NG = 64
D = 8

NC, NS = 2, 16
NW = NC * NS
EW = E // NW

KBB = 2560
CHS = [KBB, KBB, KBB, EW - 3 * KBB]
NCH = len(CHS)

NP = 10240
RPT = NP // NS

_sc_params = pltpu.CompilerParams(use_tc_tiling_on_sc=False)


@functools.cache
def _mesh():
  return plsc.VectorSubcoreMesh(
      core_axis_name="c", subcore_axis_name="s",
      num_cores=NC, num_subcores=NS)


def _deg_body(ei_hbm, ones_hbm, zer_hbm, out_hbm, idx_v, ones_v,
              acc_o, acc_i, isem, ssem):
  c = lax.axis_index("c")
  s = lax.axis_index("s")
  wid = s * NC + c
  base = pl.multiple_of(wid * EW, 8)
  pro = [
      pltpu.async_copy(zer_hbm, acc_o.at[pl.ds(s * RPT, RPT)], isem),
      pltpu.async_copy(zer_hbm, acc_i.at[pl.ds(s * RPT, RPT)], isem),
      pltpu.async_copy(ones_hbm, ones_v, isem),
      pltpu.async_copy(ei_hbm.at[0, pl.ds(base, CHS[0])],
                       idx_v.at[0, 0, pl.ds(0, CHS[0])], isem),
      pltpu.async_copy(ei_hbm.at[1, pl.ds(base, CHS[0])],
                       idx_v.at[0, 1, pl.ds(0, CHS[0])], isem),
  ]
  for d_ in pro:
    d_.wait()
  plsc.subcore_barrier()
  prev = []
  for ci in range(NCH):
    b = ci % 3
    n = CHS[ci]
    nxt = []
    if ci + 1 < NCH:
      n1 = CHS[ci + 1]
      off = ci * KBB + KBB
      nb = (ci + 1) % 3
      nxt.append(pltpu.async_copy(ei_hbm.at[0, pl.ds(base + off, n1)],
                                  idx_v.at[nb, 0, pl.ds(0, n1)], isem))
      nxt.append(pltpu.async_copy(ei_hbm.at[1, pl.ds(base + off, n1)],
                                  idx_v.at[nb, 1, pl.ds(0, n1)], isem))
    sds = [
        pltpu.async_copy(ones_v.at[pl.ds(0, n)],
                         acc_o.at[idx_v.at[b, 0, pl.ds(0, n)]], ssem,
                         add=True),
        pltpu.async_copy(ones_v.at[pl.ds(0, n)],
                         acc_i.at[idx_v.at[b, 1, pl.ds(0, n)]], ssem,
                         add=True),
    ]
    for d_ in prev:
      d_.wait()
    prev = sds
    for d_ in nxt:
      d_.wait()
  for d_ in prev:
    d_.wait()
  plsc.subcore_barrier()
  pltpu.sync_copy(acc_o.at[pl.ds(s * RPT, RPT)],
                  out_hbm.at[c, 0, pl.ds(s * RPT, RPT)])
  pltpu.sync_copy(acc_i.at[pl.ds(s * RPT, RPT)],
                  out_hbm.at[c, 1, pl.ds(s * RPT, RPT)])


@functools.cache
def _deg_kernel():
  return pl.kernel(
    _deg_body,
    out_type=jax.ShapeDtypeStruct((NC, 2, NP, D), jnp.float32),
    mesh=_mesh(),
    scratch_types=[
        pltpu.VMEM((3, 2, KBB), jnp.int32),
        pltpu.VMEM((KBB, D), jnp.float32),
        pltpu.VMEM_SHARED((NP, D), jnp.float32),
        pltpu.VMEM_SHARED((NP, D), jnp.float32),
        pltpu.SemaphoreType.DMA,
        pltpu.SemaphoreType.DMA,
    ],
    compiler_params=_sc_params,
  )


def _agg_body(tbl_hbm, ei_hbm, zer_hbm, out_hbm,
              idx_v, msg, acc, isem, gsem, ssem):
  c = lax.axis_index("c")
  s = lax.axis_index("s")
  wid = s * NC + c
  base = pl.multiple_of(wid * EW, 8)
  pro = [
      pltpu.async_copy(zer_hbm, acc.at[pl.ds(s * RPT, RPT)], isem),
      pltpu.async_copy(ei_hbm.at[0, pl.ds(base, CHS[0])],
                       idx_v.at[0, 0, pl.ds(0, CHS[0])], isem),
      pltpu.async_copy(ei_hbm.at[1, pl.ds(base, CHS[0])],
                       idx_v.at[0, 1, pl.ds(0, CHS[0])], isem),
  ]
  for d_ in pro:
    d_.wait()
  plsc.subcore_barrier()
  prev = []
  for ci in range(NCH):
    b = ci % 3
    mb = ci % 2
    n = CHS[ci]
    nxt = []
    if ci + 1 < NCH:
      n1 = CHS[ci + 1]
      off = ci * KBB + KBB
      nb = (ci + 1) % 3
      nxt.append(pltpu.async_copy(ei_hbm.at[0, pl.ds(base + off, n1)],
                                  idx_v.at[nb, 0, pl.ds(0, n1)], isem))
      nxt.append(pltpu.async_copy(ei_hbm.at[1, pl.ds(base + off, n1)],
                                  idx_v.at[nb, 1, pl.ds(0, n1)], isem))
    g = pltpu.async_copy(tbl_hbm.at[idx_v.at[b, 0, pl.ds(0, n)]],
                         msg.at[mb, pl.ds(0, n)], gsem)
    for d_ in prev:
      d_.wait()
    g.wait()
    prev = [pltpu.async_copy(msg.at[mb, pl.ds(0, n)],
                             acc.at[idx_v.at[b, 1, pl.ds(0, n)]], ssem,
                             add=True)]
    for d_ in nxt:
      d_.wait()
  for d_ in prev:
    d_.wait()
  plsc.subcore_barrier()
  pltpu.sync_copy(acc.at[pl.ds(s * RPT, RPT)],
                  out_hbm.at[c, pl.ds(s * RPT, RPT)])


@functools.cache
def _agg_kernel():
  return pl.kernel(
    _agg_body,
    out_type=jax.ShapeDtypeStruct((NC, NP, D), jnp.float32),
    mesh=_mesh(),
    scratch_types=[
        pltpu.VMEM((3, 2, KBB), jnp.int32),
        pltpu.VMEM((2, KBB, D), jnp.float32),
        pltpu.VMEM_SHARED((NP, D), jnp.float32),
        pltpu.SemaphoreType.DMA,
        pltpu.SemaphoreType.DMA,
        pltpu.SemaphoreType.DMA,
    ],
    compiler_params=_sc_params,
  )


def _norms(dp_ref):
  deg_out = (dp_ref[0, 0] + dp_ref[1, 0])[:N, 0:1]
  deg_in = (dp_ref[0, 1] + dp_ref[1, 1])[:N, 0:1]
  ns = jnp.where(deg_out > 0, lax.rsqrt(deg_out), 0.0)
  nd = jnp.where(deg_in > 0, lax.rsqrt(deg_in), 0.0)
  return ns, nd


def _dense1_body(x_ref, w1_ref, dp_ref, hs_ref):
  ns, _ = _norms(dp_ref)
  h = jnp.dot(x_ref[...], w1_ref[...], preferred_element_type=jnp.float32)
  hs_ref[...] = h * ns


def _dense2_body(p_ref, dp_ref, b1_ref, hs2_ref):
  ns, nd = _norms(dp_ref)
  agg = p_ref[0, :N] + p_ref[1, :N]
  out1 = jnp.maximum(agg * nd + b1_ref[...], 0.0)
  hs2_ref[...] = out1 * ns


def _head_body(q_ref, dp_ref, ids_ref, w2_ref, b2_ref, wf1_ref, bf1_ref,
               wf2_ref, bf2_ref, out_ref):
  _, nd = _norms(dp_ref)
  agg = q_ref[0, :N] + q_ref[1, :N]
  h2 = jnp.dot(agg, w2_ref[...], preferred_element_type=jnp.float32)
  h2 = jnp.maximum(h2 * nd + b2_ref[...], 0.0)
  z = (ids_ref[...] == jax.lax.broadcasted_iota(jnp.int32, (1, NG), 1)
       ).astype(jnp.float32)
  sums = lax.dot_general(z, h2, (((0,), (0,)), ((), ())),
                         preferred_element_type=jnp.float32)
  cnts = lax.dot_general(z, jnp.ones((N, 1), jnp.float32),
                         (((0,), (0,)), ((), ())),
                         preferred_element_type=jnp.float32)
  pooled = sums / jnp.maximum(cnts, 1.0)
  h = jnp.dot(pooled, wf1_ref[...],
              preferred_element_type=jnp.float32) + bf1_ref[...]
  out_ref[...] = jnp.dot(h, wf2_ref[...],
                         preferred_element_type=jnp.float32) + bf2_ref[...]


def _tc_call(body, out_shape):
  return pl.pallas_call(body, out_shape=out_shape)


def kernel(x, edge_index, graph_ids, W1, b1, W2, b2, Wf1, bf1, Wf2, bf2):
  ei = edge_index.astype(jnp.int32)

  ones_b = jnp.ones((KBB, D), jnp.float32)
  zer = jnp.zeros((RPT, D), jnp.float32)

  dp4 = _deg_kernel()(ei, ones_b, zer)

  hs = _tc_call(_dense1_body,
                jax.ShapeDtypeStruct((N, D), jnp.float32))(x, W1, dp4)

  p = _agg_kernel()(hs, ei, zer)
  hs2 = _tc_call(_dense2_body,
                 jax.ShapeDtypeStruct((N, D), jnp.float32))(p, dp4, b1)
  q = _agg_kernel()(hs2, ei, zer)

  idsp = graph_ids.astype(jnp.int32).reshape(N, 1)
  out = _tc_call(_head_body, jax.ShapeDtypeStruct((NG, 10), jnp.float32))(
      q, dp4, idsp, W2, b2, Wf1, bf1, Wf2, bf2)
  return out

# --- scband reference (transcript-rebuilt; emitter-appended) ---
"""Pipeline reference for scband-graph-classifier-15745350107328 (READ-ONLY COPY).

The authoritative reference and input builder live on the scoring server;
editing this copy changes nothing except your own understanding.
"""

import jax, jax.numpy as jnp
import numpy as np

N_NODES = 10000
N_EDGES = 320000
D_IN = 128
N_GRAPHS = 64

def setup_inputs(seed: int = 0):
    key = jax.random.key(seed)
    ks = jax.random.split(key, 12)
    x = jax.random.normal(ks[0], (N_NODES, D_IN), dtype=jnp.float32)
    edge_index = jax.random.randint(ks[1], (2, N_EDGES), 0, N_NODES)
    graph_ids = jnp.sort(jax.random.randint(ks[2], (N_NODES,), 0, N_GRAPHS))
    W1 = jax.random.normal(ks[3], (D_IN, 8), dtype=jnp.float32) * 0.1
    b1 = jnp.zeros((8,), dtype=jnp.float32)
    W2 = jax.random.normal(ks[4], (8, 16), dtype=jnp.float32) * 0.1
    b2 = jnp.zeros((16,), dtype=jnp.float32)
    Wf1 = jax.random.normal(ks[5], (16, 32), dtype=jnp.float32) * 0.1
    bf1 = jnp.zeros((32,), dtype=jnp.float32)
    Wf2 = jax.random.normal(ks[6], (32, 10), dtype=jnp.float32) * 0.1
    bf2 = jnp.zeros((10,), dtype=jnp.float32)
    return {"x": x, "edge_index": edge_index, "graph_ids": graph_ids, "W1": W1, "b1": b1, "W2": W2, "b2": b2, "Wf1": Wf1, "bf1": bf1, "Wf2": Wf2, "bf2": bf2}

def _gcn(h, src, dst, W, b, project_first):
    # DGL GraphConv with norm='both' (default): D_out^{-1/2} A D_in^{-1/2} X W + b
    n = h.shape[0]
    ones = jnp.ones((src.shape[0],), h.dtype)
    deg_out = jnp.zeros((n,), h.dtype).at[src].add(ones)
    deg_in = jnp.zeros((n,), h.dtype).at[dst].add(ones)
    norm_src = jnp.where(deg_out > 0, deg_out ** -0.5, 0.0)
    norm_dst = jnp.where(deg_in > 0, deg_in ** -0.5, 0.0)
    h = h * norm_src[:, None]
    if project_first:
        h = h @ W
    msg = jnp.take(h, src, axis=0)
    agg = jnp.zeros((n, msg.shape[1]), h.dtype).at[dst].add(msg)
    if not project_first:
        agg = agg @ W
    return agg * norm_dst[:, None] + b

def reference(x, edge_index, graph_ids, W1, b1, W2, b2, Wf1, bf1, Wf2, bf2):
    src = edge_index[0]
    dst = edge_index[1]
    # conv1: in_feats=128 > out_feats=8 -> DGL projects before aggregation
    h = _gcn(x, src, dst, W1, b1, True)
    h = jax.nn.relu(h)
    # conv2: in_feats=8 < out_feats=16 -> DGL aggregates before projection
    h = _gcn(h, src, dst, W2, b2, False)
    h = jax.nn.relu(h)
    # AvgPooling over nodes per graph
    sums = jax.ops.segment_sum(h, graph_ids, num_segments=N_GRAPHS)
    cnts = jax.ops.segment_sum(jnp.ones((h.shape[0],), h.dtype), graph_ids, num_segments=N_GRAPHS)
    pooled = sums / jnp.clip(cnts, 1.0)[:, None]
    h = pooled @ Wf1 + bf1
    # dropout p=0.1 is identity in eval mode
    h = h @ Wf2 + bf2
    return h

if __name__ == "__main__":
    import jax
    _d = setup_inputs()
    print(jax.jit(kernel)(*tuple(_d.values())))

</pallas_src>

<mosaic_0001>
#map = affine_map<(d0, d1) -> (0, 0)>
#map1 = affine_map<(d0, d1) -> (0, 0, 0)>
module attributes {stable_mosaic.version = 14 : i64} {
  func.func @_agg_body(%arg0: i32, %arg1: i32, %arg2: memref<10000x8xf32, #tpu.memory_space<hbm>>, %arg3: memref<2x320000xi32, #tpu.memory_space<hbm>>, %arg4: memref<640x8xf32, #tpu.memory_space<hbm>>, %arg5: memref<2x10240x8xf32, #tpu.memory_space<hbm>>, %arg6: memref<3x2x2560xi32, #tpu.memory_space<vmem>>, %arg7: memref<2x2560x8xf32, #tpu.memory_space<vmem>>, %arg8: memref<10240x8xf32, #tpu.memory_space<vmem_shared>>, %arg9: memref<!tpu.dma_semaphore, #tpu.memory_space<semaphore_mem>>, %arg10: memref<!tpu.dma_semaphore, #tpu.memory_space<semaphore_mem>>, %arg11: memref<!tpu.dma_semaphore, #tpu.memory_space<semaphore_mem>>) attributes {dimension_semantics = [#tpu.dimension_semantics<core_parallel>, #tpu.dimension_semantics<subcore_parallel>], iteration_bounds = array<i64: 2, 16>, scalar_prefetch = 0 : i64, scratch_operands = 6 : i64, tpu.core_type = #tpu.core_type<sc_vector_subcore>, window_params = [{transform_indices = #map}, {transform_indices = #map}, {transform_indices = #map}, {transform_indices = #map1}]} {
    %mul3A = arith.constant 2 : i32
    %mul3A_0 = arith.muli %arg1, %mul3A : i32
    %add3A = arith.addi %mul3A_0, %arg0 : i32
    %mul3A_1 = arith.constant 10000 : i32
    %mul3A_2 = arith.muli %add3A, %mul3A_1 : i32
    %multiple_of3A = tpu.assume_multiple %mul3A_2, 8 : i32
    %mul3A_3 = arith.constant 640 : i32
    %mul3A_4 = arith.muli %arg1, %mul3A_3 : i32
    %dma_start3A = arith.constant 0 : i32
    %dma_start3A_5 = tpu.memref_slice %arg8[%mul3A_4, %dma_start3A] : memref<10240x8xf32, #tpu.memory_space<vmem_shared>> -> memref<640x8xf32, #tpu.memory_space<vmem_shared>>
    tpu.enqueue_dma source(%arg4 : memref<640x8xf32, #tpu.memory_space<hbm>>) target(%dma_start3A_5 : memref<640x8xf32, #tpu.memory_space<vmem_shared>>) target_semaphore(%arg9 : memref<!tpu.dma_semaphore, #tpu.memory_space<semaphore_mem>>)
    %dma_start3A_6 = arith.constant 0 : i32
    %dma_start3A_7 = arith.constant 0 : i32
    %dma_start3A_8 = arith.constant 0 : i32
    %dma_start3A_9 = arith.constant 0 : i32
    %dma_start3A_10 = tpu.memref_slice %arg6[%dma_start3A_7, %dma_start3A_8, %dma_start3A_9] : memref<3x2x2560xi32, #tpu.memory_space<vmem>> -> memref<1x1x2560xi32, #tpu.memory_space<vmem>>
    %dma_start3A_11 = tpu.memref_squeeze %dma_start3A_10 : memref<1x1x2560xi32, #tpu.memory_space<vmem>> -> memref<2560xi32, #tpu.memory_space<vmem>>
    %dma_start3A_12 = tpu.memref_slice %arg3[%dma_start3A_6, %multiple_of3A] : memref<2x320000xi32, #tpu.memory_space<hbm>> -> memref<1x2560xi32, #tpu.memory_space<hbm>>
    %dma_start3A_13 = tpu.memref_squeeze %dma_start3A_12 : memref<1x2560xi32, #tpu.memory_space<hbm>> -> memref<2560xi32, #tpu.memory_space<hbm>>
    %dma_start3A_14 = arith.constant 0 : i32
    %dma_start3A_15 = tpu.memref_slice %arg6[%dma_start3A_7, %dma_start3A_8, %dma_start3A_14] : memref<3x2x2560xi32, #tpu.memory_space<vmem>> -> memref<1x1x2560xi32, #tpu.memory_space<vmem>>
    %dma_start3A_16 = tpu.memref_squeeze %dma_start3A_15 : memref<1x1x2560xi32, #tpu.memory_space<vmem>> -> memref<2560xi32, #tpu.memory_space<vmem>>
    %dma_start3A_17 = tpu.memref_slice %arg3[%dma_start3A_6, %multiple_of3A] : memref<2x320000xi32, #tpu.memory_space<hbm>> -> memref<1x2560xi32, #tpu.memory_space<hbm>>
    %dma_start3A_18 = tpu.memref_squeeze %dma_start3A_17 : memref<1x2560xi32, #tpu.memory_space<hbm>> -> memref<2560xi32, #tpu.memory_space<hbm>>
    tpu.enqueue_dma source(%dma_start3A_18 : memref<2560xi32, #tpu.memory_space<hbm>>) target(%dma_start3A_16 : memref<2560xi32, #tpu.memory_space<vmem>>) target_semaphore(%arg9 : memref<!tpu.dma_semaphore, #tpu.memory_space<semaphore_mem>>)
    %dma_start3A_19 = arith.constant 1 : i32
    %dma_start3A_20 = arith.constant 0 : i32
    %dma_start3A_21 = arith.constant 1 : i32
    %dma_start3A_22 = arith.constant 0 : i32
    %dma_start3A_23 = tpu.memref_slice %arg6[%dma_start3A_20, %dma_start3A_21, %dma_start3A_22] : memref<3x2x2560xi32, #tpu.memory_space<vmem>> -> memref<1x1x2560xi32, #tpu.memory_space<vmem>>
    %dma_start3A_24 = tpu.memref_squeeze %dma_start3A_23 : memref<1x1x2560xi32, #tpu.memory_space<vmem>> -> memref<2560xi32, #tpu.memory_space<vmem>>
    %dma_start3A_25 = tpu.memref_slice %arg3[%dma_start3A_19, %multiple_of3A] : memref<2x320000xi32, #tpu.memory_space<hbm>> -> memref<1x2560xi32, #tpu.memory_space<hbm>>
    %dma_start3A_26 = tpu.memref_squeeze %dma_start3A_25 : memref<1x2560xi32, #tpu.memory_space<hbm>> -> memref<2560xi32, #tpu.memory_space<hbm>>
    %dma_start3A_27 = arith.constant 0 : i32
    %dma_start3A_28 = tpu.memref_slice %arg6[%dma_start3A_20, %dma_start3A_21, %dma_start3A_27] : memref<3x2x2560xi32, #tpu.memory_space<vmem>> -> memref<1x1x2560xi32, #tpu.memory_space<vmem>>
    %dma_start3A_29 = tpu.memref_squeeze %dma_start3A_28 : memref<1x1x2560xi32, #tpu.memory_space<vmem>> -> memref<2560xi32, #tpu.memory_space<vmem>>
    %dma_start3A_30 = tpu.memref_slice %arg3[%dma_start3A_19, %multiple_of3A] : memref<2x320000xi32, #tpu.memory_space<hbm>> -> memref<1x2560xi32, #tpu.memory_space<hbm>>
    %dma_start3A_31 = tpu.memref_squeeze %dma_start3A_30 : memref<1x2560xi32, #tpu.memory_space<hbm>> -> memref<2560xi32, #tpu.memory_space<hbm>>
    tpu.enqueue_dma source(%dma_start3A_31 : memref<2560xi32, #tpu.memory_space<hbm>>) target(%dma_start3A_29 : memref<2560xi32, #tpu.memory_space<vmem>>) target_semaphore(%arg9 : memref<!tpu.dma_semaphore, #tpu.memory_space<semaphore_mem>>)
    %dma_wait3A = arith.constant 0 : i32
    %dma_wait3A_32 = tpu.memref_slice %arg8[%mul3A_4, %dma_wait3A] : memref<10240x8xf32, #tpu.memory_space<vmem_shared>> -> memref<640x8xf32, #tpu.memory_space<vmem_shared>>
    tpu.wait_dma2 semaphore(%arg9 : memref<!tpu.dma_semaphore, #tpu.memory_space<semaphore_mem>>) src(%arg4 : memref<640x8xf32, #tpu.memory_space<hbm>>) dst(%dma_wait3A_32 : memref<640x8xf32, #tpu.memory_space<vmem_shared>>)
    %dma_wait3A_33 = arith.constant 0 : i32
    %dma_wait3A_34 = arith.constant 0 : i32
    %dma_wait3A_35 = arith.constant 0 : i32
    %dma_wait3A_36 = arith.constant 0 : i32
    %dma_wait3A_37 = tpu.memref_slice %arg6[%dma_wait3A_34, %dma_wait3A_35, %dma_wait3A_36] : memref<3x2x2560xi32, #tpu.memory_space<vmem>> -> memref<1x1x2560xi32, #tpu.memory_space<vmem>>
    %dma_wait3A_38 = tpu.memref_squeeze %dma_wait3A_37 : memref<1x1x2560xi32, #tpu.memory_space<vmem>> -> memref<2560xi32, #tpu.memory_space<vmem>>
    %dma_wait3A_39 = tpu.memref_slice %arg3[%dma_wait3A_33, %multiple_of3A] : memref<2x320000xi32, #tpu.memory_space<hbm>> -> memref<1x2560xi32, #tpu.memory_space<hbm>>
    %dma_wait3A_40 = tpu.memref_squeeze %dma_wait3A_39 : memref<1x2560xi32, #tpu.memory_space<hbm>> -> memref<2560xi32, #tpu.memory_space<hbm>>
    %dma_wait3A_41 = arith.constant 0 : i32
    %dma_wait3A_42 = tpu.memref_slice %arg6[%dma_wait3A_34, %dma_wait3A_35, %dma_wait3A_41] : memref<3x2x2560xi32, #tpu.memory_space<vmem>> -> memref<1x1x2560xi32, #tpu.memory_space<vmem>>
    %dma_wait3A_43 = tpu.memref_squeeze %dma_wait3A_42 : memref<1x1x2560xi32, #tpu.memory_space<vmem>> -> memref<2560xi32, #tpu.memory_space<vmem>>
    %dma_wait3A_44 = tpu.memref_slice %arg3[%dma_wait3A_33, %multiple_of3A] : memref<2x320000xi32, #tpu.memory_space<hbm>> -> memref<1x2560xi32, #tpu.memory_space<hbm>>
    %dma_wait3A_45 = tpu.memref_squeeze %dma_wait3A_44 : memref<1x2560xi32, #tpu.memory_space<hbm>> -> memref<2560xi32, #tpu.memory_space<hbm>>
    tpu.wait_dma2 semaphore(%arg9 : memref<!tpu.dma_semaphore, #tpu.memory_space<semaphore_mem>>) src(%dma_wait3A_45 : memref<2560xi32, #tpu.memory_space<hbm>>) dst(%dma_wait3A_43 : memref<2560xi32, #tpu.memory_space<vmem>>)
    %dma_wait3A_46 = arith.constant 1 : i32
    %dma_wait3A_47 = arith.constant 0 : i32
    %dma_wait3A_48 = arith.constant 1 : i32
    %dma_wait3A_49 = arith.constant 0 : i32
    %dma_wait3A_50 = tpu.memref_slice %arg6[%dma_wait3A_47, %dma_wait3A_48, %dma_wait3A_49] : memref<3x2x2560xi32, #tpu.memory_space<vmem>> -> memref<1x1x2560xi32, #tpu.memory_space<vmem>>
    %dma_wait3A_51 = tpu.memref_squeeze %dma_wait3A_50 : memref<1x1x2560xi32, #tpu.memory_space<vmem>> -> memref<2560xi32, #tpu.memory_space<vmem>>
    %dma_wait3A_52 = tpu.memref_slice %arg3[%dma_wait3A_46, %multiple_of3A] : memref<2x320000xi32, #tpu.memory_space<hbm>> -> memref<1x2560xi32, #tpu.memory_space<hbm>>
    %dma_wait3A_53 = tpu.memref_squeeze %dma_wait3A_52 : memref<1x2560xi32, #tpu.memory_space<hbm>> -> memref<2560xi32, #tpu.memory_space<hbm>>
    %dma_wait3A_54 = arith.constant 0 : i32
    %dma_wait3A_55 = tpu.memref_slice %arg6[%dma_wait3A_47, %dma_wait3A_48, %dma_wait3A_54] : memref<3x2x2560xi32, #tpu.memory_space<vmem>> -> memref<1x1x2560xi32, #tpu.memory_space<vmem>>
    %dma_wait3A_56 = tpu.memref_squeeze %dma_wait3A_55 : memref<1x1x2560xi32, #tpu.memory_space<vmem>> -> memref<2560xi32, #tpu.memory_space<vmem>>
    %dma_wait3A_57 = tpu.memref_slice %arg3[%dma_wait3A_46, %multiple_of3A] : memref<2x320000xi32, #tpu.memory_space<hbm>> -> memref<1x2560xi32, #tpu.memory_space<hbm>>
    %dma_wait3A_58 = tpu.memref_squeeze %dma_wait3A_57 : memref<1x2560xi32, #tpu.memory_space<hbm>> -> memref<2560xi32, #tpu.memory_space<hbm>>
    tpu.wait_dma2 semaphore(%arg9 : memref<!tpu.dma_semaphore, #tpu.memory_space<semaphore_mem>>) src(%dma_wait3A_58 : memref<2560xi32, #tpu.memory_space<hbm>>) dst(%dma_wait3A_56 : memref<2560xi32, #tpu.memory_space<vmem>>)
    %barrier3A = arith.constant 0 : index
    tpu.barrier barrier_id(%barrier3A)
    %add3A_59 = arith.constant 2560 : i32
    %add3A_60 = arith.addi %multiple_of3A, %add3A_59 : i32
    %dma_start3A_61 = arith.constant 0 : i32
    %dma_start3A_62 = arith.constant 1 : i32
    %dma_start3A_63 = arith.constant 0 : i32
    %dma_start3A_64 = arith.constant 0 : i32
    %dma_start3A_65 = tpu.memref_slice %arg6[%dma_start3A_62, %dma_start3A_63, %dma_start3A_64] : memref<3x2x2560xi32, #tpu.memory_space<vmem>> -> memref<1x1x2560xi32, #tpu.memory_space<vmem>>
    %dma_start3A_66 = tpu.memref_squeeze %dma_start3A_65 : memref<1x1x2560xi32, #tpu.memory_space<vmem>> -> memref<2560xi32, #tpu.memory_space<vmem>>
    %dma_start3A_67 = tpu.memref_slice %arg3[%dma_start3A_61, %add3A_60] : memref<2x320000xi32, #tpu.memory_space<hbm>> -> memref<1x2560xi32, #tpu.memory_space<hbm>>
    %dma_start3A_68 = tpu.memref_squeeze %dma_start3A_67 : memref<1x2560xi32, #tpu.memory_space<hbm>> -> memref<2560xi32, #tpu.memory_space<hbm>>
    %dma_start3A_69 = arith.constant 0 : i32
    %dma_start3A_70 = tpu.memref_slice %arg6[%dma_start3A_62, %dma_start3A_63, %dma_start3A_69] : memref<3x2x2560xi32, #tpu.memory_space<vmem>> -> memref<1x1x2560xi32, #tpu.memory_space<vmem>>
    %dma_start3A_71 = tpu.memref_squeeze %dma_start3A_70 : memref<1x1x2560xi32, #tpu.memory_space<vmem>> -> memref<2560xi32, #tpu.memory_space<vmem>>
    %dma_start3A_72 = tpu.memref_slice %arg3[%dma_start3A_61, %add3A_60] : memref<2x320000xi32, #tpu.memory_space<hbm>> -> memref<1x2560xi32, #tpu.memory_space<hbm>>
    %dma_start3A_73 = tpu.memref_squeeze %dma_start3A_72 : memref<1x2560xi32, #tpu.memory_space<hbm>> -> memref<2560xi32, #tpu.memory_space<hbm>>
    tpu.enqueue_dma source(%dma_start3A_73 : memref<2560xi32, #tpu.memory_space<hbm>>) target(%dma_start3A_71 : memref<2560xi32, #tpu.memory_space<vmem>>) target_semaphore(%arg9 : memref<!tpu.dma_semaphore, #tpu.memory_space<semaphore_mem>>)
    %add3A_74 = arith.constant 2560 : i32
    %add3A_75 = arith.addi %multiple_of3A, %add3A_74 : i32
    %dma_start3A_76 = arith.constant 1 : i32
    %dma_start3A_77 = arith.constant 1 : i32
    %dma_start3A_78 = arith.constant 1 : i32
    %dma_start3A_79 = arith.constant 0 : i32
    %dma_start3A_80 = tpu.memref_slice %arg6[%dma_start3A_77, %dma_start3A_78, %dma_start3A_79] : memref<3x2x2560xi32, #tpu.memory_space<vmem>> -> memref<1x1x2560xi32, #tpu.memory_space<vmem>>
    %dma_start3A_81 = tpu.memref_squeeze %dma_start3A_80 : memref<1x1x2560xi32, #tpu.memory_space<vmem>> -> memref<2560xi32, #tpu.memory_space<vmem>>
    %dma_start3A_82 = tpu.memref_slice %arg3[%dma_start3A_76, %add3A_75] : memref<2x320000xi32, #tpu.memory_space<hbm>> -> memref<1x2560xi32, #tpu.memory_space<hbm>>
    %dma_start3A_83 = tpu.memref_squeeze %dma_start3A_82 : memref<1x2560xi32, #tpu.memory_space<hbm>> -> memref<2560xi32, #tpu.memory_space<hbm>>
    %dma_start3A_84 = arith.constant 0 : i32
    %dma_start3A_85 = tpu.memref_slice %arg6[%dma_start3A_77, %dma_start3A_78, %dma_start3A_84] : memref<3x2x2560xi32, #tpu.memory_space<vmem>> -> memref<1x1x2560xi32, #tpu.memory_space<vmem>>
    %dma_start3A_86 = tpu.memref_squeeze %dma_start3A_85 : memref<1x1x2560xi32, #tpu.memory_space<vmem>> -> memref<2560xi32, #tpu.memory_space<vmem>>
    %dma_start3A_87 = tpu.memref_slice %arg3[%dma_start3A_76, %add3A_75] : memref<2x320000xi32, #tpu.memory_space<hbm>> -> memref<1x2560xi32, #tpu.memory_space<hbm>>
    %dma_start3A_88 = tpu.memref_squeeze %dma_start3A_87 : memref<1x2560xi32, #tpu.memory_space<hbm>> -> memref<2560xi32, #tpu.memory_space<hbm>>
    tpu.enqueue_dma source(%dma_start3A_88 : memref<2560xi32, #tpu.memory_space<hbm>>) target(%dma_start3A_86 : memref<2560xi32, #tpu.memory_space<vmem>>) target_semaphore(%arg9 : memref<!tpu.dma_semaphore, #tpu.memory_space<semaphore_mem>>)
    %dma_start3A_89 = arith.constant 0 : i32
    %dma_start3A_90 = arith.constant 0 : i32
    %dma_start3A_91 = arith.constant 0 : i32
    %dma_start3A_92 = arith.constant 0 : i32
    %dma_start3A_93 = arith.constant 0 : i32
    %dma_start3A_94 = tpu.memref_slice %arg7[%dma_start3A_91, %dma_start3A_92, %dma_start3A_93] : memref<2x2560x8xf32, #tpu.memory_space<vmem>> -> memref<1x2560x8xf32, #tpu.memory_space<vmem>>
    %dma_start3A_95 = tpu.memref_squeeze %dma_start3A_94 : memref<1x2560x8xf32, #tpu.memory_space<vmem>> -> memref<2560x8xf32, #tpu.memory_space<vmem>>
    %dma_start3A_96 = arith.constant 0 : i32
    %dma_start3A_97 = tpu.memref_slice %arg6[%dma_start3A_89, %dma_start3A_90, %dma_start3A_96] : memref<3x2x2560xi32, #tpu.memory_space<vmem>> -> memref<1x1x2560xi32, #tpu.memory_space<vmem>>
    %dma_start3A_98 = tpu.memref_squeeze %dma_start3A_97 : memref<1x1x2560xi32, #tpu.memory_space<vmem>> -> memref<2560xi32, #tpu.memory_space<vmem>>
    %dma_start3A_99 = arith.constant 0 : i32
    %dma_start3A_100 = arith.constant 0 : i32
    %dma_start3A_101 = tpu.memref_slice %arg2[%dma_start3A_99, %dma_start3A_100] : memref<10000x8xf32, #tpu.memory_space<hbm>> -> memref<10000x8xf32, #tpu.memory_space<hbm>>
    tpu.enqueue_indirect_dma source(%dma_start3A_101 : memref<10000x8xf32, #tpu.memory_space<hbm>>) target(%dma_start3A_95 : memref<2560x8xf32, #tpu.memory_space<vmem>>) offsets(%dma_start3A_98 : memref<2560xi32, #tpu.memory_space<vmem>>) semaphore(%arg10 : memref<!tpu.dma_semaphore, #tpu.memory_space<semaphore_mem>>)
    %dma_wait3A_102 = arith.constant 0 : i32
    %dma_wait3A_103 = arith.constant 0 : i32
    %dma_wait3A_104 = arith.constant 0 : i32
    %dma_wait3A_105 = arith.constant 0 : i32
    %dma_wait3A_106 = arith.constant 0 : i32
    %dma_wait3A_107 = tpu.memref_slice %arg7[%dma_wait3A_104, %dma_wait3A_105, %dma_wait3A_106] : memref<2x2560x8xf32, #tpu.memory_space<vmem>> -> memref<1x2560x8xf32, #tpu.memory_space<vmem>>
    %dma_wait3A_108 = tpu.memref_squeeze %dma_wait3A_107 : memref<1x2560x8xf32, #tpu.memory_space<vmem>> -> memref<2560x8xf32, #tpu.memory_space<vmem>>
    %dma_wait3A_109 = arith.constant 0 : i32
    %dma_wait3A_110 = tpu.memref_slice %arg6[%dma_wait3A_102, %dma_wait3A_103, %dma_wait3A_109] : memref<3x2x2560xi32, #tpu.memory_space<vmem>> -> memref<1x1x2560xi32, #tpu.memory_space<vmem>>
    %dma_wait3A_111 = tpu.memref_squeeze %dma_wait3A_110 : memref<1x1x2560xi32, #tpu.memory_space<vmem>> -> memref<2560xi32, #tpu.memory_space<vmem>>
    %dma_wait3A_112 = arith.constant 0 : i32
    %dma_wait3A_113 = arith.constant 0 : i32
    %dma_wait3A_114 = tpu.memref_slice %arg2[%dma_wait3A_112, %dma_wait3A_113] : memref<10000x8xf32, #tpu.memory_space<hbm>> -> memref<10000x8xf32, #tpu.memory_space<hbm>>
    tpu.wait_indirect_dma semaphore(%arg10 : memref<!tpu.dma_semaphore, #tpu.memory_space<semaphore_mem>>) src(%dma_wait3A_114 : memref<10000x8xf32, #tpu.memory_space<hbm>>) dst(%dma_wait3A_108 : memref<2560x8xf32, #tpu.memory_space<vmem>>)
    %dma_start3A_115 = arith.constant 0 : i32
    %dma_start3A_116 = arith.constant 0 : i32
    %dma_start3A_117 = arith.constant 1 : i32
    %dma_start3A_118 = arith.constant 0 : i32
    %dma_start3A_119 = arith.constant 0 : i32
    %dma_start3A_120 = tpu.memref_slice %arg7[%dma_start3A_115, %dma_start3A_118, %dma_start3A_119] : memref<2x2560x8xf32, #tpu.memory_space<vmem>> -> memref<1x2560x8xf32, #tpu.memory_space<vmem>>
    %dma_start3A_121 = tpu.memref_squeeze %dma_start3A_120 : memref<1x2560x8xf32, #tpu.memory_space<vmem>> -> memref<2560x8xf32, #tpu.memory_space<vmem>>
    %dma_start3A_122 = arith.constant 0 : i32
    %dma_start3A_123 = tpu.memref_slice %arg6[%dma_start3A_116, %dma_start3A_117, %dma_start3A_122] : memref<3x2x2560xi32, #tpu.memory_space<vmem>> -> memref<1x1x2560xi32, #tpu.memory_space<vmem>>
    %dma_start3A_124 = tpu.memref_squeeze %dma_start3A_123 : memref<1x1x2560xi32, #tpu.memory_space<vmem>> -> memref<2560xi32, #tpu.memory_space<vmem>>
    %dma_start3A_125 = arith.constant 0 : i32
    %dma_start3A_126 = arith.constant 0 : i32
    %dma_start3A_127 = tpu.memref_slice %arg8[%dma_start3A_125, %dma_start3A_126] : memref<10240x8xf32, #tpu.memory_space<vmem_shared>> -> memref<10240x8xf32, #tpu.memory_space<vmem_shared>>
    tpu.enqueue_indirect_dma source(%dma_start3A_121 : memref<2560x8xf32, #tpu.memory_space<vmem>>) target(%dma_start3A_127 : memref<10240x8xf32, #tpu.memory_space<vmem_shared>>) offsets(%dma_start3A_124 : memref<2560xi32, #tpu.memory_space<vmem>>) semaphore(%arg11 : memref<!tpu.dma_semaphore, #tpu.memory_space<semaphore_mem>>) {add = true}
    %dma_wait3A_128 = arith.constant 0 : i32
    %dma_wait3A_129 = arith.constant 1 : i32
    %dma_wait3A_130 = arith.constant 0 : i32
    %dma_wait3A_131 = arith.constant 0 : i32
    %dma_wait3A_132 = tpu.memref_slice %arg6[%dma_wait3A_129, %dma_wait3A_130, %dma_wait3A_131] : memref<3x2x2560xi32, #tpu.memory_space<vmem>> -> memref<1x1x2560xi32, #tpu.memory_space<vmem>>
    %dma_wait3A_133 = tpu.memref_squeeze %dma_wait3A_132 : memref<1x1x2560xi32, #tpu.memory_space<vmem>> -> memref<2560xi32, #tpu.memory_space<vmem>>
    %dma_wait3A_134 = tpu.memref_slice %arg3[%dma_wait3A_128, %add3A_60] : memref<2x320000xi32, #tpu.memory_space<hbm>> -> memref<1x2560xi32, #tpu.memory_space<hbm>>
    %dma_wait3A_135 = tpu.memref_squeeze %dma_wait3A_134 : memref<1x2560xi32, #tpu.memory_space<hbm>> -> memref<2560xi32, #tpu.memory_space<hbm>>
    %dma_wait3A_136 = arith.constant 0 : i32
    %dma_wait3A_137 = tpu.memref_slice %arg6[%dma_wait3A_129, %dma_wait3A_130, %dma_wait3A_136] : memref<3x2x2560xi32, #tpu.memory_space<vmem>> -> memref<1x1x2560xi32, #tpu.memory_space<vmem>>
    %dma_wait3A_138 = tpu.memref_squeeze %dma_wait3A_137 : memref<1x1x2560xi32, #tpu.memory_space<vmem>> -> memref<2560xi32, #tpu.memory_space<vmem>>
    %dma_wait3A_139 = tpu.memref_slice %arg3[%dma_wait3A_128, %add3A_60] : memref<2x320000xi32, #tpu.memory_space<hbm>> -> memref<1x2560xi32, #tpu.memory_space<hbm>>
    %dma_wait3A_140 = tpu.memref_squeeze %dma_wait3A_139 : memref<1x2560xi32, #tpu.memory_space<hbm>> -> memref<2560xi32, #tpu.memory_space<hbm>>
    tpu.wait_dma2 semaphore(%arg9 : memref<!tpu.dma_semaphore, #tpu.memory_space<semaphore_mem>>) src(%dma_wait3A_140 : memref<2560xi32, #tpu.memory_space<hbm>>) dst(%dma_wait3A_138 : memref<2560xi32, #tpu.memory_space<vmem>>)
    %dma_wait3A_141 = arith.constant 1 : i32
    %dma_wait3A_142 = arith.constant 1 : i32
    %dma_wait3A_143 = arith.constant 1 : i32
    %dma_wait3A_144 = arith.constant 0 : i32
    %dma_wait3A_145 = tpu.memref_slice %arg6[%dma_wait3A_142, %dma_wait3A_143, %dma_wait3A_144] : memref<3x2x2560xi32, #tpu.memory_space<vmem>> -> memref<1x1x2560xi32, #tpu.memory_space<vmem>>
    %dma_wait3A_146 = tpu.memref_squeeze %dma_wait3A_145 : memref<1x1x2560xi32, #tpu.memory_space<vmem>> -> memref<2560xi32, #tpu.memory_space<vmem>>
    %dma_wait3A_147 = tpu.memref_slice %arg3[%dma_wait3A_141, %add3A_75] : memref<2x320000xi32, #tpu.memory_space<hbm>> -> memref<1x2560xi32, #tpu.memory_space<hbm>>
    %dma_wait3A_148 = tpu.memref_squeeze %dma_wait3A_147 : memref<1x2560xi32, #tpu.memory_space<hbm>> -> memref<2560xi32, #tpu.memory_space<hbm>>
    %dma_wait3A_149 = arith.constant 0 : i32
    %dma_wait3A_150 = tpu.memref_slice %arg6[%dma_wait3A_142, %dma_wait3A_143, %dma_wait3A_149] : memref<3x2x2560xi32, #tpu.memory_space<vmem>> -> memref<1x1x2560xi32, #tpu.memory_space<vmem>>
    %dma_wait3A_151 = tpu.memref_squeeze %dma_wait3A_150 : memref<1x1x2560xi32, #tpu.memory_space<vmem>> -> memref<2560xi32, #tpu.memory_space<vmem>>
    %dma_wait3A_152 = tpu.memref_slice %arg3[%dma_wait3A_141, %add3A_75] : memref<2x320000xi32, #tpu.memory_space<hbm>> -> memref<1x2560xi32, #tpu.memory_space<hbm>>
    %dma_wait3A_153 = tpu.memref_squeeze %dma_wait3A_152 : memref<1x2560xi32, #tpu.memory_space<hbm>> -> memref<2560xi32, #tpu.memory_space<hbm>>
    tpu.wait_dma2 semaphore(%arg9 : memref<!tpu.dma_semaphore, #tpu.memory_space<semaphore_mem>>) src(%dma_wait3A_153 : memref<2560xi32, #tpu.memory_space<hbm>>) dst(%dma_wait3A_151 : memref<2560xi32, #tpu.memory_space<vmem>>)
    %add3A_154 = arith.constant 5120 : i32
    %add3A_155 = arith.addi %multiple_of3A, %add3A_154 : i32
    %dma_start3A_156 = arith.constant 0 : i32
    %dma_start3A_157 = arith.constant 2 : i32
    %dma_start3A_158 = arith.constant 0 : i32
    %dma_start3A_159 = arith.constant 0 : i32
    %dma_start3A_160 = tpu.memref_slice %arg6[%dma_start3A_157, %dma_start3A_158, %dma_start3A_159] : memref<3x2x2560xi32, #tpu.memory_space<vmem>> -> memref<1x1x2560xi32, #tpu.memory_space<vmem>>
    %dma_start3A_161 = tpu.memref_squeeze %dma_start3A_160 : memref<1x1x2560xi32, #tpu.memory_space<vmem>> -> memref<2560xi32, #tpu.memory_space<vmem>>
    %dma_start3A_162 = tpu.memref_slice %arg3[%dma_start3A_156, %add3A_155] : memref<2x320000xi32, #tpu.memory_space<hbm>> -> memref<1x2560xi32, #tpu.memory_space<hbm>>
    %dma_start3A_163 = tpu.memref_squeeze %dma_start3A_162 : memref<1x2560xi32, #tpu.memory_space<hbm>> -> memref<2560xi32, #tpu.memory_space<hbm>>
    %dma_start3A_164 = arith.constant 0 : i32
    %dma_start3A_165 = tpu.memref_slice %arg6[%dma_start3A_157, %dma_start3A_158, %dma_start3A_164] : memref<3x2x2560xi32, #tpu.memory_space<vmem>> -> memref<1x1x2560xi32, #tpu.memory_space<vmem>>
    %dma_start3A_166 = tpu.memref_squeeze %dma_start3A_165 : memref<1x1x2560xi32, #tpu.memory_space<vmem>> -> memref<2560xi32, #tpu.memory_space<vmem>>
    %dma_start3A_167 = tpu.memref_slice %arg3[%dma_start3A_156, %add3A_155] : memref<2x320000xi32, #tpu.memory_space<hbm>> -> memref<1x2560xi32, #tpu.memory_space<hbm>>
    %dma_start3A_168 = tpu.memref_squeeze %dma_start3A_167 : memref<1x2560xi32, #tpu.memory_space<hbm>> -> memref<2560xi32, #tpu.memory_space<hbm>>
    tpu.enqueue_dma source(%dma_start3A_168 : memref<2560xi32, #tpu.memory_space<hbm>>) target(%dma_start3A_166 : memref<2560xi32, #tpu.memory_space<vmem>>) target_semaphore(%arg9 : memref<!tpu.dma_semaphore, #tpu.memory_space<semaphore_mem>>)
    %add3A_169 = arith.constant 5120 : i32
    %add3A_170 = arith.addi %multiple_of3A, %add3A_169 : i32
    %dma_start3A_171 = arith.constant 1 : i32
    %dma_start3A_172 = arith.constant 2 : i32
    %dma_start3A_173 = arith.constant 1 : i32
    %dma_start3A_174 = arith.constant 0 : i32
    %dma_start3A_175 = tpu.memref_slice %arg6[%dma_start3A_172, %dma_start3A_173, %dma_start3A_174] : memref<3x2x2560xi32, #tpu.memory_space<vmem>> -> memref<1x1x2560xi32, #tpu.memory_space<vmem>>
    %dma_start3A_176 = tpu.memref_squeeze %dma_start3A_175 : memref<1x1x2560xi32, #tpu.memory_space<vmem>> -> memref<2560xi32, #tpu.memory_space<vmem>>
    %dma_start3A_177 = tpu.memref_slice %arg3[%dma_start3A_171, %add3A_170] : memref<2x320000xi32, #tpu.memory_space<hbm>> -> memref<1x2560xi32, #tpu.memory_space<hbm>>
    %dma_start3A_178 = tpu.memref_squeeze %dma_start3A_177 : memref<1x2560xi32, #tpu.memory_space<hbm>> -> memref<2560xi32, #tpu.memory_space<hbm>>
    %dma_start3A_179 = arith.constant 0 : i32
    %dma_start3A_180 = tpu.memref_slice %arg6[%dma_start3A_172, %dma_start3A_173, %dma_start3A_179] : memref<3x2x2560xi32, #tpu.memory_space<vmem>> -> memref<1x1x2560xi32, #tpu.memory_space<vmem>>
    %dma_start3A_181 = tpu.memref_squeeze %dma_start3A_180 : memref<1x1x2560xi32, #tpu.memory_space<vmem>> -> memref<2560xi32, #tpu.memory_space<vmem>>
    %dma_start3A_182 = tpu.memref_slice %arg3[%dma_start3A_171, %add3A_170] : memref<2x320000xi32, #tpu.memory_space<hbm>> -> memref<1x2560xi32, #tpu.memory_space<hbm>>
    %dma_start3A_183 = tpu.memref_squeeze %dma_start3A_182 : memref<1x2560xi32, #tpu.memory_space<hbm>> -> memref<2560xi32, #tpu.memory_space<hbm>>
    tpu.enqueue_dma source(%dma_start3A_183 : memref<2560xi32, #tpu.memory_space<hbm>>) target(%dma_start3A_181 : memref<2560xi32, #tpu.memory_space<vmem>>) target_semaphore(%arg9 : memref<!tpu.dma_semaphore, #tpu.memory_space<semaphore_mem>>)
    %dma_start3A_184 = arith.constant 1 : i32
    %dma_start3A_185 = arith.constant 0 : i32
    %dma_start3A_186 = arith.constant 1 : i32
    %dma_start3A_187 = arith.constant 0 : i32
    %dma_start3A_188 = arith.constant 0 : i32
    %dma_start3A_189 = tpu.memref_slice %arg7[%dma_start3A_186, %dma_start3A_187, %dma_start3A_188] : memref<2x2560x8xf32, #tpu.memory_space<vmem>> -> memref<1x2560x8xf32, #tpu.memory_space<vmem>>
    %dma_start3A_190 = tpu.memref_squeeze %dma_start3A_189 : memref<1x2560x8xf32, #tpu.memory_space<vmem>> -> memref<2560x8xf32, #tpu.memory_space<vmem>>
    %dma_start3A_191 = arith.constant 0 : i32
    %dma_start3A_192 = tpu.memref_slice %arg6[%dma_start3A_184, %dma_start3A_185, %dma_start3A_191] : memref<3x2x2560xi32, #tpu.memory_space<vmem>> -> memref<1x1x2560xi32, #tpu.memory_space<vmem>>
    %dma_start3A_193 = tpu.memref_squeeze %dma_start3A_192 : memref<1x1x2560xi32, #tpu.memory_space<vmem>> -> memref<2560xi32, #tpu.memory_space<vmem>>
    %dma_start3A_194 = arith.constant 0 : i32
    %dma_start3A_195 = arith.constant 0 : i32
    %dma_start3A_196 = tpu.memref_slice %arg2[%dma_start3A_194, %dma_start3A_195] : memref<10000x8xf32, #tpu.memory_space<hbm>> -> memref<10000x8xf32, #tpu.memory_space<hbm>>
    tpu.enqueue_indirect_dma source(%dma_start3A_196 : memref<10000x8xf32, #tpu.memory_space<hbm>>) target(%dma_start3A_190 : memref<2560x8xf32, #tpu.memory_space<vmem>>) offsets(%dma_start3A_193 : memref<2560xi32, #tpu.memory_space<vmem>>) semaphore(%arg10 : memref<!tpu.dma_semaphore, #tpu.memory_space<semaphore_mem>>)
    %dma_wait3A_197 = arith.constant 0 : i32
    %dma_wait3A_198 = arith.constant 0 : i32
    %dma_wait3A_199 = arith.constant 1 : i32
    %dma_wait3A_200 = arith.constant 0 : i32
    %dma_wait3A_201 = arith.constant 0 : i32
    %dma_wait3A_202 = tpu.memref_slice %arg7[%dma_wait3A_197, %dma_wait3A_200, %dma_wait3A_201] : memref<2x2560x8xf32, #tpu.memory_space<vmem>> -> memref<1x2560x8xf32, #tpu.memory_space<vmem>>
    %dma_wait3A_203 = tpu.memref_squeeze %dma_wait3A_202 : memref<1x2560x8xf32, #tpu.memory_space<vmem>> -> memref<2560x8xf32, #tpu.memory_space<vmem>>
    %dma_wait3A_204 = arith.constant 0 : i32
    %dma_wait3A_205 = tpu.memref_slice %arg6[%dma_wait3A_198, %dma_wait3A_199, %dma_wait3A_204] : memref<3x2x2560xi32, #tpu.memory_space<vmem>> -> memref<1x1x2560xi32, #tpu.memory_space<vmem>>
    %dma_wait3A_206 = tpu.memref_squeeze %dma_wait3A_205 : memref<1x1x2560xi32, #tpu.memory_space<vmem>> -> memref<2560xi32, #tpu.memory_space<vmem>>
    %dma_wait3A_207 = arith.constant 0 : i32
    %dma_wait3A_208 = arith.constant 0 : i32
    %dma_wait3A_209 = tpu.memref_slice %arg8[%dma_wait3A_207, %dma_wait3A_208] : memref<10240x8xf32, #tpu.memory_space<vmem_shared>> -> memref<10240x8xf32, #tpu.memory_space<vmem_shared>>
    tpu.wait_indirect_dma semaphore(%arg11 : memref<!tpu.dma_semaphore, #tpu.memory_space<semaphore_mem>>) src(%dma_wait3A_203 : memref<2560x8xf32, #tpu.memory_space<vmem>>) dst(%dma_wait3A_209 : memref<10240x8xf32, #tpu.memory_space<vmem_shared>>)
    %dma_wait3A_210 = arith.constant 1 : i32
    %dma_wait3A_211 = arith.constant 0 : i32
    %dma_wait3A_212 = arith.constant 1 : i32
    %dma_wait3A_213 = arith.constant 0 : i32
    %dma_wait3A_214 = arith.constant 0 : i32
    %dma_wait3A_215 = tpu.memref_slice %arg7[%dma_wait3A_212, %dma_wait3A_213, %dma_wait3A_214] : memref<2x2560x8xf32, #tpu.memory_space<vmem>> -> memref<1x2560x8xf32, #tpu.memory_space<vmem>>
    %dma_wait3A_216 = tpu.memref_squeeze %dma_wait3A_215 : memref<1x2560x8xf32, #tpu.memory_space<vmem>> -> memref<2560x8xf32, #tpu.memory_space<vmem>>
    %dma_wait3A_217 = arith.constant 0 : i32
    %dma_wait3A_218 = tpu.memref_slice %arg6[%dma_wait3A_210, %dma_wait3A_211, %dma_wait3A_217] : memref<3x2x2560xi32, #tpu.memory_space<vmem>> -> memref<1x1x2560xi32, #tpu.memory_space<vmem>>
    %dma_wait3A_219 = tpu.memref_squeeze %dma_wait3A_218 : memref<1x1x2560xi32, #tpu.memory_space<vmem>> -> memref<2560xi32, #tpu.memory_space<vmem>>
    %dma_wait3A_220 = arith.constant 0 : i32
    %dma_wait3A_221 = arith.constant 0 : i32
    %dma_wait3A_222 = tpu.memref_slice %arg2[%dma_wait3A_220, %dma_wait3A_221] : memref<10000x8xf32, #tpu.memory_space<hbm>> -> memref<10000x8xf32, #tpu.memory_space<hbm>>
    tpu.wait_indirect_dma semaphore(%arg10 : memref<!tpu.dma_semaphore, #tpu.memory_space<semaphore_mem>>) src(%dma_wait3A_222 : memref<10000x8xf32, #tpu.memory_space<hbm>>) dst(%dma_wait3A_216 : memref<2560x8xf32, #tpu.memory_space<vmem>>)
    %dma_start3A_223 = arith.constant 1 : i32
    %dma_start3A_224 = arith.constant 1 : i32
    %dma_start3A_225 = arith.constant 1 : i32
    %dma_start3A_226 = arith.constant 0 : i32
    %dma_start3A_227 = arith.constant 0 : i32
    %dma_start3A_228 = tpu.memref_slice %arg7[%dma_start3A_223, %dma_start3A_226, %dma_start3A_227] : memref<2x2560x8xf32, #tpu.memory_space<vmem>> -> memref<1x2560x8xf32, #tpu.memory_space<vmem>>
    %dma_start3A_229 = tpu.memref_squeeze %dma_start3A_228 : memref<1x2560x8xf32, #tpu.memory_space<vmem>> -> memref<2560x8xf32, #tpu.memory_space<vmem>>
    %dma_start3A_230 = arith.constant 0 : i32
    %dma_start3A_231 = tpu.memref_slice %arg6[%dma_start3A_224, %dma_start3A_225, %dma_start3A_230] : memref<3x2x2560xi32, #tpu.memory_space<vmem>> -> memref<1x1x2560xi32, #tpu.memory_space<vmem>>
    %dma_start3A_232 = tpu.memref_squeeze %dma_start3A_231 : memref<1x1x2560xi32, #tpu.memory_space<vmem>> -> memref<2560xi32, #tpu.memory_space<vmem>>
    %dma_start3A_233 = arith.constant 0 : i32
    %dma_start3A_234 = arith.constant 0 : i32
    %dma_start3A_235 = tpu.memref_slice %arg8[%dma_start3A_233, %dma_start3A_234] : memref<10240x8xf32, #tpu.memory_space<vmem_shared>> -> memref<10240x8xf32, #tpu.memory_space<vmem_shared>>
    tpu.enqueue_indirect_dma source(%dma_start3A_229 : memref<2560x8xf32, #tpu.memory_space<vmem>>) target(%dma_start3A_235 : memref<10240x8xf32, #tpu.memory_space<vmem_shared>>) offsets(%dma_start3A_232 : memref<2560xi32, #tpu.memory_space<vmem>>) semaphore(%arg11 : memref<!tpu.dma_semaphore, #tpu.memory_space<semaphore_mem>>) {add = true}
    %dma_wait3A_236 = arith.constant 0 : i32
    %dma_wait3A_237 = arith.constant 2 : i32
    %dma_wait3A_238 = arith.constant 0 : i32
    %dma_wait3A_239 = arith.constant 0 : i32
    %dma_wait3A_240 = tpu.memref_slice %arg6[%dma_wait3A_237, %dma_wait3A_238, %dma_wait3A_239] : memref<3x2x2560xi32, #tpu.memory_space<vmem>> -> memref<1x1x2560xi32, #tpu.memory_space<vmem>>
    %dma_wait3A_241 = tpu.memref_squeeze %dma_wait3A_240 : memref<1x1x2560xi32, #tpu.memory_space<vmem>> -> memref<2560xi32, #tpu.memory_space<vmem>>
    %dma_wait3A_242 = tpu.memref_slice %arg3[%dma_wait3A_236, %add3A_155] : memref<2x320000xi32, #tpu.memory_space<hbm>> -> memref<1x2560xi32, #tpu.memory_space<hbm>>
    %dma_wait3A_243 = tpu.memref_squeeze %dma_wait3A_242 : memref<1x2560xi32, #tpu.memory_space<hbm>> -> memref<2560xi32, #tpu.memory_space<hbm>>
    %dma_wait3A_244 = arith.constant 0 : i32
    %dma_wait3A_245 = tpu.memref_slice %arg6[%dma_wait3A_237, %dma_wait3A_238, %dma_wait3A_244] : memref<3x2x2560xi32, #tpu.memory_space<vmem>> -> memref<1x1x2560xi32, #tpu.memory_space<vmem>>
    %dma_wait3A_246 = tpu.memref_squeeze %dma_wait3A_245 : memref<1x1x2560xi32, #tpu.memory_space<vmem>> -> memref<2560xi32, #tpu.memory_space<vmem>>
    %dma_wait3A_247 = tpu.memref_slice %arg3[%dma_wait3A_236, %add3A_155] : memref<2x320000xi32, #tpu.memory_space<hbm>> -> memref<1x2560xi32, #tpu.memory_space<hbm>>
    %dma_wait3A_248 = tpu.memref_squeeze %dma_wait3A_247 : memref<1x2560xi32, #tpu.memory_space<hbm>> -> memref<2560xi32, #tpu.memory_space<hbm>>
    tpu.wait_dma2 semaphore(%arg9 : memref<!tpu.dma_semaphore, #tpu.memory_space<semaphore_mem>>) src(%dma_wait3A_248 : memref<2560xi32, #tpu.memory_space<hbm>>) dst(%dma_wait3A_246 : memref<2560xi32, #tpu.memory_space<vmem>>)
    %dma_wait3A_249 = arith.constant 1 : i32
    %dma_wait3A_250 = arith.constant 2 : i32
    %dma_wait3A_251 = arith.constant 1 : i32
    %dma_wait3A_252 = arith.constant 0 : i32
    %dma_wait3A_253 = tpu.memref_slice %arg6[%dma_wait3A_250, %dma_wait3A_251, %dma_wait3A_252] : memref<3x2x2560xi32, #tpu.memory_space<vmem>> -> memref<1x1x2560xi32, #tpu.memory_space<vmem>>
    %dma_wait3A_254 = tpu.memref_squeeze %dma_wait3A_253 : memref<1x1x2560xi32, #tpu.memory_space<vmem>> -> memref<2560xi32, #tpu.memory_space<vmem>>
    %dma_wait3A_255 = tpu.memref_slice %arg3[%dma_wait3A_249, %add3A_170] : memref<2x320000xi32, #tpu.memory_space<hbm>> -> memref<1x2560xi32, #tpu.memory_space<hbm>>
    %dma_wait3A_256 = tpu.memref_squeeze %dma_wait3A_255 : memref<1x2560xi32, #tpu.memory_space<hbm>> -> memref<2560xi32, #tpu.memory_space<hbm>>
    %dma_wait3A_257 = arith.constant 0 : i32
    %dma_wait3A_258 = tpu.memref_slice %arg6[%dma_wait3A_250, %dma_wait3A_251, %dma_wait3A_257] : memref<3x2x2560xi32, #tpu.memory_space<vmem>> -> memref<1x1x2560xi32, #tpu.memory_space<vmem>>
    %dma_wait3A_259 = tpu.memref_squeeze %dma_wait3A_258 : memref<1x1x2560xi32, #tpu.memory_space<vmem>> -> memref<2560xi32, #tpu.memory_space<vmem>>
    %dma_wait3A_260 = tpu.memref_slice %arg3[%dma_wait3A_249, %add3A_170] : memref<2x320000xi32, #tpu.memory_space<hbm>> -> memref<1x2560xi32, #tpu.memory_space<hbm>>
    %dma_wait3A_261 = tpu.memref_squeeze %dma_wait3A_260 : memref<1x2560xi32, #tpu.memory_space<hbm>> -> memref<2560xi32, #tpu.memory_space<hbm>>
    tpu.wait_dma2 semaphore(%arg9 : memref<!tpu.dma_semaphore, #tpu.memory_space<semaphore_mem>>) src(%dma_wait3A_261 : memref<2560xi32, #tpu.memory_space<hbm>>) dst(%dma_wait3A_259 : memref<2560xi32, #tpu.memory_space<vmem>>)
    %add3A_262 = arith.constant 7680 : i32
    %add3A_263 = arith.addi %multiple_of3A, %add3A_262 : i32
    %dma_start3A_264 = arith.constant 0 : i32
    %dma_start3A_265 = arith.constant 0 : i32
    %dma_start3A_266 = arith.constant 0 : i32
    %dma_start3A_267 = arith.constant 0 : i32
    %dma_start3A_268 = tpu.memref_slice %arg6[%dma_start3A_265, %dma_start3A_266, %dma_start3A_267] : memref<3x2x2560xi32, #tpu.memory_space<vmem>> -> memref<1x1x2320xi32, #tpu.memory_space<vmem>>
    %dma_start3A_269 = tpu.memref_squeeze %dma_start3A_268 : memref<1x1x2320xi32, #tpu.memory_space<vmem>> -> memref<2320xi32, #tpu.memory_space<vmem>>
    %dma_start3A_270 = tpu.memref_slice %arg3[%dma_start3A_264, %add3A_263] : memref<2x320000xi32, #tpu.memory_space<hbm>> -> memref<1x2320xi32, #tpu.memory_space<hbm>>
    %dma_start3A_271 = tpu.memref_squeeze %dma_start3A_270 : memref<1x2320xi32, #tpu.memory_space<hbm>> -> memref<2320xi32, #tpu.memory_space<hbm>>
    %dma_start3A_272 = arith.constant 0 : i32
    %dma_start3A_273 = tpu.memref_slice %arg6[%dma_start3A_265, %dma_start3A_266, %dma_start3A_272] : memref<3x2x2560xi32, #tpu.memory_space<vmem>> -> memref<1x1x2320xi32, #tpu.memory_space<vmem>>
    %dma_start3A_274 = tpu.memref_squeeze %dma_start3A_273 : memref<1x1x2320xi32, #tpu.memory_space<vmem>> -> memref<2320xi32, #tpu.memory_space<vmem>>
    %dma_start3A_275 = tpu.memref_slice %arg3[%dma_start3A_264, %add3A_263] : memref<2x320000xi32, #tpu.memory_space<hbm>> -> memref<1x2320xi32, #tpu.memory_space<hbm>>
    %dma_start3A_276 = tpu.memref_squeeze %dma_start3A_275 : memref<1x2320xi32, #tpu.memory_space<hbm>> -> memref<2320xi32, #tpu.memory_space<hbm>>
    tpu.enqueue_dma source(%dma_start3A_276 : memref<2320xi32, #tpu.memory_space<hbm>>) target(%dma_start3A_274 : memref<2320xi32, #tpu.memory_space<vmem>>) target_semaphore(%arg9 : memref<!tpu.dma_semaphore, #tpu.memory_space<semaphore_mem>>)
    %add3A_277 = arith.constant 7680 : i32
    %add3A_278 = arith.addi %multiple_of3A, %add3A_277 : i32
    %dma_start3A_279 = arith.constant 1 : i32
    %dma_start3A_280 = arith.constant 0 : i32
    %dma_start3A_281 = arith.constant 1 : i32
    %dma_start3A_282 = arith.constant 0 : i32
    %dma_start3A_283 = tpu.memref_slice %arg6[%dma_start3A_280, %dma_start3A_281, %dma_start3A_282] : memref<3x2x2560xi32, #tpu.memory_space<vmem>> -> memref<1x1x2320xi32, #tpu.memory_space<vmem>>
    %dma_start3A_284 = tpu.memref_squeeze %dma_start3A_283 : memref<1x1x2320xi32, #tpu.memory_space<vmem>> -> memref<2320xi32, #tpu.memory_space<vmem>>
    %dma_start3A_285 = tpu.memref_slice %arg3[%dma_start3A_279, %add3A_278] : memref<2x320000xi32, #tpu.memory_space<hbm>> -> memref<1x2320xi32, #tpu.memory_space<hbm>>
    %dma_start3A_286 = tpu.memref_squeeze %dma_start3A_285 : memref<1x2320xi32, #tpu.memory_space<hbm>> -> memref<2320xi32, #tpu.memory_space<hbm>>
    %dma_start3A_287 = arith.constant 0 : i32
    %dma_start3A_288 = tpu.memref_slice %arg6[%dma_start3A_280, %dma_start3A_281, %dma_start3A_287] : memref<3x2x2560xi32, #tpu.memory_space<vmem>> -> memref<1x1x2320xi32, #tpu.memory_space<vmem>>
    %dma_start3A_289 = tpu.memref_squeeze %dma_start3A_288 : memref<1x1x2320xi32, #tpu.memory_space<vmem>> -> memref<2320xi32, #tpu.memory_space<vmem>>
    %dma_start3A_290 = tpu.memref_slice %arg3[%dma_start3A_279, %add3A_278] : memref<2x320000xi32, #tpu.memory_space<hbm>> -> memref<1x2320xi32, #tpu.memory_space<hbm>>
    %dma_start3A_291 = tpu.memref_squeeze %dma_start3A_290 : memref<1x2320xi32, #tpu.memory_space<hbm>> -> memref<2320xi32, #tpu.memory_space<hbm>>
    tpu.enqueue_dma source(%dma_start3A_291 : memref<2320xi32, #tpu.memory_space<hbm>>) target(%dma_start3A_289 : memref<2320xi32, #tpu.memory_space<vmem>>) target_semaphore(%arg9 : memref<!tpu.dma_semaphore, #tpu.memory_space<semaphore_mem>>)
    %dma_start3A_292 = arith.constant 2 : i32
    %dma_start3A_293 = arith.constant 0 : i32
    %dma_start3A_294 = arith.constant 0 : i32
    %dma_start3A_295 = arith.constant 0 : i32
    %dma_start3A_296 = arith.constant 0 : i32
    %dma_start3A_297 = tpu.memref_slice %arg7[%dma_start3A_294, %dma_start3A_295, %dma_start3A_296] : memref<2x2560x8xf32, #tpu.memory_space<vmem>> -> memref<1x2560x8xf32, #tpu.memory_space<vmem>>
    %dma_start3A_298 = tpu.memref_squeeze %dma_start3A_297 : memref<1x2560x8xf32, #tpu.memory_space<vmem>> -> memref<2560x8xf32, #tpu.memory_space<vmem>>
    %dma_start3A_299 = arith.constant 0 : i32
    %dma_start3A_300 = tpu.memref_slice %arg6[%dma_start3A_292, %dma_start3A_293, %dma_start3A_299] : memref<3x2x2560xi32, #tpu.memory_space<vmem>> -> memref<1x1x2560xi32, #tpu.memory_space<vmem>>
    %dma_start3A_301 = tpu.memref_squeeze %dma_start3A_300 : memref<1x1x2560xi32, #tpu.memory_space<vmem>> -> memref<2560xi32, #tpu.memory_space<vmem>>
    %dma_start3A_302 = arith.constant 0 : i32
    %dma_start3A_303 = arith.constant 0 : i32
    %dma_start3A_304 = tpu.memref_slice %arg2[%dma_start3A_302, %dma_start3A_303] : memref<10000x8xf32, #tpu.memory_space<hbm>> -> memref<10000x8xf32, #tpu.memory_space<hbm>>
    tpu.enqueue_indirect_dma source(%dma_start3A_304 : memref<10000x8xf32, #tpu.memory_space<hbm>>) target(%dma_start3A_298 : memref<2560x8xf32, #tpu.memory_space<vmem>>) offsets(%dma_start3A_301 : memref<2560xi32, #tpu.memory_space<vmem>>) semaphore(%arg10 : memref<!tpu.dma_semaphore, #tpu.memory_space<semaphore_mem>>)
    %dma_wait3A_305 = arith.constant 1 : i32
    %dma_wait3A_306 = arith.constant 1 : i32
    %dma_wait3A_307 = arith.constant 1 : i32
    %dma_wait3A_308 = arith.constant 0 : i32
    %dma_wait3A_309 = arith.constant 0 : i32
    %dma_wait3A_310 = tpu.memref_slice %arg7[%dma_wait3A_305, %dma_wait3A_308, %dma_wait3A_309] : memref<2x2560x8xf32, #tpu.memory_space<vmem>> -> memref<1x2560x8xf32, #tpu.memory_space<vmem>>
    %dma_wait3A_311 = tpu.memref_squeeze %dma_wait3A_310 : memref<1x2560x8xf32, #tpu.memory_space<vmem>> -> memref<2560x8xf32, #tpu.memory_space<vmem>>
    %dma_wait3A_312 = arith.constant 0 : i32
    %dma_wait3A_313 = tpu.memref_slice %arg6[%dma_wait3A_306, %dma_wait3A_307, %dma_wait3A_312] : memref<3x2x2560xi32, #tpu.memory_space<vmem>> -> memref<1x1x2560xi32, #tpu.memory_space<vmem>>
    %dma_wait3A_314 = tpu.memref_squeeze %dma_wait3A_313 : memref<1x1x2560xi32, #tpu.memory_space<vmem>> -> memref<2560xi32, #tpu.memory_space<vmem>>
    %dma_wait3A_315 = arith.constant 0 : i32
    %dma_wait3A_316 = arith.constant 0 : i32
    %dma_wait3A_317 = tpu.memref_slice %arg8[%dma_wait3A_315, %dma_wait3A_316] : memref<10240x8xf32, #tpu.memory_space<vmem_shared>> -> memref<10240x8xf32, #tpu.memory_space<vmem_shared>>
    tpu.wait_indirect_dma semaphore(%arg11 : memref<!tpu.dma_semaphore, #tpu.memory_space<semaphore_mem>>) src(%dma_wait3A_311 : memref<2560x8xf32, #tpu.memory_space<vmem>>) dst(%dma_wait3A_317 : memref<10240x8xf32, #tpu.memory_space<vmem_shared>>)
    %dma_wait3A_318 = arith.constant 2 : i32
    %dma_wait3A_319 = arith.constant 0 : i32
    %dma_wait3A_320 = arith.constant 0 : i32
    %dma_wait3A_321 = arith.constant 0 : i32
    %dma_wait3A_322 = arith.constant 0 : i32
    %dma_wait3A_323 = tpu.memref_slice %arg7[%dma_wait3A_320, %dma_wait3A_321, %dma_wait3A_322] : memref<2x2560x8xf32, #tpu.memory_space<vmem>> -> memref<1x2560x8xf32, #tpu.memory_space<vmem>>
    %dma_wait3A_324 = tpu.memref_squeeze %dma_wait3A_323 : memref<1x2560x8xf32, #tpu.memory_space<vmem>> -> memref<2560x8xf32, #tpu.memory_space<vmem>>
    %dma_wait3A_325 = arith.constant 0 : i32
    %dma_wait3A_326 = tpu.memref_slice %arg6[%dma_wait3A_318, %dma_wait3A_319, %dma_wait3A_325] : memref<3x2x2560xi32, #tpu.memory_space<vmem>> -> memref<1x1x2560xi32, #tpu.memory_space<vmem>>
    %dma_wait3A_327 = tpu.memref_squeeze %dma_wait3A_326 : memref<1x1x2560xi32, #tpu.memory_space<vmem>> -> memref<2560xi32, #tpu.memory_space<vmem>>
    %dma_wait3A_328 = arith.constant 0 : i32
    %dma_wait3A_329 = arith.constant 0 : i32
    %dma_wait3A_330 = tpu.memref_slice %arg2[%dma_wait3A_328, %dma_wait3A_329] : memref<10000x8xf32, #tpu.memory_space<hbm>> -> memref<10000x8xf32, #tpu.memory_space<hbm>>
    tpu.wait_indirect_dma semaphore(%arg10 : memref<!tpu.dma_semaphore, #tpu.memory_space<semaphore_mem>>) src(%dma_wait3A_330 : memref<10000x8xf32, #tpu.memory_space<hbm>>) dst(%dma_wait3A_324 : memref<2560x8xf32, #tpu.memory_space<vmem>>)
    %dma_start3A_331 = arith.constant 0 : i32
    %dma_start3A_332 = arith.constant 2 : i32
    %dma_start3A_333 = arith.constant 1 : i32
    %dma_start3A_334 = arith.constant 0 : i32
    %dma_start3A_335 = arith.constant 0 : i32
    %dma_start3A_336 = tpu.memref_slice %arg7[%dma_start3A_331, %dma_start3A_334, %dma_start3A_335] : memref<2x2560x8xf32, #tpu.memory_space<vmem>> -> memref<1x2560x8xf32, #tpu.memory_space<vmem>>
    %dma_start3A_337 = tpu.memref_squeeze %dma_start3A_336 : memref<1x2560x8xf32, #tpu.memory_space<vmem>> -> memref<2560x8xf32, #tpu.memory_space<vmem>>
    %dma_start3A_338 = arith.constant 0 : i32
    %dma_start3A_339 = tpu.memref_slice %arg6[%dma_start3A_332, %dma_start3A_333, %dma_start3A_338] : memref<3x2x2560xi32, #tpu.memory_space<vmem>> -> memref<1x1x2560xi32, #tpu.memory_space<vmem>>
    %dma_start3A_340 = tpu.memref_squeeze %dma_start3A_339 : memref<1x1x2560xi32, #tpu.memory_space<vmem>> -> memref<2560xi32, #tpu.memory_space<vmem>>
    %dma_start3A_341 = arith.constant 0 : i32
    %dma_start3A_342 = arith.constant 0 : i32
    %dma_start3A_343 = tpu.memref_slice %arg8[%dma_start3A_341, %dma_start3A_342] : memref<10240x8xf32, #tpu.memory_space<vmem_shared>> -> memref<10240x8xf32, #tpu.memory_space<vmem_shared>>
    tpu.enqueue_indirect_dma source(%dma_start3A_337 : memref<2560x8xf32, #tpu.memory_space<vmem>>) target(%dma_start3A_343 : memref<10240x8xf32, #tpu.memory_space<vmem_shared>>) offsets(%dma_start3A_340 : memref<2560xi32, #tpu.memory_space<vmem>>) semaphore(%arg11 : memref<!tpu.dma_semaphore, #tpu.memory_space<semaphore_mem>>) {add = true}
    %dma_wait3A_344 = arith.constant 0 : i32
    %dma_wait3A_345 = arith.constant 0 : i32
    %dma_wait3A_346 = arith.constant 0 : i32
    %dma_wait3A_347 = arith.constant 0 : i32
    %dma_wait3A_348 = tpu.memref_slice %arg6[%dma_wait3A_345, %dma_wait3A_346, %dma_wait3A_347] : memref<3x2x2560xi32, #tpu.memory_space<vmem>> -> memref<1x1x2320xi32, #tpu.memory_space<vmem>>
    %dma_wait3A_349 = tpu.memref_squeeze %dma_wait3A_348 : memref<1x1x2320xi32, #tpu.memory_space<vmem>> -> memref<2320xi32, #tpu.memory_space<vmem>>
    %dma_wait3A_350 = tpu.memref_slice %arg3[%dma_wait3A_344, %add3A_263] : memref<2x320000xi32, #tpu.memory_space<hbm>> -> memref<1x2320xi32, #tpu.memory_space<hbm>>
    %dma_wait3A_351 = tpu.memref_squeeze %dma_wait3A_350 : memref<1x2320xi32, #tpu.memory_space<hbm>> -> memref<2320xi32, #tpu.memory_space<hbm>>
    %dma_wait3A_352 = arith.constant 0 : i32
    %dma_wait3A_353 = tpu.memref_slice %arg6[%dma_wait3A_345, %dma_wait3A_346, %dma_wait3A_352] : memref<3x2x2560xi32, #tpu.memory_space<vmem>> -> memref<1x1x2320xi32, #tpu.memory_space<vmem>>
    %dma_wait3A_354 = tpu.memref_squeeze %dma_wait3A_353 : memref<1x1x2320xi32, #tpu.memory_space<vmem>> -> memref<2320xi32, #tpu.memory_space<vmem>>
    %dma_wait3A_355 = tpu.memref_slice %arg3[%dma_wait3A_344, %add3A_263] : memref<2x320000xi32, #tpu.memory_space<hbm>> -> memref<1x2320xi32, #tpu.memory_space<hbm>>
    %dma_wait3A_356 = tpu.memref_squeeze %dma_wait3A_355 : memref<1x2320xi32, #tpu.memory_space<hbm>> -> memref<2320xi32, #tpu.memory_space<hbm>>
    tpu.wait_dma2 semaphore(%arg9 : memref<!tpu.dma_semaphore, #tpu.memory_space<semaphore_mem>>) src(%dma_wait3A_356 : memref<2320xi32, #tpu.memory_space<hbm>>) dst(%dma_wait3A_354 : memref<2320xi32, #tpu.memory_space<vmem>>)
    %dma_wait3A_357 = arith.constant 1 : i32
    %dma_wait3A_358 = arith.constant 0 : i32
    %dma_wait3A_359 = arith.constant 1 : i32
    %dma_wait3A_360 = arith.constant 0 : i32
    %dma_wait3A_361 = tpu.memref_slice %arg6[%dma_wait3A_358, %dma_wait3A_359, %dma_wait3A_360] : memref<3x2x2560xi32, #tpu.memory_space<vmem>> -> memref<1x1x2320xi32, #tpu.memory_space<vmem>>
    %dma_wait3A_362 = tpu.memref_squeeze %dma_wait3A_361 : memref<1x1x2320xi32, #tpu.memory_space<vmem>> -> memref<2320xi32, #tpu.memory_space<vmem>>
    %dma_wait3A_363 = tpu.memref_slice %arg3[%dma_wait3A_357, %add3A_278] : memref<2x320000xi32, #tpu.memory_space<hbm>> -> memref<1x2320xi32, #tpu.memory_space<hbm>>
    %dma_wait3A_364 = tpu.memref_squeeze %dma_wait3A_363 : memref<1x2320xi32, #tpu.memory_space<hbm>> -> memref<2320xi32, #tpu.memory_space<hbm>>
    %dma_wait3A_365 = arith.constant 0 : i32
    %dma_wait3A_366 = tpu.memref_slice %arg6[%dma_wait3A_358, %dma_wait3A_359, %dma_wait3A_365] : memref<3x2x2560xi32, #tpu.memory_space<vmem>> -> memref<1x1x2320xi32, #tpu.memory_space<vmem>>
    %dma_wait3A_367 = tpu.memref_squeeze %dma_wait3A_366 : memref<1x1x2320xi32, #tpu.memory_space<vmem>> -> memref<2320xi32, #tpu.memory_space<vmem>>
    %dma_wait3A_368 = tpu.memref_slice %arg3[%dma_wait3A_357, %add3A_278] : memref<2x320000xi32, #tpu.memory_space<hbm>> -> memref<1x2320xi32, #tpu.memory_space<hbm>>
    %dma_wait3A_369 = tpu.memref_squeeze %dma_wait3A_368 : memref<1x2320xi32, #tpu.memory_space<hbm>> -> memref<2320xi32, #tpu.memory_space<hbm>>
    tpu.wait_dma2 semaphore(%arg9 : memref<!tpu.dma_semaphore, #tpu.memory_space<semaphore_mem>>) src(%dma_wait3A_369 : memref<2320xi32, #tpu.memory_space<hbm>>) dst(%dma_wait3A_367 : memref<2320xi32, #tpu.memory_space<vmem>>)
    %dma_start3A_370 = arith.constant 0 : i32
    %dma_start3A_371 = arith.constant 0 : i32
    %dma_start3A_372 = arith.constant 1 : i32
    %dma_start3A_373 = arith.constant 0 : i32
    %dma_start3A_374 = arith.constant 0 : i32
    %dma_start3A_375 = tpu.memref_slice %arg7[%dma_start3A_372, %dma_start3A_373, %dma_start3A_374] : memref<2x2560x8xf32, #tpu.memory_space<vmem>> -> memref<1x2320x8xf32, #tpu.memory_space<vmem>>
    %dma_start3A_376 = tpu.memref_squeeze %dma_start3A_375 : memref<1x2320x8xf32, #tpu.memory_space<vmem>> -> memref<2320x8xf32, #tpu.memory_space<vmem>>
    %dma_start3A_377 = arith.constant 0 : i32
    %dma_start3A_378 = tpu.memref_slice %arg6[%dma_start3A_370, %dma_start3A_371, %dma_start3A_377] : memref<3x2x2560xi32, #tpu.memory_space<vmem>> -> memref<1x1x2320xi32, #tpu.memory_space<vmem>>
    %dma_start3A_379 = tpu.memref_squeeze %dma_start3A_378 : memref<1x1x2320xi32, #tpu.memory_space<vmem>> -> memref<2320xi32, #tpu.memory_space<vmem>>
    %dma_start3A_380 = arith.constant 0 : i32
    %dma_start3A_381 = arith.constant 0 : i32
    %dma_start3A_382 = tpu.memref_slice %arg2[%dma_start3A_380, %dma_start3A_381] : memref<10000x8xf32, #tpu.memory_space<hbm>> -> memref<10000x8xf32, #tpu.memory_space<hbm>>
    tpu.enqueue_indirect_dma source(%dma_start3A_382 : memref<10000x8xf32, #tpu.memory_space<hbm>>) target(%dma_start3A_376 : memref<2320x8xf32, #tpu.memory_space<vmem>>) offsets(%dma_start3A_379 : memref<2320xi32, #tpu.memory_space<vmem>>) semaphore(%arg10 : memref<!tpu.dma_semaphore, #tpu.memory_space<semaphore_mem>>)
    %dma_wait3A_383 = arith.constant 0 : i32
    %dma_wait3A_384 = arith.constant 2 : i32
    %dma_wait3A_385 = arith.constant 1 : i32
    %dma_wait3A_386 = arith.constant 0 : i32
    %dma_wait3A_387 = arith.constant 0 : i32
    %dma_wait3A_388 = tpu.memref_slice %arg7[%dma_wait3A_383, %dma_wait3A_386, %dma_wait3A_387] : memref<2x2560x8xf32, #tpu.memory_space<vmem>> -> memref<1x2560x8xf32, #tpu.memory_space<vmem>>
    %dma_wait3A_389 = tpu.memref_squeeze %dma_wait3A_388 : memref<1x2560x8xf32, #tpu.memory_space<vmem>> -> memref<2560x8xf32, #tpu.memory_space<vmem>>
    %dma_wait3A_390 = arith.constant 0 : i32
    %dma_wait3A_391 = tpu.memref_slice %arg6[%dma_wait3A_384, %dma_wait3A_385, %dma_wait3A_390] : memref<3x2x2560xi32, #tpu.memory_space<vmem>> -> memref<1x1x2560xi32, #tpu.memory_space<vmem>>
    %dma_wait3A_392 = tpu.memref_squeeze %dma_wait3A_391 : memref<1x1x2560xi32, #tpu.memory_space<vmem>> -> memref<2560xi32, #tpu.memory_space<vmem>>
    %dma_wait3A_393 = arith.constant 0 : i32
    %dma_wait3A_394 = arith.constant 0 : i32
    %dma_wait3A_395 = tpu.memref_slice %arg8[%dma_wait3A_393, %dma_wait3A_394] : memref<10240x8xf32, #tpu.memory_space<vmem_shared>> -> memref<10240x8xf32, #tpu.memory_space<vmem_shared>>
    tpu.wait_indirect_dma semaphore(%arg11 : memref<!tpu.dma_semaphore, #tpu.memory_space<semaphore_mem>>) src(%dma_wait3A_389 : memref<2560x8xf32, #tpu.memory_space<vmem>>) dst(%dma_wait3A_395 : memref<10240x8xf32, #tpu.memory_space<vmem_shared>>)
    %dma_wait3A_396 = arith.constant 0 : i32
    %dma_wait3A_397 = arith.constant 0 : i32
    %dma_wait3A_398 = arith.constant 1 : i32
    %dma_wait3A_399 = arith.constant 0 : i32
    %dma_wait3A_400 = arith.constant 0 : i32
    %dma_wait3A_401 = tpu.memref_slice %arg7[%dma_wait3A_398, %dma_wait3A_399, %dma_wait3A_400] : memref<2x2560x8xf32, #tpu.memory_space<vmem>> -> memref<1x2320x8xf32, #tpu.memory_space<vmem>>
    %dma_wait3A_402 = tpu.memref_squeeze %dma_wait3A_401 : memref<1x2320x8xf32, #tpu.memory_space<vmem>> -> memref<2320x8xf32, #tpu.memory_space<vmem>>
    %dma_wait3A_403 = arith.constant 0 : i32
    %dma_wait3A_404 = tpu.memref_slice %arg6[%dma_wait3A_396, %dma_wait3A_397, %dma_wait3A_403] : memref<3x2x2560xi32, #tpu.memory_space<vmem>> -> memref<1x1x2320xi32, #tpu.memory_space<vmem>>
    %dma_wait3A_405 = tpu.memref_squeeze %dma_wait3A_404 : memref<1x1x2320xi32, #tpu.memory_space<vmem>> -> memref<2320xi32, #tpu.memory_space<vmem>>
    %dma_wait3A_406 = arith.constant 0 : i32
    %dma_wait3A_407 = arith.constant 0 : i32
    %dma_wait3A_408 = tpu.memref_slice %arg2[%dma_wait3A_406, %dma_wait3A_407] : memref<10000x8xf32, #tpu.memory_space<hbm>> -> memref<10000x8xf32, #tpu.memory_space<hbm>>
    tpu.wait_indirect_dma semaphore(%arg10 : memref<!tpu.dma_semaphore, #tpu.memory_space<semaphore_mem>>) src(%dma_wait3A_408 : memref<10000x8xf32, #tpu.memory_space<hbm>>) dst(%dma_wait3A_402 : memref<2320x8xf32, #tpu.memory_space<vmem>>)
    %dma_start3A_409 = arith.constant 1 : i32
    %dma_start3A_410 = arith.constant 0 : i32
    %dma_start3A_411 = arith.constant 1 : i32
    %dma_start3A_412 = arith.constant 0 : i32
    %dma_start3A_413 = arith.constant 0 : i32
    %dma_start3A_414 = tpu.memref_slice %arg7[%dma_start3A_409, %dma_start3A_412, %dma_start3A_413] : memref<2x2560x8xf32, #tpu.memory_space<vmem>> -> memref<1x2320x8xf32, #tpu.memory_space<vmem>>
    %dma_start3A_415 = tpu.memref_squeeze %dma_start3A_414 : memref<1x2320x8xf32, #tpu.memory_space<vmem>> -> memref<2320x8xf32, #tpu.memory_space<vmem>>
    %dma_start3A_416 = arith.constant 0 : i32
    %dma_start3A_417 = tpu.memref_slice %arg6[%dma_start3A_410, %dma_start3A_411, %dma_start3A_416] : memref<3x2x2560xi32, #tpu.memory_space<vmem>> -> memref<1x1x2320xi32, #tpu.memory_space<vmem>>
    %dma_start3A_418 = tpu.memref_squeeze %dma_start3A_417 : memref<1x1x2320xi32, #tpu.memory_space<vmem>> -> memref<2320xi32, #tpu.memory_space<vmem>>
    %dma_start3A_419 = arith.constant 0 : i32
    %dma_start3A_420 = arith.constant 0 : i32
    %dma_start3A_421 = tpu.memref_slice %arg8[%dma_start3A_419, %dma_start3A_420] : memref<10240x8xf32, #tpu.memory_space<vmem_shared>> -> memref<10240x8xf32, #tpu.memory_space<vmem_shared>>
    tpu.enqueue_indirect_dma source(%dma_start3A_415 : memref<2320x8xf32, #tpu.memory_space<vmem>>) target(%dma_start3A_421 : memref<10240x8xf32, #tpu.memory_space<vmem_shared>>) offsets(%dma_start3A_418 : memref<2320xi32, #tpu.memory_space<vmem>>) semaphore(%arg11 : memref<!tpu.dma_semaphore, #tpu.memory_space<semaphore_mem>>) {add = true}
    %dma_wait3A_422 = arith.constant 1 : i32
    %dma_wait3A_423 = arith.constant 0 : i32
    %dma_wait3A_424 = arith.constant 1 : i32
    %dma_wait3A_425 = arith.constant 0 : i32
    %dma_wait3A_426 = arith.constant 0 : i32
    %dma_wait3A_427 = tpu.memref_slice %arg7[%dma_wait3A_422, %dma_wait3A_425, %dma_wait3A_426] : memref<2x2560x8xf32, #tpu.memory_space<vmem>> -> memref<1x2320x8xf32, #tpu.memory_space<vmem>>
    %dma_wait3A_428 = tpu.memref_squeeze %dma_wait3A_427 : memref<1x2320x8xf32, #tpu.memory_space<vmem>> -> memref<2320x8xf32, #tpu.memory_space<vmem>>
    %dma_wait3A_429 = arith.constant 0 : i32
    %dma_wait3A_430 = tpu.memref_slice %arg6[%dma_wait3A_423, %dma_wait3A_424, %dma_wait3A_429] : memref<3x2x2560xi32, #tpu.memory_space<vmem>> -> memref<1x1x2320xi32, #tpu.memory_space<vmem>>
    %dma_wait3A_431 = tpu.memref_squeeze %dma_wait3A_430 : memref<1x1x2320xi32, #tpu.memory_space<vmem>> -> memref<2320xi32, #tpu.memory_space<vmem>>
    %dma_wait3A_432 = arith.constant 0 : i32
    %dma_wait3A_433 = arith.constant 0 : i32
    %dma_wait3A_434 = tpu.memref_slice %arg8[%dma_wait3A_432, %dma_wait3A_433] : memref<10240x8xf32, #tpu.memory_space<vmem_shared>> -> memref<10240x8xf32, #tpu.memory_space<vmem_shared>>
    tpu.wait_indirect_dma semaphore(%arg11 : memref<!tpu.dma_semaphore, #tpu.memory_space<semaphore_mem>>) src(%dma_wait3A_428 : memref<2320x8xf32, #tpu.memory_space<vmem>>) dst(%dma_wait3A_434 : memref<10240x8xf32, #tpu.memory_space<vmem_shared>>)
    %barrier3A_435 = arith.constant 0 : index
    tpu.barrier barrier_id(%barrier3A_435)
    %mul3A_436 = arith.constant 640 : i32
    %mul3A_437 = arith.muli %arg1, %mul3A_436 : i32
    %mul3A_438 = arith.constant 640 : i32
    %mul3A_439 = arith.muli %arg1, %mul3A_438 : i32
    "tpu.region"() ({
      %run_scoped3A = tpu.sem_alloc : memref<!tpu.dma_semaphore, #tpu.memory_space<semaphore_mem>>
      %dma_start3A_440 = arith.constant 0 : i32
      %dma_start3A_441 = tpu.memref_slice %arg5[%arg0, %mul3A_439, %dma_start3A_440] : memref<2x10240x8xf32, #tpu.memory_space<hbm>> -> memref<1x640x8xf32, #tpu.memory_space<hbm>>
      %dma_start3A_442 = tpu.memref_squeeze %dma_start3A_441 : memref<1x640x8xf32, #tpu.memory_space<hbm>> -> memref<640x8xf32, #tpu.memory_space<hbm>>
      %dma_start3A_443 = arith.constant 0 : i32
      %dma_start3A_444 = tpu.memref_slice %arg8[%mul3A_437, %dma_start3A_443] : memref<10240x8xf32, #tpu.memory_space<vmem_shared>> -> memref<640x8xf32, #tpu.memory_space<vmem_shared>>
      tpu.enqueue_dma source(%dma_start3A_444 : memref<640x8xf32, #tpu.memory_space<vmem_shared>>) target(%dma_start3A_442 : memref<640x8xf32, #tpu.memory_space<hbm>>) target_semaphore(%run_scoped3A : memref<!tpu.dma_semaphore, #tpu.memory_space<semaphore_mem>>)
      %dma_wait3A_445 = arith.constant 0 : i32
      %dma_wait3A_446 = tpu.memref_slice %arg5[%arg0, %mul3A_439, %dma_wait3A_445] : memref<2x10240x8xf32, #tpu.memory_space<hbm>> -> memref<1x640x8xf32, #tpu.memory_space<hbm>>
      %dma_wait3A_447 = tpu.memref_squeeze %dma_wait3A_446 : memref<1x640x8xf32, #tpu.memory_space<hbm>> -> memref<640x8xf32, #tpu.memory_space<hbm>>
      %dma_wait3A_448 = arith.constant 0 : i32
      %dma_wait3A_449 = tpu.memref_slice %arg8[%mul3A_437, %dma_wait3A_448] : memref<10240x8xf32, #tpu.memory_space<vmem_shared>> -> memref<640x8xf32, #tpu.memory_space<vmem_shared>>
      tpu.wait_dma2 semaphore(%run_scoped3A : memref<!tpu.dma_semaphore, #tpu.memory_space<semaphore_mem>>) src(%dma_wait3A_449 : memref<640x8xf32, #tpu.memory_space<vmem_shared>>) dst(%dma_wait3A_447 : memref<640x8xf32, #tpu.memory_space<hbm>>)
      tpu.yield
    }) : () -> ()
    return
  }
}

#map = affine_map<(d0, d1) -> (0, 0)>
#map1 = affine_map<(d0, d1) -> (0, 0, 0, 0)>
module attributes {stable_mosaic.version = 14 : i64} {
  func.func @_deg_body(%arg0: i32, %arg1: i32, %arg2: memref<2x320000xi32, #tpu.memory_space<hbm>>, %arg3: memref<2560x8xf32, #tpu.memory_space<hbm>>, %arg4: memref<640x8xf32, #tpu.memory_space<hbm>>, %arg5: memref<2x2x10240x8xf32, #tpu.memory_space<hbm>>, %arg6: memref<3x2x2560xi32, #tpu.memory_space<vmem>>, %arg7: memref<2560x8xf32, #tpu.memory_space<vmem>>, %arg8: memref<10240x8xf32, #tpu.memory_space<vmem_shared>>, %arg9: memref<10240x8xf32, #tpu.memory_space<vmem_shared>>, %arg10: memref<!tpu.dma_semaphore, #tpu.memory_space<semaphore_mem>>, %arg11: memref<!tpu.dma_semaphore, #tpu.memory_space<semaphore_mem>>) attributes {dimension_semantics = [#tpu.dimension_semantics<core_parallel>, #tpu.dimension_semantics<subcore_parallel>], iteration_bounds = array<i64: 2, 16>, scalar_prefetch = 0 : i64, scratch_operands = 6 : i64, tpu.core_type = #tpu.core_type<sc_vector_subcore>, window_params = [{transform_indices = #map}, {transform_indices = #map}, {transform_indices = #map}, {transform_indices = #map1}]} {
    %mul3A = arith.constant 2 : i32
    %mul3A_0 = arith.muli %arg1, %mul3A : i32
    %add3A = arith.addi %mul3A_0, %arg0 : i32
    %mul3A_1 = arith.constant 10000 : i32
    %mul3A_2 = arith.muli %add3A, %mul3A_1 : i32
    %multiple_of3A = tpu.assume_multiple %mul3A_2, 8 : i32
    %mul3A_3 = arith.constant 640 : i32
    %mul3A_4 = arith.muli %arg1, %mul3A_3 : i32
    %dma_start3A = arith.constant 0 : i32
    %dma_start3A_5 = tpu.memref_slice %arg8[%mul3A_4, %dma_start3A] : memref<10240x8xf32, #tpu.memory_space<vmem_shared>> -> memref<640x8xf32, #tpu.memory_space<vmem_shared>>
    tpu.enqueue_dma source(%arg4 : memref<640x8xf32, #tpu.memory_space<hbm>>) target(%dma_start3A_5 : memref<640x8xf32, #tpu.memory_space<vmem_shared>>) target_semaphore(%arg10 : memref<!tpu.dma_semaphore, #tpu.memory_space<semaphore_mem>>)
    %mul3A_6 = arith.constant 640 : i32
    %mul3A_7 = arith.muli %arg1, %mul3A_6 : i32
    %dma_start3A_8 = arith.constant 0 : i32
    %dma_start3A_9 = tpu.memref_slice %arg9[%mul3A_7, %dma_start3A_8] : memref<10240x8xf32, #tpu.memory_space<vmem_shared>> -> memref<640x8xf32, #tpu.memory_space<vmem_shared>>
    tpu.enqueue_dma source(%arg4 : memref<640x8xf32, #tpu.memory_space<hbm>>) target(%dma_start3A_9 : memref<640x8xf32, #tpu.memory_space<vmem_shared>>) target_semaphore(%arg10 : memref<!tpu.dma_semaphore, #tpu.memory_space<semaphore_mem>>)
    tpu.enqueue_dma source(%arg3 : memref<2560x8xf32, #tpu.memory_space<hbm>>) target(%arg7 : memref<2560x8xf32, #tpu.memory_space<vmem>>) target_semaphore(%arg10 : memref<!tpu.dma_semaphore, #tpu.memory_space<semaphore_mem>>)
    %dma_start3A_10 = arith.constant 0 : i32
    %dma_start3A_11 = arith.constant 0 : i32
    %dma_start3A_12 = arith.constant 0 : i32
    %dma_start3A_13 = arith.constant 0 : i32
    %dma_start3A_14 = tpu.memref_slice %arg6[%dma_start3A_11, %dma_start3A_12, %dma_start3A_13] : memref<3x2x2560xi32, #tpu.memory_space<vmem>> -> memref<1x1x2560xi32, #tpu.memory_space<vmem>>
    %dma_start3A_15 = tpu.memref_squeeze %dma_start3A_14 : memref<1x1x2560xi32, #tpu.memory_space<vmem>> -> memref<2560xi32, #tpu.memory_space<vmem>>
    %dma_start3A_16 = tpu.memref_slice %arg2[%dma_start3A_10, %multiple_of3A] : memref<2x320000xi32, #tpu.memory_space<hbm>> -> memref<1x2560xi32, #tpu.memory_space<hbm>>
    %dma_start3A_17 = tpu.memref_squeeze %dma_start3A_16 : memref<1x2560xi32, #tpu.memory_space<hbm>> -> memref<2560xi32, #tpu.memory_space<hbm>>
    %dma_start3A_18 = arith.constant 0 : i32
    %dma_start3A_19 = tpu.memref_slice %arg6[%dma_start3A_11, %dma_start3A_12, %dma_start3A_18] : memref<3x2x2560xi32, #tpu.memory_space<vmem>> -> memref<1x1x2560xi32, #tpu.memory_space<vmem>>
    %dma_start3A_20 = tpu.memref_squeeze %dma_start3A_19 : memref<1x1x2560xi32, #tpu.memory_space<vmem>> -> memref<2560xi32, #tpu.memory_space<vmem>>
    %dma_start3A_21 = tpu.memref_slice %arg2[%dma_start3A_10, %multiple_of3A] : memref<2x320000xi32, #tpu.memory_space<hbm>> -> memref<1x2560xi32, #tpu.memory_space<hbm>>
    %dma_start3A_22 = tpu.memref_squeeze %dma_start3A_21 : memref<1x2560xi32, #tpu.memory_space<hbm>> -> memref<2560xi32, #tpu.memory_space<hbm>>
    tpu.enqueue_dma source(%dma_start3A_22 : memref<2560xi32, #tpu.memory_space<hbm>>) target(%dma_start3A_20 : memref<2560xi32, #tpu.memory_space<vmem>>) target_semaphore(%arg10 : memref<!tpu.dma_semaphore, #tpu.memory_space<semaphore_mem>>)
    %dma_start3A_23 = arith.constant 1 : i32
    %dma_start3A_24 = arith.constant 0 : i32
    %dma_start3A_25 = arith.constant 1 : i32
    %dma_start3A_26 = arith.constant 0 : i32
    %dma_start3A_27 = tpu.memref_slice %arg6[%dma_start3A_24, %dma_start3A_25, %dma_start3A_26] : memref<3x2x2560xi32, #tpu.memory_space<vmem>> -> memref<1x1x2560xi32, #tpu.memory_space<vmem>>
    %dma_start3A_28 = tpu.memref_squeeze %dma_start3A_27 : memref<1x1x2560xi32, #tpu.memory_space<vmem>> -> memref<2560xi32, #tpu.memory_space<vmem>>
    %dma_start3A_29 = tpu.memref_slice %arg2[%dma_start3A_23, %multiple_of3A] : memref<2x320000xi32, #tpu.memory_space<hbm>> -> memref<1x2560xi32, #tpu.memory_space<hbm>>
    %dma_start3A_30 = tpu.memref_squeeze %dma_start3A_29 : memref<1x2560xi32, #tpu.memory_space<hbm>> -> memref<2560xi32, #tpu.memory_space<hbm>>
    %dma_start3A_31 = arith.constant 0 : i32
    %dma_start3A_32 = tpu.memref_slice %arg6[%dma_start3A_24, %dma_start3A_25, %dma_start3A_31] : memref<3x2x2560xi32, #tpu.memory_space<vmem>> -> memref<1x1x2560xi32, #tpu.memory_space<vmem>>
    %dma_start3A_33 = tpu.memref_squeeze %dma_start3A_32 : memref<1x1x2560xi32, #tpu.memory_space<vmem>> -> memref<2560xi32, #tpu.memory_space<vmem>>
    %dma_start3A_34 = tpu.memref_slice %arg2[%dma_start3A_23, %multiple_of3A] : memref<2x320000xi32, #tpu.memory_space<hbm>> -> memref<1x2560xi32, #tpu.memory_space<hbm>>
    %dma_start3A_35 = tpu.memref_squeeze %dma_start3A_34 : memref<1x2560xi32, #tpu.memory_space<hbm>> -> memref<2560xi32, #tpu.memory_space<hbm>>
    tpu.enqueue_dma source(%dma_start3A_35 : memref<2560xi32, #tpu.memory_space<hbm>>) target(%dma_start3A_33 : memref<2560xi32, #tpu.memory_space<vmem>>) target_semaphore(%arg10 : memref<!tpu.dma_semaphore, #tpu.memory_space<semaphore_mem>>)
    %dma_wait3A = arith.constant 0 : i32
    %dma_wait3A_36 = tpu.memref_slice %arg8[%mul3A_4, %dma_wait3A] : memref<10240x8xf32, #tpu.memory_space<vmem_shared>> -> memref<640x8xf32, #tpu.memory_space<vmem_shared>>
    tpu.wait_dma2 semaphore(%arg10 : memref<!tpu.dma_semaphore, #tpu.memory_space<semaphore_mem>>) src(%arg4 : memref<640x8xf32, #tpu.memory_space<hbm>>) dst(%dma_wait3A_36 : memref<640x8xf32, #tpu.memory_space<vmem_shared>>)
    %dma_wait3A_37 = arith.constant 0 : i32
    %dma_wait3A_38 = tpu.memref_slice %arg9[%mul3A_7, %dma_wait3A_37] : memref<10240x8xf32, #tpu.memory_space<vmem_shared>> -> memref<640x8xf32, #tpu.memory_space<vmem_shared>>
    tpu.wait_dma2 semaphore(%arg10 : memref<!tpu.dma_semaphore, #tpu.memory_space<semaphore_mem>>) src(%arg4 : memref<640x8xf32, #tpu.memory_space<hbm>>) dst(%dma_wait3A_38 : memref<640x8xf32, #tpu.memory_space<vmem_shared>>)
    tpu.wait_dma2 semaphore(%arg10 : memref<!tpu.dma_semaphore, #tpu.memory_space<semaphore_mem>>) src(%arg3 : memref<2560x8xf32, #tpu.memory_space<hbm>>) dst(%arg7 : memref<2560x8xf32, #tpu.memory_space<vmem>>)
    %dma_wait3A_39 = arith.constant 0 : i32
    %dma_wait3A_40 = arith.constant 0 : i32
    %dma_wait3A_41 = arith.constant 0 : i32
    %dma_wait3A_42 = arith.constant 0 : i32
    %dma_wait3A_43 = tpu.memref_slice %arg6[%dma_wait3A_40, %dma_wait3A_41, %dma_wait3A_42] : memref<3x2x2560xi32, #tpu.memory_space<vmem>> -> memref<1x1x2560xi32, #tpu.memory_space<vmem>>
    %dma_wait3A_44 = tpu.memref_squeeze %dma_wait3A_43 : memref<1x1x2560xi32, #tpu.memory_space<vmem>> -> memref<2560xi32, #tpu.memory_space<vmem>>
    %dma_wait3A_45 = tpu.memref_slice %arg2[%dma_wait3A_39, %multiple_of3A] : memref<2x320000xi32, #tpu.memory_space<hbm>> -> memref<1x2560xi32, #tpu.memory_space<hbm>>
    %dma_wait3A_46 = tpu.memref_squeeze %dma_wait3A_45 : memref<1x2560xi32, #tpu.memory_space<hbm>> -> memref<2560xi32, #tpu.memory_space<hbm>>
    %dma_wait3A_47 = arith.constant 0 : i32
    %dma_wait3A_48 = tpu.memref_slice %arg6[%dma_wait3A_40, %dma_wait3A_41, %dma_wait3A_47] : memref<3x2x2560xi32, #tpu.memory_space<vmem>> -> memref<1x1x2560xi32, #tpu.memory_space<vmem>>
    %dma_wait3A_49 = tpu.memref_squeeze %dma_wait3A_48 : memref<1x1x2560xi32, #tpu.memory_space<vmem>> -> memref<2560xi32, #tpu.memory_space<vmem>>
    %dma_wait3A_50 = tpu.memref_slice %arg2[%dma_wait3A_39, %multiple_of3A] : memref<2x320000xi32, #tpu.memory_space<hbm>> -> memref<1x2560xi32, #tpu.memory_space<hbm>>
    %dma_wait3A_51 = tpu.memref_squeeze %dma_wait3A_50 : memref<1x2560xi32, #tpu.memory_space<hbm>> -> memref<2560xi32, #tpu.memory_space<hbm>>
    tpu.wait_dma2 semaphore(%arg10 : memref<!tpu.dma_semaphore, #tpu.memory_space<semaphore_mem>>) src(%dma_wait3A_51 : memref<2560xi32, #tpu.memory_space<hbm>>) dst(%dma_wait3A_49 : memref<2560xi32, #tpu.memory_space<vmem>>)
    %dma_wait3A_52 = arith.constant 1 : i32
    %dma_wait3A_53 = arith.constant 0 : i32
    %dma_wait3A_54 = arith.constant 1 : i32
    %dma_wait3A_55 = arith.constant 0 : i32
    %dma_wait3A_56 = tpu.memref_slice %arg6[%dma_wait3A_53, %dma_wait3A_54, %dma_wait3A_55] : memref<3x2x2560xi32, #tpu.memory_space<vmem>> -> memref<1x1x2560xi32, #tpu.memory_space<vmem>>
    %dma_wait3A_57 = tpu.memref_squeeze %dma_wait3A_56 : memref<1x1x2560xi32, #tpu.memory_space<vmem>> -> memref<2560xi32, #tpu.memory_space<vmem>>
    %dma_wait3A_58 = tpu.memref_slice %arg2[%dma_wait3A_52, %multiple_of3A] : memref<2x320000xi32, #tpu.memory_space<hbm>> -> memref<1x2560xi32, #tpu.memory_space<hbm>>
    %dma_wait3A_59 = tpu.memref_squeeze %dma_wait3A_58 : memref<1x2560xi32, #tpu.memory_space<hbm>> -> memref<2560xi32, #tpu.memory_space<hbm>>
    %dma_wait3A_60 = arith.constant 0 : i32
    %dma_wait3A_61 = tpu.memref_slice %arg6[%dma_wait3A_53, %dma_wait3A_54, %dma_wait3A_60] : memref<3x2x2560xi32, #tpu.memory_space<vmem>> -> memref<1x1x2560xi32, #tpu.memory_space<vmem>>
    %dma_wait3A_62 = tpu.memref_squeeze %dma_wait3A_61 : memref<1x1x2560xi32, #tpu.memory_space<vmem>> -> memref<2560xi32, #tpu.memory_space<vmem>>
    %dma_wait3A_63 = tpu.memref_slice %arg2[%dma_wait3A_52, %multiple_of3A] : memref<2x320000xi32, #tpu.memory_space<hbm>> -> memref<1x2560xi32, #tpu.memory_space<hbm>>
    %dma_wait3A_64 = tpu.memref_squeeze %dma_wait3A_63 : memref<1x2560xi32, #tpu.memory_space<hbm>> -> memref<2560xi32, #tpu.memory_space<hbm>>
    tpu.wait_dma2 semaphore(%arg10 : memref<!tpu.dma_semaphore, #tpu.memory_space<semaphore_mem>>) src(%dma_wait3A_64 : memref<2560xi32, #tpu.memory_space<hbm>>) dst(%dma_wait3A_62 : memref<2560xi32, #tpu.memory_space<vmem>>)
    %barrier3A = arith.constant 0 : index
    tpu.barrier barrier_id(%barrier3A)
    %add3A_65 = arith.constant 2560 : i32
    %add3A_66 = arith.addi %multiple_of3A, %add3A_65 : i32
    %dma_start3A_67 = arith.constant 0 : i32
    %dma_start3A_68 = arith.constant 1 : i32
    %dma_start3A_69 = arith.constant 0 : i32
    %dma_start3A_70 = arith.constant 0 : i32
    %dma_start3A_71 = tpu.memref_slice %arg6[%dma_start3A_68, %dma_start3A_69, %dma_start3A_70] : memref<3x2x2560xi32, #tpu.memory_space<vmem>> -> memref<1x1x2560xi32, #tpu.memory_space<vmem>>
    %dma_start3A_72 = tpu.memref_squeeze %dma_start3A_71 : memref<1x1x2560xi32, #tpu.memory_space<vmem>> -> memref<2560xi32, #tpu.memory_space<vmem>>
    %dma_start3A_73 = tpu.memref_slice %arg2[%dma_start3A_67, %add3A_66] : memref<2x320000xi32, #tpu.memory_space<hbm>> -> memref<1x2560xi32, #tpu.memory_space<hbm>>
    %dma_start3A_74 = tpu.memref_squeeze %dma_start3A_73 : memref<1x2560xi32, #tpu.memory_space<hbm>> -> memref<2560xi32, #tpu.memory_space<hbm>>
    %dma_start3A_75 = arith.constant 0 : i32
    %dma_start3A_76 = tpu.memref_slice %arg6[%dma_start3A_68, %dma_start3A_69, %dma_start3A_75] : memref<3x2x2560xi32, #tpu.memory_space<vmem>> -> memref<1x1x2560xi32, #tpu.memory_space<vmem>>
    %dma_start3A_77 = tpu.memref_squeeze %dma_start3A_76 : memref<1x1x2560xi32, #tpu.memory_space<vmem>> -> memref<2560xi32, #tpu.memory_space<vmem>>
    %dma_start3A_78 = tpu.memref_slice %arg2[%dma_start3A_67, %add3A_66] : memref<2x320000xi32, #tpu.memory_space<hbm>> -> memref<1x2560xi32, #tpu.memory_space<hbm>>
    %dma_start3A_79 = tpu.memref_squeeze %dma_start3A_78 : memref<1x2560xi32, #tpu.memory_space<hbm>> -> memref<2560xi32, #tpu.memory_space<hbm>>
    tpu.enqueue_dma source(%dma_start3A_79 : memref<2560xi32, #tpu.memory_space<hbm>>) target(%dma_start3A_77 : memref<2560xi32, #tpu.memory_space<vmem>>) target_semaphore(%arg10 : memref<!tpu.dma_semaphore, #tpu.memory_space<semaphore_mem>>)
    %add3A_80 = arith.constant 2560 : i32
    %add3A_81 = arith.addi %multiple_of3A, %add3A_80 : i32
    %dma_start3A_82 = arith.constant 1 : i32
    %dma_start3A_83 = arith.constant 1 : i32
    %dma_start3A_84 = arith.constant 1 : i32
    %dma_start3A_85 = arith.constant 0 : i32
    %dma_start3A_86 = tpu.memref_slice %arg6[%dma_start3A_83, %dma_start3A_84, %dma_start3A_85] : memref<3x2x2560xi32, #tpu.memory_space<vmem>> -> memref<1x1x2560xi32, #tpu.memory_space<vmem>>
    %dma_start3A_87 = tpu.memref_squeeze %dma_start3A_86 : memref<1x1x2560xi32, #tpu.memory_space<vmem>> -> memref<2560xi32, #tpu.memory_space<vmem>>
    %dma_start3A_88 = tpu.memref_slice %arg2[%dma_start3A_82, %add3A_81] : memref<2x320000xi32, #tpu.memory_space<hbm>> -> memref<1x2560xi32, #tpu.memory_space<hbm>>
    %dma_start3A_89 = tpu.memref_squeeze %dma_start3A_88 : memref<1x2560xi32, #tpu.memory_space<hbm>> -> memref<2560xi32, #tpu.memory_space<hbm>>
    %dma_start3A_90 = arith.constant 0 : i32
    %dma_start3A_91 = tpu.memref_slice %arg6[%dma_start3A_83, %dma_start3A_84, %dma_start3A_90] : memref<3x2x2560xi32, #tpu.memory_space<vmem>> -> memref<1x1x2560xi32, #tpu.memory_space<vmem>>
    %dma_start3A_92 = tpu.memref_squeeze %dma_start3A_91 : memref<1x1x2560xi32, #tpu.memory_space<vmem>> -> memref<2560xi32, #tpu.memory_space<vmem>>
    %dma_start3A_93 = tpu.memref_slice %arg2[%dma_start3A_82, %add3A_81] : memref<2x320000xi32, #tpu.memory_space<hbm>> -> memref<1x2560xi32, #tpu.memory_space<hbm>>
    %dma_start3A_94 = tpu.memref_squeeze %dma_start3A_93 : memref<1x2560xi32, #tpu.memory_space<hbm>> -> memref<2560xi32, #tpu.memory_space<hbm>>
    tpu.enqueue_dma source(%dma_start3A_94 : memref<2560xi32, #tpu.memory_space<hbm>>) target(%dma_start3A_92 : memref<2560xi32, #tpu.memory_space<vmem>>) target_semaphore(%arg10 : memref<!tpu.dma_semaphore, #tpu.memory_space<semaphore_mem>>)
    %dma_start3A_95 = arith.constant 0 : i32
    %dma_start3A_96 = arith.constant 0 : i32
    %dma_start3A_97 = arith.constant 0 : i32
    %dma_start3A_98 = arith.constant 0 : i32
    %dma_start3A_99 = tpu.memref_slice %arg7[%dma_start3A_97, %dma_start3A_98] : memref<2560x8xf32, #tpu.memory_space<vmem>> -> memref<2560x8xf32, #tpu.memory_space<vmem>>
    %dma_start3A_100 = arith.constant 0 : i32
    %dma_start3A_101 = tpu.memref_slice %arg6[%dma_start3A_95, %dma_start3A_96, %dma_start3A_100] : memref<3x2x2560xi32, #tpu.memory_space<vmem>> -> memref<1x1x2560xi32, #tpu.memory_space<vmem>>
    %dma_start3A_102 = tpu.memref_squeeze %dma_start3A_101 : memref<1x1x2560xi32, #tpu.memory_space<vmem>> -> memref<2560xi32, #tpu.memory_space<vmem>>
    %dma_start3A_103 = arith.constant 0 : i32
    %dma_start3A_104 = arith.constant 0 : i32
    %dma_start3A_105 = tpu.memref_slice %arg8[%dma_start3A_103, %dma_start3A_104] : memref<10240x8xf32, #tpu.memory_space<vmem_shared>> -> memref<10240x8xf32, #tpu.memory_space<vmem_shared>>
    tpu.enqueue_indirect_dma source(%dma_start3A_99 : memref<2560x8xf32, #tpu.memory_space<vmem>>) target(%dma_start3A_105 : memref<10240x8xf32, #tpu.memory_space<vmem_shared>>) offsets(%dma_start3A_102 : memref<2560xi32, #tpu.memory_space<vmem>>) semaphore(%arg11 : memref<!tpu.dma_semaphore, #tpu.memory_space<semaphore_mem>>) {add = true}
    %dma_start3A_106 = arith.constant 0 : i32
    %dma_start3A_107 = arith.constant 1 : i32
    %dma_start3A_108 = arith.constant 0 : i32
    %dma_start3A_109 = arith.constant 0 : i32
    %dma_start3A_110 = tpu.memref_slice %arg7[%dma_start3A_108, %dma_start3A_109] : memref<2560x8xf32, #tpu.memory_space<vmem>> -> memref<2560x8xf32, #tpu.memory_space<vmem>>
    %dma_start3A_111 = arith.constant 0 : i32
    %dma_start3A_112 = tpu.memref_slice %arg6[%dma_start3A_106, %dma_start3A_107, %dma_start3A_111] : memref<3x2x2560xi32, #tpu.memory_space<vmem>> -> memref<1x1x2560xi32, #tpu.memory_space<vmem>>
    %dma_start3A_113 = tpu.memref_squeeze %dma_start3A_112 : memref<1x1x2560xi32, #tpu.memory_space<vmem>> -> memref<2560xi32, #tpu.memory_space<vmem>>
    %dma_start3A_114 = arith.constant 0 : i32
    %dma_start3A_115 = arith.constant 0 : i32
    %dma_start3A_116 = tpu.memref_slice %arg9[%dma_start3A_114, %dma_start3A_115] : memref<10240x8xf32, #tpu.memory_space<vmem_shared>> -> memref<10240x8xf32, #tpu.memory_space<vmem_shared>>
    tpu.enqueue_indirect_dma source(%dma_start3A_110 : memref<2560x8xf32, #tpu.memory_space<vmem>>) target(%dma_start3A_116 : memref<10240x8xf32, #tpu.memory_space<vmem_shared>>) offsets(%dma_start3A_113 : memref<2560xi32, #tpu.memory_space<vmem>>) semaphore(%arg11 : memref<!tpu.dma_semaphore, #tpu.memory_space<semaphore_mem>>) {add = true}
    %dma_wait3A_117 = arith.constant 0 : i32
    %dma_wait3A_118 = arith.constant 1 : i32
    %dma_wait3A_119 = arith.constant 0 : i32
    %dma_wait3A_120 = arith.constant 0 : i32
    %dma_wait3A_121 = tpu.memref_slice %arg6[%dma_wait3A_118, %dma_wait3A_119, %dma_wait3A_120] : memref<3x2x2560xi32, #tpu.memory_space<vmem>> -> memref<1x1x2560xi32, #tpu.memory_space<vmem>>
    %dma_wait3A_122 = tpu.memref_squeeze %dma_wait3A_121 : memref<1x1x2560xi32, #tpu.memory_space<vmem>> -> memref<2560xi32, #tpu.memory_space<vmem>>
    %dma_wait3A_123 = tpu.memref_slice %arg2[%dma_wait3A_117, %add3A_66] : memref<2x320000xi32, #tpu.memory_space<hbm>> -> memref<1x2560xi32, #tpu.memory_space<hbm>>
    %dma_wait3A_124 = tpu.memref_squeeze %dma_wait3A_123 : memref<1x2560xi32, #tpu.memory_space<hbm>> -> memref<2560xi32, #tpu.memory_space<hbm>>
    %dma_wait3A_125 = arith.constant 0 : i32
    %dma_wait3A_126 = tpu.memref_slice %arg6[%dma_wait3A_118, %dma_wait3A_119, %dma_wait3A_125] : memref<3x2x2560xi32, #tpu.memory_space<vmem>> -> memref<1x1x2560xi32, #tpu.memory_space<vmem>>
    %dma_wait3A_127 = tpu.memref_squeeze %dma_wait3A_126 : memref<1x1x2560xi32, #tpu.memory_space<vmem>> -> memref<2560xi32, #tpu.memory_space<vmem>>
    %dma_wait3A_128 = tpu.memref_slice %arg2[%dma_wait3A_117, %add3A_66] : memref<2x320000xi32, #tpu.memory_space<hbm>> -> memref<1x2560xi32, #tpu.memory_space<hbm>>
    %dma_wait3A_129 = tpu.memref_squeeze %dma_wait3A_128 : memref<1x2560xi32, #tpu.memory_space<hbm>> -> memref<2560xi32, #tpu.memory_space<hbm>>
    tpu.wait_dma2 semaphore(%arg10 : memref<!tpu.dma_semaphore, #tpu.memory_space<semaphore_mem>>) src(%dma_wait3A_129 : memref<2560xi32, #tpu.memory_space<hbm>>) dst(%dma_wait3A_127 : memref<2560xi32, #tpu.memory_space<vmem>>)
    %dma_wait3A_130 = arith.constant 1 : i32
    %dma_wait3A_131 = arith.constant 1 : i32
    %dma_wait3A_132 = arith.constant 1 : i32
    %dma_wait3A_133 = arith.constant 0 : i32
    %dma_wait3A_134 = tpu.memref_slice %arg6[%dma_wait3A_131, %dma_wait3A_132, %dma_wait3A_133] : memref<3x2x2560xi32, #tpu.memory_space<vmem>> -> memref<1x1x2560xi32, #tpu.memory_space<vmem>>
    %dma_wait3A_135 = tpu.memref_squeeze %dma_wait3A_134 : memref<1x1x2560xi32, #tpu.memory_space<vmem>> -> memref<2560xi32, #tpu.memory_space<vmem>>
    %dma_wait3A_136 = tpu.memref_slice %arg2[%dma_wait3A_130, %add3A_81] : memref<2x320000xi32, #tpu.memory_space<hbm>> -> memref<1x2560xi32, #tpu.memory_space<hbm>>
    %dma_wait3A_137 = tpu.memref_squeeze %dma_wait3A_136 : memref<1x2560xi32, #tpu.memory_space<hbm>> -> memref<2560xi32, #tpu.memory_space<hbm>>
    %dma_wait3A_138 = arith.constant 0 : i32
    %dma_wait3A_139 = tpu.memref_slice %arg6[%dma_wait3A_131, %dma_wait3A_132, %dma_wait3A_138] : memref<3x2x2560xi32, #tpu.memory_space<vmem>> -> memref<1x1x2560xi32, #tpu.memory_space<vmem>>
    %dma_wait3A_140 = tpu.memref_squeeze %dma_wait3A_139 : memref<1x1x2560xi32, #tpu.memory_space<vmem>> -> memref<2560xi32, #tpu.memory_space<vmem>>
    %dma_wait3A_141 = tpu.memref_slice %arg2[%dma_wait3A_130, %add3A_81] : memref<2x320000xi32, #tpu.memory_space<hbm>> -> memref<1x2560xi32, #tpu.memory_space<hbm>>
    %dma_wait3A_142 = tpu.memref_squeeze %dma_wait3A_141 : memref<1x2560xi32, #tpu.memory_space<hbm>> -> memref<2560xi32, #tpu.memory_space<hbm>>
    tpu.wait_dma2 semaphore(%arg10 : memref<!tpu.dma_semaphore, #tpu.memory_space<semaphore_mem>>) src(%dma_wait3A_142 : memref<2560xi32, #tpu.memory_space<hbm>>) dst(%dma_wait3A_140 : memref<2560xi32, #tpu.memory_space<vmem>>)
    %add3A_143 = arith.constant 5120 : i32
    %add3A_144 = arith.addi %multiple_of3A, %add3A_143 : i32
    %dma_start3A_145 = arith.constant 0 : i32
    %dma_start3A_146 = arith.constant 2 : i32
    %dma_start3A_147 = arith.constant 0 : i32
    %dma_start3A_148 = arith.constant 0 : i32
    %dma_start3A_149 = tpu.memref_slice %arg6[%dma_start3A_146, %dma_start3A_147, %dma_start3A_148] : memref<3x2x2560xi32, #tpu.memory_space<vmem>> -> memref<1x1x2560xi32, #tpu.memory_space<vmem>>
    %dma_start3A_150 = tpu.memref_squeeze %dma_start3A_149 : memref<1x1x2560xi32, #tpu.memory_space<vmem>> -> memref<2560xi32, #tpu.memory_space<vmem>>
    %dma_start3A_151 = tpu.memref_slice %arg2[%dma_start3A_145, %add3A_144] : memref<2x320000xi32, #tpu.memory_space<hbm>> -> memref<1x2560xi32, #tpu.memory_space<hbm>>
    %dma_start3A_152 = tpu.memref_squeeze %dma_start3A_151 : memref<1x2560xi32, #tpu.memory_space<hbm>> -> memref<2560xi32, #tpu.memory_space<hbm>>
    %dma_start3A_153 = arith.constant 0 : i32
    %dma_start3A_154 = tpu.memref_slice %arg6[%dma_start3A_146, %dma_start3A_147, %dma_start3A_153] : memref<3x2x2560xi32, #tpu.memory_space<vmem>> -> memref<1x1x2560xi32, #tpu.memory_space<vmem>>
    %dma_start3A_155 = tpu.memref_squeeze %dma_start3A_154 : memref<1x1x2560xi32, #tpu.memory_space<vmem>> -> memref<2560xi32, #tpu.memory_space<vmem>>
    %dma_start3A_156 = tpu.memref_slice %arg2[%dma_start3A_145, %add3A_144] : memref<2x320000xi32, #tpu.memory_space<hbm>> -> memref<1x2560xi32, #tpu.memory_space<hbm>>
    %dma_start3A_157 = tpu.memref_squeeze %dma_start3A_156 : memref<1x2560xi32, #tpu.memory_space<hbm>> -> memref<2560xi32, #tpu.memory_space<hbm>>
    tpu.enqueue_dma source(%dma_start3A_157 : memref<2560xi32, #tpu.memory_space<hbm>>) target(%dma_start3A_155 : memref<2560xi32, #tpu.memory_space<vmem>>) target_semaphore(%arg10 : memref<!tpu.dma_semaphore, #tpu.memory_space<semaphore_mem>>)
    %add3A_158 = arith.constant 5120 : i32
    %add3A_159 = arith.addi %multiple_of3A, %add3A_158 : i32
    %dma_start3A_160 = arith.constant 1 : i32
    %dma_start3A_161 = arith.constant 2 : i32
    %dma_start3A_162 = arith.constant 1 : i32
    %dma_start3A_163 = arith.constant 0 : i32
    %dma_start3A_164 = tpu.memref_slice %arg6[%dma_start3A_161, %dma_start3A_162, %dma_start3A_163] : memref<3x2x2560xi32, #tpu.memory_space<vmem>> -> memref<1x1x2560xi32, #tpu.memory_space<vmem>>
    %dma_start3A_165 = tpu.memref_squeeze %dma_start3A_164 : memref<1x1x2560xi32, #tpu.memory_space<vmem>> -> memref<2560xi32, #tpu.memory_space<vmem>>
    %dma_start3A_166 = tpu.memref_slice %arg2[%dma_start3A_160, %add3A_159] : memref<2x320000xi32, #tpu.memory_space<hbm>> -> memref<1x2560xi32, #tpu.memory_space<hbm>>
    %dma_start3A_167 = tpu.memref_squeeze %dma_start3A_166 : memref<1x2560xi32, #tpu.memory_space<hbm>> -> memref<2560xi32, #tpu.memory_space<hbm>>
    %dma_start3A_168 = arith.constant 0 : i32
    %dma_start3A_169 = tpu.memref_slice %arg6[%dma_start3A_161, %dma_start3A_162, %dma_start3A_168] : memref<3x2x2560xi32, #tpu.memory_space<vmem>> -> memref<1x1x2560xi32, #tpu.memory_space<vmem>>
    %dma_start3A_170 = tpu.memref_squeeze %dma_start3A_169 : memref<1x1x2560xi32, #tpu.memory_space<vmem>> -> memref<2560xi32, #tpu.memory_space<vmem>>
    %dma_start3A_171 = tpu.memref_slice %arg2[%dma_start3A_160, %add3A_159] : memref<2x320000xi32, #tpu.memory_space<hbm>> -> memref<1x2560xi32, #tpu.memory_space<hbm>>
    %dma_start3A_172 = tpu.memref_squeeze %dma_start3A_171 : memref<1x2560xi32, #tpu.memory_space<hbm>> -> memref<2560xi32, #tpu.memory_space<hbm>>
    tpu.enqueue_dma source(%dma_start3A_172 : memref<2560xi32, #tpu.memory_space<hbm>>) target(%dma_start3A_170 : memref<2560xi32, #tpu.memory_space<vmem>>) target_semaphore(%arg10 : memref<!tpu.dma_semaphore, #tpu.memory_space<semaphore_mem>>)
    %dma_start3A_173 = arith.constant 1 : i32
    %dma_start3A_174 = arith.constant 0 : i32
    %dma_start3A_175 = arith.constant 0 : i32
    %dma_start3A_176 = arith.constant 0 : i32
    %dma_start3A_177 = tpu.memref_slice %arg7[%dma_start3A_175, %dma_start3A_176] : memref<2560x8xf32, #tpu.memory_space<vmem>> -> memref<2560x8xf32, #tpu.memory_space<vmem>>
    %dma_start3A_178 = arith.constant 0 : i32
    %dma_start3A_179 = tpu.memref_slice %arg6[%dma_start3A_173, %dma_start3A_174, %dma_start3A_178] : memref<3x2x2560xi32, #tpu.memory_space<vmem>> -> memref<1x1x2560xi32, #tpu.memory_space<vmem>>
    %dma_start3A_180 = tpu.memref_squeeze %dma_start3A_179 : memref<1x1x2560xi32, #tpu.memory_space<vmem>> -> memref<2560xi32, #tpu.memory_space<vmem>>
    %dma_start3A_181 = arith.constant 0 : i32
    %dma_start3A_182 = arith.constant 0 : i32
    %dma_start3A_183 = tpu.memref_slice %arg8[%dma_start3A_181, %dma_start3A_182] : memref<10240x8xf32, #tpu.memory_space<vmem_shared>> -> memref<10240x8xf32, #tpu.memory_space<vmem_shared>>
    tpu.enqueue_indirect_dma source(%dma_start3A_177 : memref<2560x8xf32, #tpu.memory_space<vmem>>) target(%dma_start3A_183 : memref<10240x8xf32, #tpu.memory_space<vmem_shared>>) offsets(%dma_start3A_180 : memref<2560xi32, #tpu.memory_space<vmem>>) semaphore(%arg11 : memref<!tpu.dma_semaphore, #tpu.memory_space<semaphore_mem>>) {add = true}
    %dma_start3A_184 = arith.constant 1 : i32
    %dma_start3A_185 = arith.constant 1 : i32
    %dma_start3A_186 = arith.constant 0 : i32
    %dma_start3A_187 = arith.constant 0 : i32
    %dma_start3A_188 = tpu.memref_slice %arg7[%dma_start3A_186, %dma_start3A_187] : memref<2560x8xf32, #tpu.memory_space<vmem>> -> memref<2560x8xf32, #tpu.memory_space<vmem>>
    %dma_start3A_189 = arith.constant 0 : i32
    %dma_start3A_190 = tpu.memref_slice %arg6[%dma_start3A_184, %dma_start3A_185, %dma_start3A_189] : memref<3x2x2560xi32, #tpu.memory_space<vmem>> -> memref<1x1x2560xi32, #tpu.memory_space<vmem>>
    %dma_start3A_191 = tpu.memref_squeeze %dma_start3A_190 : memref<1x1x2560xi32, #tpu.memory_space<vmem>> -> memref<2560xi32, #tpu.memory_space<vmem>>
    %dma_start3A_192 = arith.constant 0 : i32
    %dma_start3A_193 = arith.constant 0 : i32
    %dma_start3A_194 = tpu.memref_slice %arg9[%dma_start3A_192, %dma_start3A_193] : memref<10240x8xf32, #tpu.memory_space<vmem_shared>> -> memref<10240x8xf32, #tpu.memory_space<vmem_shared>>
    tpu.enqueue_indirect_dma source(%dma_start3A_188 : memref<2560x8xf32, #tpu.memory_space<vmem>>) target(%dma_start3A_194 : memref<10240x8xf32, #tpu.memory_space<vmem_shared>>) offsets(%dma_start3A_191 : memref<2560xi32, #tpu.memory_space<vmem>>) semaphore(%arg11 : memref<!tpu.dma_semaphore, #tpu.memory_space<semaphore_mem>>) {add = true}
    %dma_wait3A_195 = arith.constant 0 : i32
    %dma_wait3A_196 = arith.constant 0 : i32
    %dma_wait3A_197 = arith.constant 0 : i32
    %dma_wait3A_198 = arith.constant 0 : i32
    %dma_wait3A_199 = tpu.memref_slice %arg7[%dma_wait3A_197, %dma_wait3A_198] : memref<2560x8xf32, #tpu.memory_space<vmem>> -> memref<2560x8xf32, #tpu.memory_space<vmem>>
    %dma_wait3A_200 = arith.constant 0 : i32
    %dma_wait3A_201 = tpu.memref_slice %arg6[%dma_wait3A_195, %dma_wait3A_196, %dma_wait3A_200] : memref<3x2x2560xi32, #tpu.memory_space<vmem>> -> memref<1x1x2560xi32, #tpu.memory_space<vmem>>
    %dma_wait3A_202 = tpu.memref_squeeze %dma_wait3A_201 : memref<1x1x2560xi32, #tpu.memory_space<vmem>> -> memref<2560xi32, #tpu.memory_space<vmem>>
    %dma_wait3A_203 = arith.constant 0 : i32
    %dma_wait3A_204 = arith.constant 0 : i32
    %dma_wait3A_205 = tpu.memref_slice %arg8[%dma_wait3A_203, %dma_wait3A_204] : memref<10240x8xf32, #tpu.memory_space<vmem_shared>> -> memref<10240x8xf32, #tpu.memory_space<vmem_shared>>
    tpu.wait_indirect_dma semaphore(%arg11 : memref<!tpu.dma_semaphore, #tpu.memory_space<semaphore_mem>>) src(%dma_wait3A_199 : memref<2560x8xf32, #tpu.memory_space<vmem>>) dst(%dma_wait3A_205 : memref<10240x8xf32, #tpu.memory_space<vmem_shared>>)
    %dma_wait3A_206 = arith.constant 0 : i32
    %dma_wait3A_207 = arith.constant 1 : i32
    %dma_wait3A_208 = arith.constant 0 : i32
    %dma_wait3A_209 = arith.constant 0 : i32
    %dma_wait3A_210 = tpu.memref_slice %arg7[%dma_wait3A_208, %dma_wait3A_209] : memref<2560x8xf32, #tpu.memory_space<vmem>> -> memref<2560x8xf32, #tpu.memory_space<vmem>>
    %dma_wait3A_211 = arith.constant 0 : i32
    %dma_wait3A_212 = tpu.memref_slice %arg6[%dma_wait3A_206, %dma_wait3A_207, %dma_wait3A_211] : memref<3x2x2560xi32, #tpu.memory_space<vmem>> -> memref<1x1x2560xi32, #tpu.memory_space<vmem>>
    %dma_wait3A_213 = tpu.memref_squeeze %dma_wait3A_212 : memref<1x1x2560xi32, #tpu.memory_space<vmem>> -> memref<2560xi32, #tpu.memory_space<vmem>>
    %dma_wait3A_214 = arith.constant 0 : i32
    %dma_wait3A_215 = arith.constant 0 : i32
    %dma_wait3A_216 = tpu.memref_slice %arg9[%dma_wait3A_214, %dma_wait3A_215] : memref<10240x8xf32, #tpu.memory_space<vmem_shared>> -> memref<10240x8xf32, #tpu.memory_space<vmem_shared>>
    tpu.wait_indirect_dma semaphore(%arg11 : memref<!tpu.dma_semaphore, #tpu.memory_space<semaphore_mem>>) src(%dma_wait3A_210 : memref<2560x8xf32, #tpu.memory_space<vmem>>) dst(%dma_wait3A_216 : memref<10240x8xf32, #tpu.memory_space<vmem_shared>>)
    %dma_wait3A_217 = arith.constant 0 : i32
    %dma_wait3A_218 = arith.constant 2 : i32
    %dma_wait3A_219 = arith.constant 0 : i32
    %dma_wait3A_220 = arith.constant 0 : i32
    %dma_wait3A_221 = tpu.memref_slice %arg6[%dma_wait3A_218, %dma_wait3A_219, %dma_wait3A_220] : memref<3x2x2560xi32, #tpu.memory_space<vmem>> -> memref<1x1x2560xi32, #tpu.memory_space<vmem>>
    %dma_wait3A_222 = tpu.memref_squeeze %dma_wait3A_221 : memref<1x1x2560xi32, #tpu.memory_space<vmem>> -> memref<2560xi32, #tpu.memory_space<vmem>>
    %dma_wait3A_223 = tpu.memref_slice %arg2[%dma_wait3A_217, %add3A_144] : memref<2x320000xi32, #tpu.memory_space<hbm>> -> memref<1x2560xi32, #tpu.memory_space<hbm>>
    %dma_wait3A_224 = tpu.memref_squeeze %dma_wait3A_223 : memref<1x2560xi32, #tpu.memory_space<hbm>> -> memref<2560xi32, #tpu.memory_space<hbm>>
    %dma_wait3A_225 = arith.constant 0 : i32
    %dma_wait3A_226 = tpu.memref_slice %arg6[%dma_wait3A_218, %dma_wait3A_219, %dma_wait3A_225] : memref<3x2x2560xi32, #tpu.memory_space<vmem>> -> memref<1x1x2560xi32, #tpu.memory_space<vmem>>
    %dma_wait3A_227 = tpu.memref_squeeze %dma_wait3A_226 : memref<1x1x2560xi32, #tpu.memory_space<vmem>> -> memref<2560xi32, #tpu.memory_space<vmem>>
    %dma_wait3A_228 = tpu.memref_slice %arg2[%dma_wait3A_217, %add3A_144] : memref<2x320000xi32, #tpu.memory_space<hbm>> -> memref<1x2560xi32, #tpu.memory_space<hbm>>
    %dma_wait3A_229 = tpu.memref_squeeze %dma_wait3A_228 : memref<1x2560xi32, #tpu.memory_space<hbm>> -> memref<2560xi32, #tpu.memory_space<hbm>>
    tpu.wait_dma2 semaphore(%arg10 : memref<!tpu.dma_semaphore, #tpu.memory_space<semaphore_mem>>) src(%dma_wait3A_229 : memref<2560xi32, #tpu.memory_space<hbm>>) dst(%dma_wait3A_227 : memref<2560xi32, #tpu.memory_space<vmem>>)
    %dma_wait3A_230 = arith.constant 1 : i32
    %dma_wait3A_231 = arith.constant 2 : i32
    %dma_wait3A_232 = arith.constant 1 : i32
    %dma_wait3A_233 = arith.constant 0 : i32
    %dma_wait3A_234 = tpu.memref_slice %arg6[%dma_wait3A_231, %dma_wait3A_232, %dma_wait3A_233] : memref<3x2x2560xi32, #tpu.memory_space<vmem>> -> memref<1x1x2560xi32, #tpu.memory_space<vmem>>
    %dma_wait3A_235 = tpu.memref_squeeze %dma_wait3A_234 : memref<1x1x2560xi32, #tpu.memory_space<vmem>> -> memref<2560xi32, #tpu.memory_space<vmem>>
    %dma_wait3A_236 = tpu.memref_slice %arg2[%dma_wait3A_230, %add3A_159] : memref<2x320000xi32, #tpu.memory_space<hbm>> -> memref<1x2560xi32, #tpu.memory_space<hbm>>
    %dma_wait3A_237 = tpu.memref_squeeze %dma_wait3A_236 : memref<1x2560xi32, #tpu.memory_space<hbm>> -> memref<2560xi32, #tpu.memory_space<hbm>>
    %dma_wait3A_238 = arith.constant 0 : i32
    %dma_wait3A_239 = tpu.memref_slice %arg6[%dma_wait3A_231, %dma_wait3A_232, %dma_wait3A_238] : memref<3x2x2560xi32, #tpu.memory_space<vmem>> -> memref<1x1x2560xi32, #tpu.memory_space<vmem>>
    %dma_wait3A_240 = tpu.memref_squeeze %dma_wait3A_239 : memref<1x1x2560xi32, #tpu.memory_space<vmem>> -> memref<2560xi32, #tpu.memory_space<vmem>>
    %dma_wait3A_241 = tpu.memref_slice %arg2[%dma_wait3A_230, %add3A_159] : memref<2x320000xi32, #tpu.memory_space<hbm>> -> memref<1x2560xi32, #tpu.memory_space<hbm>>
    %dma_wait3A_242 = tpu.memref_squeeze %dma_wait3A_241 : memref<1x2560xi32, #tpu.memory_space<hbm>> -> memref<2560xi32, #tpu.memory_space<hbm>>
    tpu.wait_dma2 semaphore(%arg10 : memref<!tpu.dma_semaphore, #tpu.memory_space<semaphore_mem>>) src(%dma_wait3A_242 : memref<2560xi32, #tpu.memory_space<hbm>>) dst(%dma_wait3A_240 : memref<2560xi32, #tpu.memory_space<vmem>>)
    %add3A_243 = arith.constant 7680 : i32
    %add3A_244 = arith.addi %multiple_of3A, %add3A_243 : i32
    %dma_start3A_245 = arith.constant 0 : i32
    %dma_start3A_246 = arith.constant 0 : i32
    %dma_start3A_247 = arith.constant 0 : i32
    %dma_start3A_248 = arith.constant 0 : i32
    %dma_start3A_249 = tpu.memref_slice %arg6[%dma_start3A_246, %dma_start3A_247, %dma_start3A_248] : memref<3x2x2560xi32, #tpu.memory_space<vmem>> -> memref<1x1x2320xi32, #tpu.memory_space<vmem>>
    %dma_start3A_250 = tpu.memref_squeeze %dma_start3A_249 : memref<1x1x2320xi32, #tpu.memory_space<vmem>> -> memref<2320xi32, #tpu.memory_space<vmem>>
    %dma_start3A_251 = tpu.memref_slice %arg2[%dma_start3A_245, %add3A_244] : memref<2x320000xi32, #tpu.memory_space<hbm>> -> memref<1x2320xi32, #tpu.memory_space<hbm>>
    %dma_start3A_252 = tpu.memref_squeeze %dma_start3A_251 : memref<1x2320xi32, #tpu.memory_space<hbm>> -> memref<2320xi32, #tpu.memory_space<hbm>>
    %dma_start3A_253 = arith.constant 0 : i32
    %dma_start3A_254 = tpu.memref_slice %arg6[%dma_start3A_246, %dma_start3A_247, %dma_start3A_253] : memref<3x2x2560xi32, #tpu.memory_space<vmem>> -> memref<1x1x2320xi32, #tpu.memory_space<vmem>>
    %dma_start3A_255 = tpu.memref_squeeze %dma_start3A_254 : memref<1x1x2320xi32, #tpu.memory_space<vmem>> -> memref<2320xi32, #tpu.memory_space<vmem>>
    %dma_start3A_256 = tpu.memref_slice %arg2[%dma_start3A_245, %add3A_244] : memref<2x320000xi32, #tpu.memory_space<hbm>> -> memref<1x2320xi32, #tpu.memory_space<hbm>>
    %dma_start3A_257 = tpu.memref_squeeze %dma_start3A_256 : memref<1x2320xi32, #tpu.memory_space<hbm>> -> memref<2320xi32, #tpu.memory_space<hbm>>
    tpu.enqueue_dma source(%dma_start3A_257 : memref<2320xi32, #tpu.memory_space<hbm>>) target(%dma_start3A_255 : memref<2320xi32, #tpu.memory_space<vmem>>) target_semaphore(%arg10 : memref<!tpu.dma_semaphore, #tpu.memory_space<semaphore_mem>>)
    %add3A_258 = arith.constant 7680 : i32
    %add3A_259 = arith.addi %multiple_of3A, %add3A_258 : i32
    %dma_start3A_260 = arith.constant 1 : i32
    %dma_start3A_261 = arith.constant 0 : i32
    %dma_start3A_262 = arith.constant 1 : i32
    %dma_start3A_263 = arith.constant 0 : i32
    %dma_start3A_264 = tpu.memref_slice %arg6[%dma_start3A_261, %dma_start3A_262, %dma_start3A_263] : memref<3x2x2560xi32, #tpu.memory_space<vmem>> -> memref<1x1x2320xi32, #tpu.memory_space<vmem>>
    %dma_start3A_265 = tpu.memref_squeeze %dma_start3A_264 : memref<1x1x2320xi32, #tpu.memory_space<vmem>> -> memref<2320xi32, #tpu.memory_space<vmem>>
    %dma_start3A_266 = tpu.memref_slice %arg2[%dma_start3A_260, %add3A_259] : memref<2x320000xi32, #tpu.memory_space<hbm>> -> memref<1x2320xi32, #tpu.memory_space<hbm>>
    %dma_start3A_267 = tpu.memref_squeeze %dma_start3A_266 : memref<1x2320xi32, #tpu.memory_space<hbm>> -> memref<2320xi32, #tpu.memory_space<hbm>>
    %dma_start3A_268 = arith.constant 0 : i32
    %dma_start3A_269 = tpu.memref_slice %arg6[%dma_start3A_261, %dma_start3A_262, %dma_start3A_268] : memref<3x2x2560xi32, #tpu.memory_space<vmem>> -> memref<1x1x2320xi32, #tpu.memory_space<vmem>>
    %dma_start3A_270 = tpu.memref_squeeze %dma_start3A_269 : memref<1x1x2320xi32, #tpu.memory_space<vmem>> -> memref<2320xi32, #tpu.memory_space<vmem>>
    %dma_start3A_271 = tpu.memref_slice %arg2[%dma_start3A_260, %add3A_259] : memref<2x320000xi32, #tpu.memory_space<hbm>> -> memref<1x2320xi32, #tpu.memory_space<hbm>>
    %dma_start3A_272 = tpu.memref_squeeze %dma_start3A_271 : memref<1x2320xi32, #tpu.memory_space<hbm>> -> memref<2320xi32, #tpu.memory_space<hbm>>
    tpu.enqueue_dma source(%dma_start3A_272 : memref<2320xi32, #tpu.memory_space<hbm>>) target(%dma_start3A_270 : memref<2320xi32, #tpu.memory_space<vmem>>) target_semaphore(%arg10 : memref<!tpu.dma_semaphore, #tpu.memory_space<semaphore_mem>>)
    %dma_start3A_273 = arith.constant 2 : i32
    %dma_start3A_274 = arith.constant 0 : i32
    %dma_start3A_275 = arith.constant 0 : i32
    %dma_start3A_276 = arith.constant 0 : i32
    %dma_start3A_277 = tpu.memref_slice %arg7[%dma_start3A_275, %dma_start3A_276] : memref<2560x8xf32, #tpu.memory_space<vmem>> -> memref<2560x8xf32, #tpu.memory_space<vmem>>
    %dma_start3A_278 = arith.constant 0 : i32
    %dma_start3A_279 = tpu.memref_slice %arg6[%dma_start3A_273, %dma_start3A_274, %dma_start3A_278] : memref<3x2x2560xi32, #tpu.memory_space<vmem>> -> memref<1x1x2560xi32, #tpu.memory_space<vmem>>
    %dma_start3A_280 = tpu.memref_squeeze %dma_start3A_279 : memref<1x1x2560xi32, #tpu.memory_space<vmem>> -> memref<2560xi32, #tpu.memory_space<vmem>>
    %dma_start3A_281 = arith.constant 0 : i32
    %dma_start3A_282 = arith.constant 0 : i32
    %dma_start3A_283 = tpu.memref_slice %arg8[%dma_start3A_281, %dma_start3A_282] : memref<10240x8xf32, #tpu.memory_space<vmem_shared>> -> memref<10240x8xf32, #tpu.memory_space<vmem_shared>>
    tpu.enqueue_indirect_dma source(%dma_start3A_277 : memref<2560x8xf32, #tpu.memory_space<vmem>>) target(%dma_start3A_283 : memref<10240x8xf32, #tpu.memory_space<vmem_shared>>) offsets(%dma_start3A_280 : memref<2560xi32, #tpu.memory_space<vmem>>) semaphore(%arg11 : memref<!tpu.dma_semaphore, #tpu.memory_space<semaphore_mem>>) {add = true}
    %dma_start3A_284 = arith.constant 2 : i32
    %dma_start3A_285 = arith.constant 1 : i32
    %dma_start3A_286 = arith.constant 0 : i32
    %dma_start3A_287 = arith.constant 0 : i32
    %dma_start3A_288 = tpu.memref_slice %arg7[%dma_start3A_286, %dma_start3A_287] : memref<2560x8xf32, #tpu.memory_space<vmem>> -> memref<2560x8xf32, #tpu.memory_space<vmem>>
    %dma_start3A_289 = arith.constant 0 : i32
    %dma_start3A_290 = tpu.memref_slice %arg6[%dma_start3A_284, %dma_start3A_285, %dma_start3A_289] : memref<3x2x2560xi32, #tpu.memory_space<vmem>> -> memref<1x1x2560xi32, #tpu.memory_space<vmem>>
    %dma_start3A_291 = tpu.memref_squeeze %dma_start3A_290 : memref<1x1x2560xi32, #tpu.memory_space<vmem>> -> memref<2560xi32, #tpu.memory_space<vmem>>
    %dma_start3A_292 = arith.constant 0 : i32
    %dma_start3A_293 = arith.constant 0 : i32
    %dma_start3A_294 = tpu.memref_slice %arg9[%dma_start3A_292, %dma_start3A_293] : memref<10240x8xf32, #tpu.memory_space<vmem_shared>> -> memref<10240x8xf32, #tpu.memory_space<vmem_shared>>
    tpu.enqueue_indirect_dma source(%dma_start3A_288 : memref<2560x8xf32, #tpu.memory_space<vmem>>) target(%dma_start3A_294 : memref<10240x8xf32, #tpu.memory_space<vmem_shared>>) offsets(%dma_start3A_291 : memref<2560xi32, #tpu.memory_space<vmem>>) semaphore(%arg11 : memref<!tpu.dma_semaphore, #tpu.memory_space<semaphore_mem>>) {add = true}
    %dma_wait3A_295 = arith.constant 1 : i32
    %dma_wait3A_296 = arith.constant 0 : i32
    %dma_wait3A_297 = arith.constant 0 : i32
    %dma_wait3A_298 = arith.constant 0 : i32
    %dma_wait3A_299 = tpu.memref_slice %arg7[%dma_wait3A_297, %dma_wait3A_298] : memref<2560x8xf32, #tpu.memory_space<vmem>> -> memref<2560x8xf32, #tpu.memory_space<vmem>>
    %dma_wait3A_300 = arith.constant 0 : i32
    %dma_wait3A_301 = tpu.memref_slice %arg6[%dma_wait3A_295, %dma_wait3A_296, %dma_wait3A_300] : memref<3x2x2560xi32, #tpu.memory_space<vmem>> -> memref<1x1x2560xi32, #tpu.memory_space<vmem>>
    %dma_wait3A_302 = tpu.memref_squeeze %dma_wait3A_301 : memref<1x1x2560xi32, #tpu.memory_space<vmem>> -> memref<2560xi32, #tpu.memory_space<vmem>>
    %dma_wait3A_303 = arith.constant 0 : i32
    %dma_wait3A_304 = arith.constant 0 : i32
    %dma_wait3A_305 = tpu.memref_slice %arg8[%dma_wait3A_303, %dma_wait3A_304] : memref<10240x8xf32, #tpu.memory_space<vmem_shared>> -> memref<10240x8xf32, #tpu.memory_space<vmem_shared>>
    tpu.wait_indirect_dma semaphore(%arg11 : memref<!tpu.dma_semaphore, #tpu.memory_space<semaphore_mem>>) src(%dma_wait3A_299 : memref<2560x8xf32, #tpu.memory_space<vmem>>) dst(%dma_wait3A_305 : memref<10240x8xf32, #tpu.memory_space<vmem_shared>>)
    %dma_wait3A_306 = arith.constant 1 : i32
    %dma_wait3A_307 = arith.constant 1 : i32
    %dma_wait3A_308 = arith.constant 0 : i32
    %dma_wait3A_309 = arith.constant 0 : i32
    %dma_wait3A_310 = tpu.memref_slice %arg7[%dma_wait3A_308, %dma_wait3A_309] : memref<2560x8xf32, #tpu.memory_space<vmem>> -> memref<2560x8xf32, #tpu.memory_space<vmem>>
    %dma_wait3A_311 = arith.constant 0 : i32
    %dma_wait3A_312 = tpu.memref_slice %arg6[%dma_wait3A_306, %dma_wait3A_307, %dma_wait3A_311] : memref<3x2x2560xi32, #tpu.memory_space<vmem>> -> memref<1x1x2560xi32, #tpu.memory_space<vmem>>
    %dma_wait3A_313 = tpu.memref_squeeze %dma_wait3A_312 : memref<1x1x2560xi32, #tpu.memory_space<vmem>> -> memref<2560xi32, #tpu.memory_space<vmem>>
    %dma_wait3A_314 = arith.constant 0 : i32
    %dma_wait3A_315 = arith.constant 0 : i32
    %dma_wait3A_316 = tpu.memref_slice %arg9[%dma_wait3A_314, %dma_wait3A_315] : memref<10240x8xf32, #tpu.memory_space<vmem_shared>> -> memref<10240x8xf32, #tpu.memory_space<vmem_shared>>
    tpu.wait_indirect_dma semaphore(%arg11 : memref<!tpu.dma_semaphore, #tpu.memory_space<semaphore_mem>>) src(%dma_wait3A_310 : memref<2560x8xf32, #tpu.memory_space<vmem>>) dst(%dma_wait3A_316 : memref<10240x8xf32, #tpu.memory_space<vmem_shared>>)
    %dma_wait3A_317 = arith.constant 0 : i32
    %dma_wait3A_318 = arith.constant 0 : i32
    %dma_wait3A_319 = arith.constant 0 : i32
    %dma_wait3A_320 = arith.constant 0 : i32
    %dma_wait3A_321 = tpu.memref_slice %arg6[%dma_wait3A_318, %dma_wait3A_319, %dma_wait3A_320] : memref<3x2x2560xi32, #tpu.memory_space<vmem>> -> memref<1x1x2320xi32, #tpu.memory_space<vmem>>
    %dma_wait3A_322 = tpu.memref_squeeze %dma_wait3A_321 : memref<1x1x2320xi32, #tpu.memory_space<vmem>> -> memref<2320xi32, #tpu.memory_space<vmem>>
    %dma_wait3A_323 = tpu.memref_slice %arg2[%dma_wait3A_317, %add3A_244] : memref<2x320000xi32, #tpu.memory_space<hbm>> -> memref<1x2320xi32, #tpu.memory_space<hbm>>
    %dma_wait3A_324 = tpu.memref_squeeze %dma_wait3A_323 : memref<1x2320xi32, #tpu.memory_space<hbm>> -> memref<2320xi32, #tpu.memory_space<hbm>>
    %dma_wait3A_325 = arith.constant 0 : i32
    %dma_wait3A_326 = tpu.memref_slice %arg6[%dma_wait3A_318, %dma_wait3A_319, %dma_wait3A_325] : memref<3x2x2560xi32, #tpu.memory_space<vmem>> -> memref<1x1x2320xi32, #tpu.memory_space<vmem>>
    %dma_wait3A_327 = tpu.memref_squeeze %dma_wait3A_326 : memref<1x1x2320xi32, #tpu.memory_space<vmem>> -> memref<2320xi32, #tpu.memory_space<vmem>>
    %dma_wait3A_328 = tpu.memref_slice %arg2[%dma_wait3A_317, %add3A_244] : memref<2x320000xi32, #tpu.memory_space<hbm>> -> memref<1x2320xi32, #tpu.memory_space<hbm>>
    %dma_wait3A_329 = tpu.memref_squeeze %dma_wait3A_328 : memref<1x2320xi32, #tpu.memory_space<hbm>> -> memref<2320xi32, #tpu.memory_space<hbm>>
    tpu.wait_dma2 semaphore(%arg10 : memref<!tpu.dma_semaphore, #tpu.memory_space<semaphore_mem>>) src(%dma_wait3A_329 : memref<2320xi32, #tpu.memory_space<hbm>>) dst(%dma_wait3A_327 : memref<2320xi32, #tpu.memory_space<vmem>>)
    %dma_wait3A_330 = arith.constant 1 : i32
    %dma_wait3A_331 = arith.constant 0 : i32
    %dma_wait3A_332 = arith.constant 1 : i32
    %dma_wait3A_333 = arith.constant 0 : i32
    %dma_wait3A_334 = tpu.memref_slice %arg6[%dma_wait3A_331, %dma_wait3A_332, %dma_wait3A_333] : memref<3x2x2560xi32, #tpu.memory_space<vmem>> -> memref<1x1x2320xi32, #tpu.memory_space<vmem>>
    %dma_wait3A_335 = tpu.memref_squeeze %dma_wait3A_334 : memref<1x1x2320xi32, #tpu.memory_space<vmem>> -> memref<2320xi32, #tpu.memory_space<vmem>>
    %dma_wait3A_336 = tpu.memref_slice %arg2[%dma_wait3A_330, %add3A_259] : memref<2x320000xi32, #tpu.memory_space<hbm>> -> memref<1x2320xi32, #tpu.memory_space<hbm>>
    %dma_wait3A_337 = tpu.memref_squeeze %dma_wait3A_336 : memref<1x2320xi32, #tpu.memory_space<hbm>> -> memref<2320xi32, #tpu.memory_space<hbm>>
    %dma_wait3A_338 = arith.constant 0 : i32
    %dma_wait3A_339 = tpu.memref_slice %arg6[%dma_wait3A_331, %dma_wait3A_332, %dma_wait3A_338] : memref<3x2x2560xi32, #tpu.memory_space<vmem>> -> memref<1x1x2320xi32, #tpu.memory_space<vmem>>
    %dma_wait3A_340 = tpu.memref_squeeze %dma_wait3A_339 : memref<1x1x2320xi32, #tpu.memory_space<vmem>> -> memref<2320xi32, #tpu.memory_space<vmem>>
    %dma_wait3A_341 = tpu.memref_slice %arg2[%dma_wait3A_330, %add3A_259] : memref<2x320000xi32, #tpu.memory_space<hbm>> -> memref<1x2320xi32, #tpu.memory_space<hbm>>
    %dma_wait3A_342 = tpu.memref_squeeze %dma_wait3A_341 : memref<1x2320xi32, #tpu.memory_space<hbm>> -> memref<2320xi32, #tpu.memory_space<hbm>>
    tpu.wait_dma2 semaphore(%arg10 : memref<!tpu.dma_semaphore, #tpu.memory_space<semaphore_mem>>) src(%dma_wait3A_342 : memref<2320xi32, #tpu.memory_space<hbm>>) dst(%dma_wait3A_340 : memref<2320xi32, #tpu.memory_space<vmem>>)
    %dma_start3A_343 = arith.constant 0 : i32
    %dma_start3A_344 = arith.constant 0 : i32
    %dma_start3A_345 = arith.constant 0 : i32
    %dma_start3A_346 = arith.constant 0 : i32
    %dma_start3A_347 = tpu.memref_slice %arg7[%dma_start3A_345, %dma_start3A_346] : memref<2560x8xf32, #tpu.memory_space<vmem>> -> memref<2320x8xf32, #tpu.memory_space<vmem>>
    %dma_start3A_348 = arith.constant 0 : i32
    %dma_start3A_349 = tpu.memref_slice %arg6[%dma_start3A_343, %dma_start3A_344, %dma_start3A_348] : memref<3x2x2560xi32, #tpu.memory_space<vmem>> -> memref<1x1x2320xi32, #tpu.memory_space<vmem>>
    %dma_start3A_350 = tpu.memref_squeeze %dma_start3A_349 : memref<1x1x2320xi32, #tpu.memory_space<vmem>> -> memref<2320xi32, #tpu.memory_space<vmem>>
    %dma_start3A_351 = arith.constant 0 : i32
    %dma_start3A_352 = arith.constant 0 : i32
    %dma_start3A_353 = tpu.memref_slice %arg8[%dma_start3A_351, %dma_start3A_352] : memref<10240x8xf32, #tpu.memory_space<vmem_shared>> -> memref<10240x8xf32, #tpu.memory_space<vmem_shared>>
    tpu.enqueue_indirect_dma source(%dma_start3A_347 : memref<2320x8xf32, #tpu.memory_space<vmem>>) target(%dma_start3A_353 : memref<10240x8xf32, #tpu.memory_space<vmem_shared>>) offsets(%dma_start3A_350 : memref<2320xi32, #tpu.memory_space<vmem>>) semaphore(%arg11 : memref<!tpu.dma_semaphore, #tpu.memory_space<semaphore_mem>>) {add = true}
    %dma_start3A_354 = arith.constant 0 : i32
    %dma_start3A_355 = arith.constant 1 : i32
    %dma_start3A_356 = arith.constant 0 : i32
    %dma_start3A_357 = arith.constant 0 : i32
    %dma_start3A_358 = tpu.memref_slice %arg7[%dma_start3A_356, %dma_start3A_357] : memref<2560x8xf32, #tpu.memory_space<vmem>> -> memref<2320x8xf32, #tpu.memory_space<vmem>>
    %dma_start3A_359 = arith.constant 0 : i32
    %dma_start3A_360 = tpu.memref_slice %arg6[%dma_start3A_354, %dma_start3A_355, %dma_start3A_359] : memref<3x2x2560xi32, #tpu.memory_space<vmem>> -> memref<1x1x2320xi32, #tpu.memory_space<vmem>>
    %dma_start3A_361 = tpu.memref_squeeze %dma_start3A_360 : memref<1x1x2320xi32, #tpu.memory_space<vmem>> -> memref<2320xi32, #tpu.memory_space<vmem>>
    %dma_start3A_362 = arith.constant 0 : i32
    %dma_start3A_363 = arith.constant 0 : i32
    %dma_start3A_364 = tpu.memref_slice %arg9[%dma_start3A_362, %dma_start3A_363] : memref<10240x8xf32, #tpu.memory_space<vmem_shared>> -> memref<10240x8xf32, #tpu.memory_space<vmem_shared>>
    tpu.enqueue_indirect_dma source(%dma_start3A_358 : memref<2320x8xf32, #tpu.memory_space<vmem>>) target(%dma_start3A_364 : memref<10240x8xf32, #tpu.memory_space<vmem_shared>>) offsets(%dma_start3A_361 : memref<2320xi32, #tpu.memory_space<vmem>>) semaphore(%arg11 : memref<!tpu.dma_semaphore, #tpu.memory_space<semaphore_mem>>) {add = true}
    %dma_wait3A_365 = arith.constant 2 : i32
    %dma_wait3A_366 = arith.constant 0 : i32
    %dma_wait3A_367 = arith.constant 0 : i32
    %dma_wait3A_368 = arith.constant 0 : i32
    %dma_wait3A_369 = tpu.memref_slice %arg7[%dma_wait3A_367, %dma_wait3A_368] : memref<2560x8xf32, #tpu.memory_space<vmem>> -> memref<2560x8xf32, #tpu.memory_space<vmem>>
    %dma_wait3A_370 = arith.constant 0 : i32
    %dma_wait3A_371 = tpu.memref_slice %arg6[%dma_wait3A_365, %dma_wait3A_366, %dma_wait3A_370] : memref<3x2x2560xi32, #tpu.memory_space<vmem>> -> memref<1x1x2560xi32, #tpu.memory_space<vmem>>
    %dma_wait3A_372 = tpu.memref_squeeze %dma_wait3A_371 : memref<1x1x2560xi32, #tpu.memory_space<vmem>> -> memref<2560xi32, #tpu.memory_space<vmem>>
    %dma_wait3A_373 = arith.constant 0 : i32
    %dma_wait3A_374 = arith.constant 0 : i32
    %dma_wait3A_375 = tpu.memref_slice %arg8[%dma_wait3A_373, %dma_wait3A_374] : memref<10240x8xf32, #tpu.memory_space<vmem_shared>> -> memref<10240x8xf32, #tpu.memory_space<vmem_shared>>
    tpu.wait_indirect_dma semaphore(%arg11 : memref<!tpu.dma_semaphore, #tpu.memory_space<semaphore_mem>>) src(%dma_wait3A_369 : memref<2560x8xf32, #tpu.memory_space<vmem>>) dst(%dma_wait3A_375 : memref<10240x8xf32, #tpu.memory_space<vmem_shared>>)
    %dma_wait3A_376 = arith.constant 2 : i32
    %dma_wait3A_377 = arith.constant 1 : i32
    %dma_wait3A_378 = arith.constant 0 : i32
    %dma_wait3A_379 = arith.constant 0 : i32
    %dma_wait3A_380 = tpu.memref_slice %arg7[%dma_wait3A_378, %dma_wait3A_379] : memref<2560x8xf32, #tpu.memory_space<vmem>> -> memref<2560x8xf32, #tpu.memory_space<vmem>>
    %dma_wait3A_381 = arith.constant 0 : i32
    %dma_wait3A_382 = tpu.memref_slice %arg6[%dma_wait3A_376, %dma_wait3A_377, %dma_wait3A_381] : memref<3x2x2560xi32, #tpu.memory_space<vmem>> -> memref<1x1x2560xi32, #tpu.memory_space<vmem>>
    %dma_wait3A_383 = tpu.memref_squeeze %dma_wait3A_382 : memref<1x1x2560xi32, #tpu.memory_space<vmem>> -> memref<2560xi32, #tpu.memory_space<vmem>>
    %dma_wait3A_384 = arith.constant 0 : i32
    %dma_wait3A_385 = arith.constant 0 : i32
    %dma_wait3A_386 = tpu.memref_slice %arg9[%dma_wait3A_384, %dma_wait3A_385] : memref<10240x8xf32, #tpu.memory_space<vmem_shared>> -> memref<10240x8xf32, #tpu.memory_space<vmem_shared>>
    tpu.wait_indirect_dma semaphore(%arg11 : memref<!tpu.dma_semaphore, #tpu.memory_space<semaphore_mem>>) src(%dma_wait3A_380 : memref<2560x8xf32, #tpu.memory_space<vmem>>) dst(%dma_wait3A_386 : memref<10240x8xf32, #tpu.memory_space<vmem_shared>>)
    %dma_wait3A_387 = arith.constant 0 : i32
    %dma_wait3A_388 = arith.constant 0 : i32
    %dma_wait3A_389 = arith.constant 0 : i32
    %dma_wait3A_390 = arith.constant 0 : i32
    %dma_wait3A_391 = tpu.memref_slice %arg7[%dma_wait3A_389, %dma_wait3A_390] : memref<2560x8xf32, #tpu.memory_space<vmem>> -> memref<2320x8xf32, #tpu.memory_space<vmem>>
    %dma_wait3A_392 = arith.constant 0 : i32
    %dma_wait3A_393 = tpu.memref_slice %arg6[%dma_wait3A_387, %dma_wait3A_388, %dma_wait3A_392] : memref<3x2x2560xi32, #tpu.memory_space<vmem>> -> memref<1x1x2320xi32, #tpu.memory_space<vmem>>
    %dma_wait3A_394 = tpu.memref_squeeze %dma_wait3A_393 : memref<1x1x2320xi32, #tpu.memory_space<vmem>> -> memref<2320xi32, #tpu.memory_space<vmem>>
    %dma_wait3A_395 = arith.constant 0 : i32
    %dma_wait3A_396 = arith.constant 0 : i32
    %dma_wait3A_397 = tpu.memref_slice %arg8[%dma_wait3A_395, %dma_wait3A_396] : memref<10240x8xf32, #tpu.memory_space<vmem_shared>> -> memref<10240x8xf32, #tpu.memory_space<vmem_shared>>
    tpu.wait_indirect_dma semaphore(%arg11 : memref<!tpu.dma_semaphore, #tpu.memory_space<semaphore_mem>>) src(%dma_wait3A_391 : memref<2320x8xf32, #tpu.memory_space<vmem>>) dst(%dma_wait3A_397 : memref<10240x8xf32, #tpu.memory_space<vmem_shared>>)
    %dma_wait3A_398 = arith.constant 0 : i32
    %dma_wait3A_399 = arith.constant 1 : i32
    %dma_wait3A_400 = arith.constant 0 : i32
    %dma_wait3A_401 = arith.constant 0 : i32
    %dma_wait3A_402 = tpu.memref_slice %arg7[%dma_wait3A_400, %dma_wait3A_401] : memref<2560x8xf32, #tpu.memory_space<vmem>> -> memref<2320x8xf32, #tpu.memory_space<vmem>>
    %dma_wait3A_403 = arith.constant 0 : i32
    %dma_wait3A_404 = tpu.memref_slice %arg6[%dma_wait3A_398, %dma_wait3A_399, %dma_wait3A_403] : memref<3x2x2560xi32, #tpu.memory_space<vmem>> -> memref<1x1x2320xi32, #tpu.memory_space<vmem>>
    %dma_wait3A_405 = tpu.memref_squeeze %dma_wait3A_404 : memref<1x1x2320xi32, #tpu.memory_space<vmem>> -> memref<2320xi32, #tpu.memory_space<vmem>>
    %dma_wait3A_406 = arith.constant 0 : i32
    %dma_wait3A_407 = arith.constant 0 : i32
    %dma_wait3A_408 = tpu.memref_slice %arg9[%dma_wait3A_406, %dma_wait3A_407] : memref<10240x8xf32, #tpu.memory_space<vmem_shared>> -> memref<10240x8xf32, #tpu.memory_space<vmem_shared>>
    tpu.wait_indirect_dma semaphore(%arg11 : memref<!tpu.dma_semaphore, #tpu.memory_space<semaphore_mem>>) src(%dma_wait3A_402 : memref<2320x8xf32, #tpu.memory_space<vmem>>) dst(%dma_wait3A_408 : memref<10240x8xf32, #tpu.memory_space<vmem_shared>>)
    %barrier3A_409 = arith.constant 0 : index
    tpu.barrier barrier_id(%barrier3A_409)
    %mul3A_410 = arith.constant 640 : i32
    %mul3A_411 = arith.muli %arg1, %mul3A_410 : i32
    %mul3A_412 = arith.constant 640 : i32
    %mul3A_413 = arith.muli %arg1, %mul3A_412 : i32
    %run_scoped3A = arith.constant 0 : i32
    "tpu.region"() ({
      %run_scoped3A_419 = tpu.sem_alloc : memref<!tpu.dma_semaphore, #tpu.memory_space<semaphore_mem>>
      %dma_start3A_420 = arith.constant 0 : i32
      %dma_start3A_421 = tpu.memref_slice %arg5[%arg0, %run_scoped3A, %mul3A_413, %dma_start3A_420] : memref<2x2x10240x8xf32, #tpu.memory_space<hbm>> -> memref<1x1x640x8xf32, #tpu.memory_space<hbm>>
      %dma_start3A_422 = tpu.memref_squeeze %dma_start3A_421 : memref<1x1x640x8xf32, #tpu.memory_space<hbm>> -> memref<640x8xf32, #tpu.memory_space<hbm>>
      %dma_start3A_423 = arith.constant 0 : i32
      %dma_start3A_424 = tpu.memref_slice %arg8[%mul3A_411, %dma_start3A_423] : memref<10240x8xf32, #tpu.memory_space<vmem_shared>> -> memref<640x8xf32, #tpu.memory_space<vmem_shared>>
      tpu.enqueue_dma source(%dma_start3A_424 : memref<640x8xf32, #tpu.memory_space<vmem_shared>>) target(%dma_start3A_422 : memref<640x8xf32, #tpu.memory_space<hbm>>) target_semaphore(%run_scoped3A_419 : memref<!tpu.dma_semaphore, #tpu.memory_space<semaphore_mem>>)
      %dma_wait3A_425 = arith.constant 0 : i32
      %dma_wait3A_426 = tpu.memref_slice %arg5[%arg0, %run_scoped3A, %mul3A_413, %dma_wait3A_425] : memref<2x2x10240x8xf32, #tpu.memory_space<hbm>> -> memref<1x1x640x8xf32, #tpu.memory_space<hbm>>
      %dma_wait3A_427 = tpu.memref_squeeze %dma_wait3A_426 : memref<1x1x640x8xf32, #tpu.memory_space<hbm>> -> memref<640x8xf32, #tpu.memory_space<hbm>>
      %dma_wait3A_428 = arith.constant 0 : i32
      %dma_wait3A_429 = tpu.memref_slice %arg8[%mul3A_411, %dma_wait3A_428] : memref<10240x8xf32, #tpu.memory_space<vmem_shared>> -> memref<640x8xf32, #tpu.memory_space<vmem_shared>>
      tpu.wait_dma2 semaphore(%run_scoped3A_419 : memref<!tpu.dma_semaphore, #tpu.memory_space<semaphore_mem>>) src(%dma_wait3A_429 : memref<640x8xf32, #tpu.memory_space<vmem_shared>>) dst(%dma_wait3A_427 : memref<640x8xf32, #tpu.memory_space<hbm>>)
      tpu.yield
    }) : () -> ()
    %mul3A_414 = arith.constant 640 : i32
    %mul3A_415 = arith.muli %arg1, %mul3A_414 : i32
    %mul3A_416 = arith.constant 640 : i32
    %mul3A_417 = arith.muli %arg1, %mul3A_416 : i32
    %run_scoped3A_418 = arith.constant 1 : i32
    "tpu.region"() ({
      %run_scoped3A_419 = tpu.sem_alloc : memref<!tpu.dma_semaphore, #tpu.memory_space<semaphore_mem>>
      %dma_start3A_420 = arith.constant 0 : i32
      %dma_start3A_421 = tpu.memref_slice %arg5[%arg0, %run_scoped3A_418, %mul3A_417, %dma_start3A_420] : memref<2x2x10240x8xf32, #tpu.memory_space<hbm>> -> memref<1x1x640x8xf32, #tpu.memory_space<hbm>>
      %dma_start3A_422 = tpu.memref_squeeze %dma_start3A_421 : memref<1x1x640x8xf32, #tpu.memory_space<hbm>> -> memref<640x8xf32, #tpu.memory_space<hbm>>
      %dma_start3A_423 = arith.constant 0 : i32
      %dma_start3A_424 = tpu.memref_slice %arg9[%mul3A_415, %dma_start3A_423] : memref<10240x8xf32, #tpu.memory_space<vmem_shared>> -> memref<640x8xf32, #tpu.memory_space<vmem_shared>>
      tpu.enqueue_dma source(%dma_start3A_424 : memref<640x8xf32, #tpu.memory_space<vmem_shared>>) target(%dma_start3A_422 : memref<640x8xf32, #tpu.memory_space<hbm>>) target_semaphore(%run_scoped3A_419 : memref<!tpu.dma_semaphore, #tpu.memory_space<semaphore_mem>>)
      %dma_wait3A_425 = arith.constant 0 : i32
      %dma_wait3A_426 = tpu.memref_slice %arg5[%arg0, %run_scoped3A_418, %mul3A_417, %dma_wait3A_425] : memref<2x2x10240x8xf32, #tpu.memory_space<hbm>> -> memref<1x1x640x8xf32, #tpu.memory_space<hbm>>
      %dma_wait3A_427 = tpu.memref_squeeze %dma_wait3A_426 : memref<1x1x640x8xf32, #tpu.memory_space<hbm>> -> memref<640x8xf32, #tpu.memory_space<hbm>>
      %dma_wait3A_428 = arith.constant 0 : i32
      %dma_wait3A_429 = tpu.memref_slice %arg9[%mul3A_415, %dma_wait3A_428] : memref<10240x8xf32, #tpu.memory_space<vmem_shared>> -> memref<640x8xf32, #tpu.memory_space<vmem_shared>>
      tpu.wait_dma2 semaphore(%run_scoped3A_419 : memref<!tpu.dma_semaphore, #tpu.memory_space<semaphore_mem>>) src(%dma_wait3A_429 : memref<640x8xf32, #tpu.memory_space<vmem_shared>>) dst(%dma_wait3A_427 : memref<640x8xf32, #tpu.memory_space<hbm>>)
      tpu.yield
    }) : () -> ()
    return
  }
}

#map = affine_map<(d0, d1) -> (0, 0)>
#map1 = affine_map<(d0, d1) -> (0, 0, 0)>
module attributes {stable_mosaic.version = 14 : i64} {
  func.func @_agg_body(%arg0: i32, %arg1: i32, %arg2: memref<10000x8xf32, #tpu.memory_space<hbm>>, %arg3: memref<2x320000xi32, #tpu.memory_space<hbm>>, %arg4: memref<640x8xf32, #tpu.memory_space<hbm>>, %arg5: memref<2x10240x8xf32, #tpu.memory_space<hbm>>, %arg6: memref<3x2x2560xi32, #tpu.memory_space<vmem>>, %arg7: memref<2x2560x8xf32, #tpu.memory_space<vmem>>, %arg8: memref<10240x8xf32, #tpu.memory_space<vmem_shared>>, %arg9: memref<!tpu.dma_semaphore, #tpu.memory_space<semaphore_mem>>, %arg10: memref<!tpu.dma_semaphore, #tpu.memory_space<semaphore_mem>>, %arg11: memref<!tpu.dma_semaphore, #tpu.memory_space<semaphore_mem>>) attributes {dimension_semantics = [#tpu.dimension_semantics<core_parallel>, #tpu.dimension_semantics<subcore_parallel>], iteration_bounds = array<i64: 2, 16>, scalar_prefetch = 0 : i64, scratch_operands = 6 : i64, tpu.core_type = #tpu.core_type<sc_vector_subcore>, window_params = [{transform_indices = #map}, {transform_indices = #map}, {transform_indices = #map}, {transform_indices = #map1}]} {
    %mul3A = arith.constant 2 : i32
    %mul3A_0 = arith.muli %arg1, %mul3A : i32
    %add3A = arith.addi %mul3A_0, %arg0 : i32
    %mul3A_1 = arith.constant 10000 : i32
    %mul3A_2 = arith.muli %add3A, %mul3A_1 : i32
    %multiple_of3A = tpu.assume_multiple %mul3A_2, 8 : i32
    %mul3A_3 = arith.constant 640 : i32
    %mul3A_4 = arith.muli %arg1, %mul3A_3 : i32
    %dma_start3A = arith.constant 0 : i32
    %dma_start3A_5 = tpu.memref_slice %arg8[%mul3A_4, %dma_start3A] : memref<10240x8xf32, #tpu.memory_space<vmem_shared>> -> memref<640x8xf32, #tpu.memory_space<vmem_shared>>
    tpu.enqueue_dma source(%arg4 : memref<640x8xf32, #tpu.memory_space<hbm>>) target(%dma_start3A_5 : memref<640x8xf32, #tpu.memory_space<vmem_shared>>) target_semaphore(%arg9 : memref<!tpu.dma_semaphore, #tpu.memory_space<semaphore_mem>>)
    %dma_start3A_6 = arith.constant 0 : i32
    %dma_start3A_7 = arith.constant 0 : i32
    %dma_start3A_8 = arith.constant 0 : i32
    %dma_start3A_9 = arith.constant 0 : i32
    %dma_start3A_10 = tpu.memref_slice %arg6[%dma_start3A_7, %dma_start3A_8, %dma_start3A_9] : memref<3x2x2560xi32, #tpu.memory_space<vmem>> -> memref<1x1x2560xi32, #tpu.memory_space<vmem>>
    %dma_start3A_11 = tpu.memref_squeeze %dma_start3A_10 : memref<1x1x2560xi32, #tpu.memory_space<vmem>> -> memref<2560xi32, #tpu.memory_space<vmem>>
    %dma_start3A_12 = tpu.memref_slice %arg3[%dma_start3A_6, %multiple_of3A] : memref<2x320000xi32, #tpu.memory_space<hbm>> -> memref<1x2560xi32, #tpu.memory_space<hbm>>
    %dma_start3A_13 = tpu.memref_squeeze %dma_start3A_12 : memref<1x2560xi32, #tpu.memory_space<hbm>> -> memref<2560xi32, #tpu.memory_space<hbm>>
    %dma_start3A_14 = arith.constant 0 : i32
    %dma_start3A_15 = tpu.memref_slice %arg6[%dma_start3A_7, %dma_start3A_8, %dma_start3A_14] : memref<3x2x2560xi32, #tpu.memory_space<vmem>> -> memref<1x1x2560xi32, #tpu.memory_space<vmem>>
    %dma_start3A_16 = tpu.memref_squeeze %dma_start3A_15 : memref<1x1x2560xi32, #tpu.memory_space<vmem>> -> memref<2560xi32, #tpu.memory_space<vmem>>
    %dma_start3A_17 = tpu.memref_slice %arg3[%dma_start3A_6, %multiple_of3A] : memref<2x320000xi32, #tpu.memory_space<hbm>> -> memref<1x2560xi32, #tpu.memory_space<hbm>>
    %dma_start3A_18 = tpu.memref_squeeze %dma_start3A_17 : memref<1x2560xi32, #tpu.memory_space<hbm>> -> memref<2560xi32, #tpu.memory_space<hbm>>
    tpu.enqueue_dma source(%dma_start3A_18 : memref<2560xi32, #tpu.memory_space<hbm>>) target(%dma_start3A_16 : memref<2560xi32, #tpu.memory_space<vmem>>) target_semaphore(%arg9 : memref<!tpu.dma_semaphore, #tpu.memory_space<semaphore_mem>>)
    %dma_start3A_19 = arith.constant 1 : i32
    %dma_start3A_20 = arith.constant 0 : i32
    %dma_start3A_21 = arith.constant 1 : i32
    %dma_start3A_22 = arith.constant 0 : i32
    %dma_start3A_23 = tpu.memref_slice %arg6[%dma_start3A_20, %dma_start3A_21, %dma_start3A_22] : memref<3x2x2560xi32, #tpu.memory_space<vmem>> -> memref<1x1x2560xi32, #tpu.memory_space<vmem>>
    %dma_start3A_24 = tpu.memref_squeeze %dma_start3A_23 : memref<1x1x2560xi32, #tpu.memory_space<vmem>> -> memref<2560xi32, #tpu.memory_space<vmem>>
    %dma_start3A_25 = tpu.memref_slice %arg3[%dma_start3A_19, %multiple_of3A] : memref<2x320000xi32, #tpu.memory_space<hbm>> -> memref<1x2560xi32, #tpu.memory_space<hbm>>
    %dma_start3A_26 = tpu.memref_squeeze %dma_start3A_25 : memref<1x2560xi32, #tpu.memory_space<hbm>> -> memref<2560xi32, #tpu.memory_space<hbm>>
    %dma_start3A_27 = arith.constant 0 : i32
    %dma_start3A_28 = tpu.memref_slice %arg6[%dma_start3A_20, %dma_start3A_21, %dma_start3A_27] : memref<3x2x2560xi32, #tpu.memory_space<vmem>> -> memref<1x1x2560xi32, #tpu.memory_space<vmem>>
    %dma_start3A_29 = tpu.memref_squeeze %dma_start3A_28 : memref<1x1x2560xi32, #tpu.memory_space<vmem>> -> memref<2560xi32, #tpu.memory_space<vmem>>
    %dma_start3A_30 = tpu.memref_slice %arg3[%dma_start3A_19, %multiple_of3A] : memref<2x320000xi32, #tpu.memory_space<hbm>> -> memref<1x2560xi32, #tpu.memory_space<hbm>>
    %dma_start3A_31 = tpu.memref_squeeze %dma_start3A_30 : memref<1x2560xi32, #tpu.memory_space<hbm>> -> memref<2560xi32, #tpu.memory_space<hbm>>
    tpu.enqueue_dma source(%dma_start3A_31 : memref<2560xi32, #tpu.memory_space<hbm>>) target(%dma_start3A_29 : memref<2560xi32, #tpu.memory_space<vmem>>) target_semaphore(%arg9 : memref<!tpu.dma_semaphore, #tpu.memory_space<semaphore_mem>>)
    %dma_wait3A = arith.constant 0 : i32
    %dma_wait3A_32 = tpu.memref_slice %arg8[%mul3A_4, %dma_wait3A] : memref<10240x8xf32, #tpu.memory_space<vmem_shared>> -> memref<640x8xf32, #tpu.memory_space<vmem_shared>>
    tpu.wait_dma2 semaphore(%arg9 : memref<!tpu.dma_semaphore, #tpu.memory_space<semaphore_mem>>) src(%arg4 : memref<640x8xf32, #tpu.memory_space<hbm>>) dst(%dma_wait3A_32 : memref<640x8xf32, #tpu.memory_space<vmem_shared>>)
    %dma_wait3A_33 = arith.constant 0 : i32
    %dma_wait3A_34 = arith.constant 0 : i32
    %dma_wait3A_35 = arith.constant 0 : i32
    %dma_wait3A_36 = arith.constant 0 : i32
    %dma_wait3A_37 = tpu.memref_slice %arg6[%dma_wait3A_34, %dma_wait3A_35, %dma_wait3A_36] : memref<3x2x2560xi32, #tpu.memory_space<vmem>> -> memref<1x1x2560xi32, #tpu.memory_space<vmem>>
    %dma_wait3A_38 = tpu.memref_squeeze %dma_wait3A_37 : memref<1x1x2560xi32, #tpu.memory_space<vmem>> -> memref<2560xi32, #tpu.memory_space<vmem>>
    %dma_wait3A_39 = tpu.memref_slice %arg3[%dma_wait3A_33, %multiple_of3A] : memref<2x320000xi32, #tpu.memory_space<hbm>> -> memref<1x2560xi32, #tpu.memory_space<hbm>>
    %dma_wait3A_40 = tpu.memref_squeeze %dma_wait3A_39 : memref<1x2560xi32, #tpu.memory_space<hbm>> -> memref<2560xi32, #tpu.memory_space<hbm>>
    %dma_wait3A_41 = arith.constant 0 : i32
    %dma_wait3A_42 = tpu.memref_slice %arg6[%dma_wait3A_34, %dma_wait3A_35, %dma_wait3A_41] : memref<3x2x2560xi32, #tpu.memory_space<vmem>> -> memref<1x1x2560xi32, #tpu.memory_space<vmem>>
    %dma_wait3A_43 = tpu.memref_squeeze %dma_wait3A_42 : memref<1x1x2560xi32, #tpu.memory_space<vmem>> -> memref<2560xi32, #tpu.memory_space<vmem>>
    %dma_wait3A_44 = tpu.memref_slice %arg3[%dma_wait3A_33, %multiple_of3A] : memref<2x320000xi32, #tpu.memory_space<hbm>> -> memref<1x2560xi32, #tpu.memory_space<hbm>>
    %dma_wait3A_45 = tpu.memref_squeeze %dma_wait3A_44 : memref<1x2560xi32, #tpu.memory_space<hbm>> -> memref<2560xi32, #tpu.memory_space<hbm>>
    tpu.wait_dma2 semaphore(%arg9 : memref<!tpu.dma_semaphore, #tpu.memory_space<semaphore_mem>>) src(%dma_wait3A_45 : memref<2560xi32, #tpu.memory_space<hbm>>) dst(%dma_wait3A_43 : memref<2560xi32, #tpu.memory_space<vmem>>)
    %dma_wait3A_46 = arith.constant 1 : i32
    %dma_wait3A_47 = arith.constant 0 : i32
    %dma_wait3A_48 = arith.constant 1 : i32
    %dma_wait3A_49 = arith.constant 0 : i32
    %dma_wait3A_50 = tpu.memref_slice %arg6[%dma_wait3A_47, %dma_wait3A_48, %dma_wait3A_49] : memref<3x2x2560xi32, #tpu.memory_space<vmem>> -> memref<1x1x2560xi32, #tpu.memory_space<vmem>>
    %dma_wait3A_51 = tpu.memref_squeeze %dma_wait3A_50 : memref<1x1x2560xi32, #tpu.memory_space<vmem>> -> memref<2560xi32, #tpu.memory_space<vmem>>
    %dma_wait3A_52 = tpu.memref_slice %arg3[%dma_wait3A_46, %multiple_of3A] : memref<2x320000xi32, #tpu.memory_space<hbm>> -> memref<1x2560xi32, #tpu.memory_space<hbm>>
    %dma_wait3A_53 = tpu.memref_squeeze %dma_wait3A_52 : memref<1x2560xi32, #tpu.memory_space<hbm>> -> memref<2560xi32, #tpu.memory_space<hbm>>
    %dma_wait3A_54 = arith.constant 0 : i32
    %dma_wait3A_55 = tpu.memref_slice %arg6[%dma_wait3A_47, %dma_wait3A_48, %dma_wait3A_54] : memref<3x2x2560xi32, #tpu.memory_space<vmem>> -> memref<1x1x2560xi32, #tpu.memory_space<vmem>>
    %dma_wait3A_56 = tpu.memref_squeeze %dma_wait3A_55 : memref<1x1x2560xi32, #tpu.memory_space<vmem>> -> memref<2560xi32, #tpu.memory_space<vmem>>
    %dma_wait3A_57 = tpu.memref_slice %arg3[%dma_wait3A_46, %multiple_of3A] : memref<2x320000xi32, #tpu.memory_space<hbm>> -> memref<1x2560xi32, #tpu.memory_space<hbm>>
    %dma_wait3A_58 = tpu.memref_squeeze %dma_wait3A_57 : memref<1x2560xi32, #tpu.memory_space<hbm>> -> memref<2560xi32, #tpu.memory_space<hbm>>
    tpu.wait_dma2 semaphore(%arg9 : memref<!tpu.dma_semaphore, #tpu.memory_space<semaphore_mem>>) src(%dma_wait3A_58 : memref<2560xi32, #tpu.memory_space<hbm>>) dst(%dma_wait3A_56 : memref<2560xi32, #tpu.memory_space<vmem>>)
    %barrier3A = arith.constant 0 : index
    tpu.barrier barrier_id(%barrier3A)
    %add3A_59 = arith.constant 2560 : i32
    %add3A_60 = arith.addi %multiple_of3A, %add3A_59 : i32
    %dma_start3A_61 = arith.constant 0 : i32
    %dma_start3A_62 = arith.constant 1 : i32
    %dma_start3A_63 = arith.constant 0 : i32
    %dma_start3A_64 = arith.constant 0 : i32
    %dma_start3A_65 = tpu.memref_slice %arg6[%dma_start3A_62, %dma_start3A_63, %dma_start3A_64] : memref<3x2x2560xi32, #tpu.memory_space<vmem>> -> memref<1x1x2560xi32, #tpu.memory_space<vmem>>
    %dma_start3A_66 = tpu.memref_squeeze %dma_start3A_65 : memref<1x1x2560xi32, #tpu.memory_space<vmem>> -> memref<2560xi32, #tpu.memory_space<vmem>>
    %dma_start3A_67 = tpu.memref_slice %arg3[%dma_start3A_61, %add3A_60] : memref<2x320000xi32, #tpu.memory_space<hbm>> -> memref<1x2560xi32, #tpu.memory_space<hbm>>
    %dma_start3A_68 = tpu.memref_squeeze %dma_start3A_67 : memref<1x2560xi32, #tpu.memory_space<hbm>> -> memref<2560xi32, #tpu.memory_space<hbm>>
    %dma_start3A_69 = arith.constant 0 : i32
    %dma_start3A_70 = tpu.memref_slice %arg6[%dma_start3A_62, %dma_start3A_63, %dma_start3A_69] : memref<3x2x2560xi32, #tpu.memory_space<vmem>> -> memref<1x1x2560xi32, #tpu.memory_space<vmem>>
    %dma_start3A_71 = tpu.memref_squeeze %dma_start3A_70 : memref<1x1x2560xi32, #tpu.memory_space<vmem>> -> memref<2560xi32, #tpu.memory_space<vmem>>
    %dma_start3A_72 = tpu.memref_slice %arg3[%dma_start3A_61, %add3A_60] : memref<2x320000xi32, #tpu.memory_space<hbm>> -> memref<1x2560xi32, #tpu.memory_space<hbm>>
    %dma_start3A_73 = tpu.memref_squeeze %dma_start3A_72 : memref<1x2560xi32, #tpu.memory_space<hbm>> -> memref<2560xi32, #tpu.memory_space<hbm>>
    tpu.enqueue_dma source(%dma_start3A_73 : memref<2560xi32, #tpu.memory_space<hbm>>) target(%dma_start3A_71 : memref<2560xi32, #tpu.memory_space<vmem>>) target_semaphore(%arg9 : memref<!tpu.dma_semaphore, #tpu.memory_space<semaphore_mem>>)
    %add3A_74 = arith.constant 2560 : i32
    %add3A_75 = arith.addi %multiple_of3A, %add3A_74 : i32
    %dma_start3A_76 = arith.constant 1 : i32
    %dma_start3A_77 = arith.constant 1 : i32
    %dma_start3A_78 = arith.constant 1 : i32
    %dma_start3A_79 = arith.constant 0 : i32
    %dma_start3A_80 = tpu.memref_slice %arg6[%dma_start3A_77, %dma_start3A_78, %dma_start3A_79] : memref<3x2x2560xi32, #tpu.memory_space<vmem>> -> memref<1x1x2560xi32, #tpu.memory_space<vmem>>
    %dma_start3A_81 = tpu.memref_squeeze %dma_start3A_80 : memref<1x1x2560xi32, #tpu.memory_space<vmem>> -> memref<2560xi32, #tpu.memory_space<vmem>>
    %dma_start3A_82 = tpu.memref_slice %arg3[%dma_start3A_76, %add3A_75] : memref<2x320000xi32, #tpu.memory_space<hbm>> -> memref<1x2560xi32, #tpu.memory_space<hbm>>
    %dma_start3A_83 = tpu.memref_squeeze %dma_start3A_82 : memref<1x2560xi32, #tpu.memory_space<hbm>> -> memref<2560xi32, #tpu.memory_space<hbm>>
    %dma_start3A_84 = arith.constant 0 : i32
    %dma_start3A_85 = tpu.memref_slice %arg6[%dma_start3A_77, %dma_start3A_78, %dma_start3A_84] : memref<3x2x2560xi32, #tpu.memory_space<vmem>> -> memref<1x1x2560xi32, #tpu.memory_space<vmem>>
    %dma_start3A_86 = tpu.memref_squeeze %dma_start3A_85 : memref<1x1x2560xi32, #tpu.memory_space<vmem>> -> memref<2560xi32, #tpu.memory_space<vmem>>
    %dma_start3A_87 = tpu.memref_slice %arg3[%dma_start3A_76, %add3A_75] : memref<2x320000xi32, #tpu.memory_space<hbm>> -> memref<1x2560xi32, #tpu.memory_space<hbm>>
    %dma_start3A_88 = tpu.memref_squeeze %dma_start3A_87 : memref<1x2560xi32, #tpu.memory_space<hbm>> -> memref<2560xi32, #tpu.memory_space<hbm>>
    tpu.enqueue_dma source(%dma_start3A_88 : memref<2560xi32, #tpu.memory_space<hbm>>) target(%dma_start3A_86 : memref<2560xi32, #tpu.memory_space<vmem>>) target_semaphore(%arg9 : memref<!tpu.dma_semaphore, #tpu.memory_space<semaphore_mem>>)
    %dma_start3A_89 = arith.constant 0 : i32
    %dma_start3A_90 = arith.constant 0 : i32
    %dma_start3A_91 = arith.constant 0 : i32
    %dma_start3A_92 = arith.constant 0 : i32
    %dma_start3A_93 = arith.constant 0 : i32
    %dma_start3A_94 = tpu.memref_slice %arg7[%dma_start3A_91, %dma_start3A_92, %dma_start3A_93] : memref<2x2560x8xf32, #tpu.memory_space<vmem>> -> memref<1x2560x8xf32, #tpu.memory_space<vmem>>
    %dma_start3A_95 = tpu.memref_squeeze %dma_start3A_94 : memref<1x2560x8xf32, #tpu.memory_space<vmem>> -> memref<2560x8xf32, #tpu.memory_space<vmem>>
    %dma_start3A_96 = arith.constant 0 : i32
    %dma_start3A_97 = tpu.memref_slice %arg6[%dma_start3A_89, %dma_start3A_90, %dma_start3A_96] : memref<3x2x2560xi32, #tpu.memory_space<vmem>> -> memref<1x1x2560xi32, #tpu.memory_space<vmem>>
    %dma_start3A_98 = tpu.memref_squeeze %dma_start3A_97 : memref<1x1x2560xi32, #tpu.memory_space<vmem>> -> memref<2560xi32, #tpu.memory_space<vmem>>
    %dma_start3A_99 = arith.constant 0 : i32
    %dma_start3A_100 = arith.constant 0 : i32
    %dma_start3A_101 = tpu.memref_slice %arg2[%dma_start3A_99, %dma_start3A_100] : memref<10000x8xf32, #tpu.memory_space<hbm>> -> memref<10000x8xf32, #tpu.memory_space<hbm>>
    tpu.enqueue_indirect_dma source(%dma_start3A_101 : memref<10000x8xf32, #tpu.memory_space<hbm>>) target(%dma_start3A_95 : memref<2560x8xf32, #tpu.memory_space<vmem>>) offsets(%dma_start3A_98 : memref<2560xi32, #tpu.memory_space<vmem>>) semaphore(%arg10 : memref<!tpu.dma_semaphore, #tpu.memory_space<semaphore_mem>>)
    %dma_wait3A_102 = arith.constant 0 : i32
    %dma_wait3A_103 = arith.constant 0 : i32
    %dma_wait3A_104 = arith.constant 0 : i32
    %dma_wait3A_105 = arith.constant 0 : i32
    %dma_wait3A_106 = arith.constant 0 : i32
    %dma_wait3A_107 = tpu.memref_slice %arg7[%dma_wait3A_104, %dma_wait3A_105, %dma_wait3A_106] : memref<2x2560x8xf32, #tpu.memory_space<vmem>> -> memref<1x2560x8xf32, #tpu.memory_space<vmem>>
    %dma_wait3A_108 = tpu.memref_squeeze %dma_wait3A_107 : memref<1x2560x8xf32, #tpu.memory_space<vmem>> -> memref<2560x8xf32, #tpu.memory_space<vmem>>
    %dma_wait3A_109 = arith.constant 0 : i32
    %dma_wait3A_110 = tpu.memref_slice %arg6[%dma_wait3A_102, %dma_wait3A_103, %dma_wait3A_109] : memref<3x2x2560xi32, #tpu.memory_space<vmem>> -> memref<1x1x2560xi32, #tpu.memory_space<vmem>>
    %dma_wait3A_111 = tpu.memref_squeeze %dma_wait3A_110 : memref<1x1x2560xi32, #tpu.memory_space<vmem>> -> memref<2560xi32, #tpu.memory_space<vmem>>
    %dma_wait3A_112 = arith.constant 0 : i32
    %dma_wait3A_113 = arith.constant 0 : i32
    %dma_wait3A_114 = tpu.memref_slice %arg2[%dma_wait3A_112, %dma_wait3A_113] : memref<10000x8xf32, #tpu.memory_space<hbm>> -> memref<10000x8xf32, #tpu.memory_space<hbm>>
    tpu.wait_indirect_dma semaphore(%arg10 : memref<!tpu.dma_semaphore, #tpu.memory_space<semaphore_mem>>) src(%dma_wait3A_114 : memref<10000x8xf32, #tpu.memory_space<hbm>>) dst(%dma_wait3A_108 : memref<2560x8xf32, #tpu.memory_space<vmem>>)
    %dma_start3A_115 = arith.constant 0 : i32
    %dma_start3A_116 = arith.constant 0 : i32
    %dma_start3A_117 = arith.constant 1 : i32
    %dma_start3A_118 = arith.constant 0 : i32
    %dma_start3A_119 = arith.constant 0 : i32
    %dma_start3A_120 = tpu.memref_slice %arg7[%dma_start3A_115, %dma_start3A_118, %dma_start3A_119] : memref<2x2560x8xf32, #tpu.memory_space<vmem>> -> memref<1x2560x8xf32, #tpu.memory_space<vmem>>
    %dma_start3A_121 = tpu.memref_squeeze %dma_start3A_120 : memref<1x2560x8xf32, #tpu.memory_space<vmem>> -> memref<2560x8xf32, #tpu.memory_space<vmem>>
    %dma_start3A_122 = arith.constant 0 : i32
    %dma_start3A_123 = tpu.memref_slice %arg6[%dma_start3A_116, %dma_start3A_117, %dma_start3A_122] : memref<3x2x2560xi32, #tpu.memory_space<vmem>> -> memref<1x1x2560xi32, #tpu.memory_space<vmem>>
    %dma_start3A_124 = tpu.memref_squeeze %dma_start3A_123 : memref<1x1x2560xi32, #tpu.memory_space<vmem>> -> memref<2560xi32, #tpu.memory_space<vmem>>
    %dma_start3A_125 = arith.constant 0 : i32
    %dma_start3A_126 = arith.constant 0 : i32
    %dma_start3A_127 = tpu.memref_slice %arg8[%dma_start3A_125, %dma_start3A_126] : memref<10240x8xf32, #tpu.memory_space<vmem_shared>> -> memref<10240x8xf32, #tpu.memory_space<vmem_shared>>
    tpu.enqueue_indirect_dma source(%dma_start3A_121 : memref<2560x8xf32, #tpu.memory_space<vmem>>) target(%dma_start3A_127 : memref<10240x8xf32, #tpu.memory_space<vmem_shared>>) offsets(%dma_start3A_124 : memref<2560xi32, #tpu.memory_space<vmem>>) semaphore(%arg11 : memref<!tpu.dma_semaphore, #tpu.memory_space<semaphore_mem>>) {add = true}
    %dma_wait3A_128 = arith.constant 0 : i32
    %dma_wait3A_129 = arith.constant 1 : i32
    %dma_wait3A_130 = arith.constant 0 : i32
    %dma_wait3A_131 = arith.constant 0 : i32
    %dma_wait3A_132 = tpu.memref_slice %arg6[%dma_wait3A_129, %dma_wait3A_130, %dma_wait3A_131] : memref<3x2x2560xi32, #tpu.memory_space<vmem>> -> memref<1x1x2560xi32, #tpu.memory_space<vmem>>
    %dma_wait3A_133 = tpu.memref_squeeze %dma_wait3A_132 : memref<1x1x2560xi32, #tpu.memory_space<vmem>> -> memref<2560xi32, #tpu.memory_space<vmem>>
    %dma_wait3A_134 = tpu.memref_slice %arg3[%dma_wait3A_128, %add3A_60] : memref<2x320000xi32, #tpu.memory_space<hbm>> -> memref<1x2560xi32, #tpu.memory_space<hbm>>
    %dma_wait3A_135 = tpu.memref_squeeze %dma_wait3A_134 : memref<1x2560xi32, #tpu.memory_space<hbm>> -> memref<2560xi32, #tpu.memory_space<hbm>>
    %dma_wait3A_136 = arith.constant 0 : i32
    %dma_wait3A_137 = tpu.memref_slice %arg6[%dma_wait3A_129, %dma_wait3A_130, %dma_wait3A_136] : memref<3x2x2560xi32, #tpu.memory_space<vmem>> -> memref<1x1x2560xi32, #tpu.memory_space<vmem>>
    %dma_wait3A_138 = tpu.memref_squeeze %dma_wait3A_137 : memref<1x1x2560xi32, #tpu.memory_space<vmem>> -> memref<2560xi32, #tpu.memory_space<vmem>>
    %dma_wait3A_139 = tpu.memref_slice %arg3[%dma_wait3A_128, %add3A_60] : memref<2x320000xi32, #tpu.memory_space<hbm>> -> memref<1x2560xi32, #tpu.memory_space<hbm>>
    %dma_wait3A_140 = tpu.memref_squeeze %dma_wait3A_139 : memref<1x2560xi32, #tpu.memory_space<hbm>> -> memref<2560xi32, #tpu.memory_space<hbm>>
    tpu.wait_dma2 semaphore(%arg9 : memref<!tpu.dma_semaphore, #tpu.memory_space<semaphore_mem>>) src(%dma_wait3A_140 : memref<2560xi32, #tpu.memory_space<hbm>>) dst(%dma_wait3A_138 : memref<2560xi32, #tpu.memory_space<vmem>>)
    %dma_wait3A_141 = arith.constant 1 : i32
    %dma_wait3A_142 = arith.constant 1 : i32
    %dma_wait3A_143 = arith.constant 1 : i32
    %dma_wait3A_144 = arith.constant 0 : i32
    %dma_wait3A_145 = tpu.memref_slice %arg6[%dma_wait3A_142, %dma_wait3A_143, %dma_wait3A_144] : memref<3x2x2560xi32, #tpu.memory_space<vmem>> -> memref<1x1x2560xi32, #tpu.memory_space<vmem>>
    %dma_wait3A_146 = tpu.memref_squeeze %dma_wait3A_145 : memref<1x1x2560xi32, #tpu.memory_space<vmem>> -> memref<2560xi32, #tpu.memory_space<vmem>>
    %dma_wait3A_147 = tpu.memref_slice %arg3[%dma_wait3A_141, %add3A_75] : memref<2x320000xi32, #tpu.memory_space<hbm>> -> memref<1x2560xi32, #tpu.memory_space<hbm>>
    %dma_wait3A_148 = tpu.memref_squeeze %dma_wait3A_147 : memref<1x2560xi32, #tpu.memory_space<hbm>> -> memref<2560xi32, #tpu.memory_space<hbm>>
    %dma_wait3A_149 = arith.constant 0 : i32
    %dma_wait3A_150 = tpu.memref_slice %arg6[%dma_wait3A_142, %dma_wait3A_143, %dma_wait3A_149] : memref<3x2x2560xi32, #tpu.memory_space<vmem>> -> memref<1x1x2560xi32, #tpu.memory_space<vmem>>
    %dma_wait3A_151 = tpu.memref_squeeze %dma_wait3A_150 : memref<1x1x2560xi32, #tpu.memory_space<vmem>> -> memref<2560xi32, #tpu.memory_space<vmem>>
    %dma_wait3A_152 = tpu.memref_slice %arg3[%dma_wait3A_141, %add3A_75] : memref<2x320000xi32, #tpu.memory_space<hbm>> -> memref<1x2560xi32, #tpu.memory_space<hbm>>
    %dma_wait3A_153 = tpu.memref_squeeze %dma_wait3A_152 : memref<1x2560xi32, #tpu.memory_space<hbm>> -> memref<2560xi32, #tpu.memory_space<hbm>>
    tpu.wait_dma2 semaphore(%arg9 : memref<!tpu.dma_semaphore, #tpu.memory_space<semaphore_mem>>) src(%dma_wait3A_153 : memref<2560xi32, #tpu.memory_space<hbm>>) dst(%dma_wait3A_151 : memref<2560xi32, #tpu.memory_space<vmem>>)
    %add3A_154 = arith.constant 5120 : i32
    %add3A_155 = arith.addi %multiple_of3A, %add3A_154 : i32
    %dma_start3A_156 = arith.constant 0 : i32
    %dma_start3A_157 = arith.constant 2 : i32
    %dma_start3A_158 = arith.constant 0 : i32
    %dma_start3A_159 = arith.constant 0 : i32
    %dma_start3A_160 = tpu.memref_slice %arg6[%dma_start3A_157, %dma_start3A_158, %dma_start3A_159] : memref<3x2x2560xi32, #tpu.memory_space<vmem>> -> memref<1x1x2560xi32, #tpu.memory_space<vmem>>
    %dma_start3A_161 = tpu.memref_squeeze %dma_start3A_160 : memref<1x1x2560xi32, #tpu.memory_space<vmem>> -> memref<2560xi32, #tpu.memory_space<vmem>>
    %dma_start3A_162 = tpu.memref_slice %arg3[%dma_start3A_156, %add3A_155] : memref<2x320000xi32, #tpu.memory_space<hbm>> -> memref<1x2560xi32, #tpu.memory_space<hbm>>
    %dma_start3A_163 = tpu.memref_squeeze %dma_start3A_162 : memref<1x2560xi32, #tpu.memory_space<hbm>> -> memref<2560xi32, #tpu.memory_space<hbm>>
    %dma_start3A_164 = arith.constant 0 : i32
    %dma_start3A_165 = tpu.memref_slice %arg6[%dma_start3A_157, %dma_start3A_158, %dma_start3A_164] : memref<3x2x2560xi32, #tpu.memory_space<vmem>> -> memref<1x1x2560xi32, #tpu.memory_space<vmem>>
    %dma_start3A_166 = tpu.memref_squeeze %dma_start3A_165 : memref<1x1x2560xi32, #tpu.memory_space<vmem>> -> memref<2560xi32, #tpu.memory_space<vmem>>
    %dma_start3A_167 = tpu.memref_slice %arg3[%dma_start3A_156, %add3A_155] : memref<2x320000xi32, #tpu.memory_space<hbm>> -> memref<1x2560xi32, #tpu.memory_space<hbm>>
    %dma_start3A_168 = tpu.memref_squeeze %dma_start3A_167 : memref<1x2560xi32, #tpu.memory_space<hbm>> -> memref<2560xi32, #tpu.memory_space<hbm>>
    tpu.enqueue_dma source(%dma_start3A_168 : memref<2560xi32, #tpu.memory_space<hbm>>) target(%dma_start3A_166 : memref<2560xi32, #tpu.memory_space<vmem>>) target_semaphore(%arg9 : memref<!tpu.dma_semaphore, #tpu.memory_space<semaphore_mem>>)
    %add3A_169 = arith.constant 5120 : i32
    %add3A_170 = arith.addi %multiple_of3A, %add3A_169 : i32
    %dma_start3A_171 = arith.constant 1 : i32
    %dma_start3A_172 = arith.constant 2 : i32
    %dma_start3A_173 = arith.constant 1 : i32
    %dma_start3A_174 = arith.constant 0 : i32
    %dma_start3A_175 = tpu.memref_slice %arg6[%dma_start3A_172, %dma_start3A_173, %dma_start3A_174] : memref<3x2x2560xi32, #tpu.memory_space<vmem>> -> memref<1x1x2560xi32, #tpu.memory_space<vmem>>
    %dma_start3A_176 = tpu.memref_squeeze %dma_start3A_175 : memref<1x1x2560xi32, #tpu.memory_space<vmem>> -> memref<2560xi32, #tpu.memory_space<vmem>>
    %dma_start3A_177 = tpu.memref_slice %arg3[%dma_start3A_171, %add3A_170] : memref<2x320000xi32, #tpu.memory_space<hbm>> -> memref<1x2560xi32, #tpu.memory_space<hbm>>
    %dma_start3A_178 = tpu.memref_squeeze %dma_start3A_177 : memref<1x2560xi32, #tpu.memory_space<hbm>> -> memref<2560xi32, #tpu.memory_space<hbm>>
    %dma_start3A_179 = arith.constant 0 : i32
    %dma_start3A_180 = tpu.memref_slice %arg6[%dma_start3A_172, %dma_start3A_173, %dma_start3A_179] : memref<3x2x2560xi32, #tpu.memory_space<vmem>> -> memref<1x1x2560xi32, #tpu.memory_space<vmem>>
    %dma_start3A_181 = tpu.memref_squeeze %dma_start3A_180 : memref<1x1x2560xi32, #tpu.memory_space<vmem>> -> memref<2560xi32, #tpu.memory_space<vmem>>
    %dma_start3A_182 = tpu.memref_slice %arg3[%dma_start3A_171, %add3A_170] : memref<2x320000xi32, #tpu.memory_space<hbm>> -> memref<1x2560xi32, #tpu.memory_space<hbm>>
    %dma_start3A_183 = tpu.memref_squeeze %dma_start3A_182 : memref<1x2560xi32, #tpu.memory_space<hbm>> -> memref<2560xi32, #tpu.memory_space<hbm>>
    tpu.enqueue_dma source(%dma_start3A_183 : memref<2560xi32, #tpu.memory_space<hbm>>) target(%dma_start3A_181 : memref<2560xi32, #tpu.memory_space<vmem>>) target_semaphore(%arg9 : memref<!tpu.dma_semaphore, #tpu.memory_space<semaphore_mem>>)
    %dma_start3A_184 = arith.constant 1 : i32
    %dma_start3A_185 = arith.constant 0 : i32
    %dma_start3A_186 = arith.constant 1 : i32
    %dma_start3A_187 = arith.constant 0 : i32
    %dma_start3A_188 = arith.constant 0 : i32
    %dma_start3A_189 = tpu.memref_slice %arg7[%dma_start3A_186, %dma_start3A_187, %dma_start3A_188] : memref<2x2560x8xf32, #tpu.memory_space<vmem>> -> memref<1x2560x8xf32, #tpu.memory_space<vmem>>
    %dma_start3A_190 = tpu.memref_squeeze %dma_start3A_189 : memref<1x2560x8xf32, #tpu.memory_space<vmem>> -> memref<2560x8xf32, #tpu.memory_space<vmem>>
    %dma_start3A_191 = arith.constant 0 : i32
    %dma_start3A_192 = tpu.memref_slice %arg6[%dma_start3A_184, %dma_start3A_185, %dma_start3A_191] : memref<3x2x2560xi32, #tpu.memory_space<vmem>> -> memref<1x1x2560xi32, #tpu.memory_space<vmem>>
    %dma_start3A_193 = tpu.memref_squeeze %dma_start3A_192 : memref<1x1x2560xi32, #tpu.memory_space<vmem>> -> memref<2560xi32, #tpu.memory_space<vmem>>
    %dma_start3A_194 = arith.constant 0 : i32
    %dma_start3A_195 = arith.constant 0 : i32
    %dma_start3A_196 = tpu.memref_slice %arg2[%dma_start3A_194, %dma_start3A_195] : memref<10000x8xf32, #tpu.memory_space<hbm>> -> memref<10000x8xf32, #tpu.memory_space<hbm>>
    tpu.enqueue_indirect_dma source(%dma_start3A_196 : memref<10000x8xf32, #tpu.memory_space<hbm>>) target(%dma_start3A_190 : memref<2560x8xf32, #tpu.memory_space<vmem>>) offsets(%dma_start3A_193 : memref<2560xi32, #tpu.memory_space<vmem>>) semaphore(%arg10 : memref<!tpu.dma_semaphore, #tpu.memory_space<semaphore_mem>>)
    %dma_wait3A_197 = arith.constant 0 : i32
    %dma_wait3A_198 = arith.constant 0 : i32
    %dma_wait3A_199 = arith.constant 1 : i32
    %dma_wait3A_200 = arith.constant 0 : i32
    %dma_wait3A_201 = arith.constant 0 : i32
    %dma_wait3A_202 = tpu.memref_slice %arg7[%dma_wait3A_197, %dma_wait3A_200, %dma_wait3A_201] : memref<2x2560x8xf32, #tpu.memory_space<vmem>> -> memref<1x2560x8xf32, #tpu.memory_space<vmem>>
    %dma_wait3A_203 = tpu.memref_squeeze %dma_wait3A_202 : memref<1x2560x8xf32, #tpu.memory_space<vmem>> -> memref<2560x8xf32, #tpu.memory_space<vmem>>
    %dma_wait3A_204 = arith.constant 0 : i32
    %dma_wait3A_205 = tpu.memref_slice %arg6[%dma_wait3A_198, %dma_wait3A_199, %dma_wait3A_204] : memref<3x2x2560xi32, #tpu.memory_space<vmem>> -> memref<1x1x2560xi32, #tpu.memory_space<vmem>>
    %dma_wait3A_206 = tpu.memref_squeeze %dma_wait3A_205 : memref<1x1x2560xi32, #tpu.memory_space<vmem>> -> memref<2560xi32, #tpu.memory_space<vmem>>
    %dma_wait3A_207 = arith.constant 0 : i32
    %dma_wait3A_208 = arith.constant 0 : i32
    %dma_wait3A_209 = tpu.memref_slice %arg8[%dma_wait3A_207, %dma_wait3A_208] : memref<10240x8xf32, #tpu.memory_space<vmem_shared>> -> memref<10240x8xf32, #tpu.memory_space<vmem_shared>>
    tpu.wait_indirect_dma semaphore(%arg11 : memref<!tpu.dma_semaphore, #tpu.memory_space<semaphore_mem>>) src(%dma_wait3A_203 : memref<2560x8xf32, #tpu.memory_space<vmem>>) dst(%dma_wait3A_209 : memref<10240x8xf32, #tpu.memory_space<vmem_shared>>)
    %dma_wait3A_210 = arith.constant 1 : i32
    %dma_wait3A_211 = arith.constant 0 : i32
    %dma_wait3A_212 = arith.constant 1 : i32
    %dma_wait3A_213 = arith.constant 0 : i32
    %dma_wait3A_214 = arith.constant 0 : i32
    %dma_wait3A_215 = tpu.memref_slice %arg7[%dma_wait3A_212, %dma_wait3A_213, %dma_wait3A_214] : memref<2x2560x8xf32, #tpu.memory_space<vmem>> -> memref<1x2560x8xf32, #tpu.memory_space<vmem>>
    %dma_wait3A_216 = tpu.memref_squeeze %dma_wait3A_215 : memref<1x2560x8xf32, #tpu.memory_space<vmem>> -> memref<2560x8xf32, #tpu.memory_space<vmem>>
    %dma_wait3A_217 = arith.constant 0 : i32
    %dma_wait3A_218 = tpu.memref_slice %arg6[%dma_wait3A_210, %dma_wait3A_211, %dma_wait3A_217] : memref<3x2x2560xi32, #tpu.memory_space<vmem>> -> memref<1x1x2560xi32, #tpu.memory_space<vmem>>
    %dma_wait3A_219 = tpu.memref_squeeze %dma_wait3A_218 : memref<1x1x2560xi32, #tpu.memory_space<vmem>> -> memref<2560xi32, #tpu.memory_space<vmem>>
    %dma_wait3A_220 = arith.constant 0 : i32
    %dma_wait3A_221 = arith.constant 0 : i32
    %dma_wait3A_222 = tpu.memref_slice %arg2[%dma_wait3A_220, %dma_wait3A_221] : memref<10000x8xf32, #tpu.memory_space<hbm>> -> memref<10000x8xf32, #tpu.memory_space<hbm>>
    tpu.wait_indirect_dma semaphore(%arg10 : memref<!tpu.dma_semaphore, #tpu.memory_space<semaphore_mem>>) src(%dma_wait3A_222 : memref<10000x8xf32, #tpu.memory_space<hbm>>) dst(%dma_wait3A_216 : memref<2560x8xf32, #tpu.memory_space<vmem>>)
    %dma_start3A_223 = arith.constant 1 : i32
    %dma_start3A_224 = arith.constant 1 : i32
    %dma_start3A_225 = arith.constant 1 : i32
    %dma_start3A_226 = arith.constant 0 : i32
    %dma_start3A_227 = arith.constant 0 : i32
    %dma_start3A_228 = tpu.memref_slice %arg7[%dma_start3A_223, %dma_start3A_226, %dma_start3A_227] : memref<2x2560x8xf32, #tpu.memory_space<vmem>> -> memref<1x2560x8xf32, #tpu.memory_space<vmem>>
    %dma_start3A_229 = tpu.memref_squeeze %dma_start3A_228 : memref<1x2560x8xf32, #tpu.memory_space<vmem>> -> memref<2560x8xf32, #tpu.memory_space<vmem>>
    %dma_start3A_230 = arith.constant 0 : i32
    %dma_start3A_231 = tpu.memref_slice %arg6[%dma_start3A_224, %dma_start3A_225, %dma_start3A_230] : memref<3x2x2560xi32, #tpu.memory_space<vmem>> -> memref<1x1x2560xi32, #tpu.memory_space<vmem>>
    %dma_start3A_232 = tpu.memref_squeeze %dma_start3A_231 : memref<1x1x2560xi32, #tpu.memory_space<vmem>> -> memref<2560xi32, #tpu.memory_space<vmem>>
    %dma_start3A_233 = arith.constant 0 : i32
    %dma_start3A_234 = arith.constant 0 : i32
    %dma_start3A_235 = tpu.memref_slice %arg8[%dma_start3A_233, %dma_start3A_234] : memref<10240x8xf32, #tpu.memory_space<vmem_shared>> -> memref<10240x8xf32, #tpu.memory_space<vmem_shared>>
    tpu.enqueue_indirect_dma source(%dma_start3A_229 : memref<2560x8xf32, #tpu.memory_space<vmem>>) target(%dma_start3A_235 : memref<10240x8xf32, #tpu.memory_space<vmem_shared>>) offsets(%dma_start3A_232 : memref<2560xi32, #tpu.memory_space<vmem>>) semaphore(%arg11 : memref<!tpu.dma_semaphore, #tpu.memory_space<semaphore_mem>>) {add = true}
    %dma_wait3A_236 = arith.constant 0 : i32
    %dma_wait3A_237 = arith.constant 2 : i32
    %dma_wait3A_238 = arith.constant 0 : i32
    %dma_wait3A_239 = arith.constant 0 : i32
    %dma_wait3A_240 = tpu.memref_slice %arg6[%dma_wait3A_237, %dma_wait3A_238, %dma_wait3A_239] : memref<3x2x2560xi32, #tpu.memory_space<vmem>> -> memref<1x1x2560xi32, #tpu.memory_space<vmem>>
    %dma_wait3A_241 = tpu.memref_squeeze %dma_wait3A_240 : memref<1x1x2560xi32, #tpu.memory_space<vmem>> -> memref<2560xi32, #tpu.memory_space<vmem>>
    %dma_wait3A_242 = tpu.memref_slice %arg3[%dma_wait3A_236, %add3A_155] : memref<2x320000xi32, #tpu.memory_space<hbm>> -> memref<1x2560xi32, #tpu.memory_space<hbm>>
    %dma_wait3A_243 = tpu.memref_squeeze %dma_wait3A_242 : memref<1x2560xi32, #tpu.memory_space<hbm>> -> memref<2560xi32, #tpu.memory_space<hbm>>
    %dma_wait3A_244 = arith.constant 0 : i32
    %dma_wait3A_245 = tpu.memref_slice %arg6[%dma_wait3A_237, %dma_wait3A_238, %dma_wait3A_244] : memref<3x2x2560xi32, #tpu.memory_space<vmem>> -> memref<1x1x2560xi32, #tpu.memory_space<vmem>>
    %dma_wait3A_246 = tpu.memref_squeeze %dma_wait3A_245 : memref<1x1x2560xi32, #tpu.memory_space<vmem>> -> memref<2560xi32, #tpu.memory_space<vmem>>
    %dma_wait3A_247 = tpu.memref_slice %arg3[%dma_wait3A_236, %add3A_155] : memref<2x320000xi32, #tpu.memory_space<hbm>> -> memref<1x2560xi32, #tpu.memory_space<hbm>>
    %dma_wait3A_248 = tpu.memref_squeeze %dma_wait3A_247 : memref<1x2560xi32, #tpu.memory_space<hbm>> -> memref<2560xi32, #tpu.memory_space<hbm>>
    tpu.wait_dma2 semaphore(%arg9 : memref<!tpu.dma_semaphore, #tpu.memory_space<semaphore_mem>>) src(%dma_wait3A_248 : memref<2560xi32, #tpu.memory_space<hbm>>) dst(%dma_wait3A_246 : memref<2560xi32, #tpu.memory_space<vmem>>)
    %dma_wait3A_249 = arith.constant 1 : i32
    %dma_wait3A_250 = arith.constant 2 : i32
    %dma_wait3A_251 = arith.constant 1 : i32
    %dma_wait3A_252 = arith.constant 0 : i32
    %dma_wait3A_253 = tpu.memref_slice %arg6[%dma_wait3A_250, %dma_wait3A_251, %dma_wait3A_252] : memref<3x2x2560xi32, #tpu.memory_space<vmem>> -> memref<1x1x2560xi32, #tpu.memory_space<vmem>>
    %dma_wait3A_254 = tpu.memref_squeeze %dma_wait3A_253 : memref<1x1x2560xi32, #tpu.memory_space<vmem>> -> memref<2560xi32, #tpu.memory_space<vmem>>
    %dma_wait3A_255 = tpu.memref_slice %arg3[%dma_wait3A_249, %add3A_170] : memref<2x320000xi32, #tpu.memory_space<hbm>> -> memref<1x2560xi32, #tpu.memory_space<hbm>>
    %dma_wait3A_256 = tpu.memref_squeeze %dma_wait3A_255 : memref<1x2560xi32, #tpu.memory_space<hbm>> -> memref<2560xi32, #tpu.memory_space<hbm>>
    %dma_wait3A_257 = arith.constant 0 : i32
    %dma_wait3A_258 = tpu.memref_slice %arg6[%dma_wait3A_250, %dma_wait3A_251, %dma_wait3A_257] : memref<3x2x2560xi32, #tpu.memory_space<vmem>> -> memref<1x1x2560xi32, #tpu.memory_space<vmem>>
    %dma_wait3A_259 = tpu.memref_squeeze %dma_wait3A_258 : memref<1x1x2560xi32, #tpu.memory_space<vmem>> -> memref<2560xi32, #tpu.memory_space<vmem>>
    %dma_wait3A_260 = tpu.memref_slice %arg3[%dma_wait3A_249, %add3A_170] : memref<2x320000xi32, #tpu.memory_space<hbm>> -> memref<1x2560xi32, #tpu.memory_space<hbm>>
    %dma_wait3A_261 = tpu.memref_squeeze %dma_wait3A_260 : memref<1x2560xi32, #tpu.memory_space<hbm>> -> memref<2560xi32, #tpu.memory_space<hbm>>
    tpu.wait_dma2 semaphore(%arg9 : memref<!tpu.dma_semaphore, #tpu.memory_space<semaphore_mem>>) src(%dma_wait3A_261 : memref<2560xi32, #tpu.memory_space<hbm>>) dst(%dma_wait3A_259 : memref<2560xi32, #tpu.memory_space<vmem>>)
    %add3A_262 = arith.constant 7680 : i32
    %add3A_263 = arith.addi %multiple_of3A, %add3A_262 : i32
    %dma_start3A_264 = arith.constant 0 : i32
    %dma_start3A_265 = arith.constant 0 : i32
    %dma_start3A_266 = arith.constant 0 : i32
    %dma_start3A_267 = arith.constant 0 : i32
    %dma_start3A_268 = tpu.memref_slice %arg6[%dma_start3A_265, %dma_start3A_266, %dma_start3A_267] : memref<3x2x2560xi32, #tpu.memory_space<vmem>> -> memref<1x1x2320xi32, #tpu.memory_space<vmem>>
    %dma_start3A_269 = tpu.memref_squeeze %dma_start3A_268 : memref<1x1x2320xi32, #tpu.memory_space<vmem>> -> memref<2320xi32, #tpu.memory_space<vmem>>
    %dma_start3A_270 = tpu.memref_slice %arg3[%dma_start3A_264, %add3A_263] : memref<2x320000xi32, #tpu.memory_space<hbm>> -> memref<1x2320xi32, #tpu.memory_space<hbm>>
    %dma_start3A_271 = tpu.memref_squeeze %dma_start3A_270 : memref<1x2320xi32, #tpu.memory_space<hbm>> -> memref<2320xi32, #tpu.memory_space<hbm>>
    %dma_start3A_272 = arith.constant 0 : i32
    %dma_start3A_273 = tpu.memref_slice %arg6[%dma_start3A_265, %dma_start3A_266, %dma_start3A_272] : memref<3x2x2560xi32, #tpu.memory_space<vmem>> -> memref<1x1x2320xi32, #tpu.memory_space<vmem>>
    %dma_start3A_274 = tpu.memref_squeeze %dma_start3A_273 : memref<1x1x2320xi32, #tpu.memory_space<vmem>> -> memref<2320xi32, #tpu.memory_space<vmem>>
    %dma_start3A_275 = tpu.memref_slice %arg3[%dma_start3A_264, %add3A_263] : memref<2x320000xi32, #tpu.memory_space<hbm>> -> memref<1x2320xi32, #tpu.memory_space<hbm>>
    %dma_start3A_276 = tpu.memref_squeeze %dma_start3A_275 : memref<1x2320xi32, #tpu.memory_space<hbm>> -> memref<2320xi32, #tpu.memory_space<hbm>>
    tpu.enqueue_dma source(%dma_start3A_276 : memref<2320xi32, #tpu.memory_space<hbm>>) target(%dma_start3A_274 : memref<2320xi32, #tpu.memory_space<vmem>>) target_semaphore(%arg9 : memref<!tpu.dma_semaphore, #tpu.memory_space<semaphore_mem>>)
    %add3A_277 = arith.constant 7680 : i32
    %add3A_278 = arith.addi %multiple_of3A, %add3A_277 : i32
    %dma_start3A_279 = arith.constant 1 : i32
    %dma_start3A_280 = arith.constant 0 : i32
    %dma_start3A_281 = arith.constant 1 : i32
    %dma_start3A_282 = arith.constant 0 : i32
    %dma_start3A_283 = tpu.memref_slice %arg6[%dma_start3A_280, %dma_start3A_281, %dma_start3A_282] : memref<3x2x2560xi32, #tpu.memory_space<vmem>> -> memref<1x1x2320xi32, #tpu.memory_space<vmem>>
    %dma_start3A_284 = tpu.memref_squeeze %dma_start3A_283 : memref<1x1x2320xi32, #tpu.memory_space<vmem>> -> memref<2320xi32, #tpu.memory_space<vmem>>
    %dma_start3A_285 = tpu.memref_slice %arg3[%dma_start3A_279, %add3A_278] : memref<2x320000xi32, #tpu.memory_space<hbm>> -> memref<1x2320xi32, #tpu.memory_space<hbm>>
    %dma_start3A_286 = tpu.memref_squeeze %dma_start3A_285 : memref<1x2320xi32, #tpu.memory_space<hbm>> -> memref<2320xi32, #tpu.memory_space<hbm>>
    %dma_start3A_287 = arith.constant 0 : i32
    %dma_start3A_288 = tpu.memref_slice %arg6[%dma_start3A_280, %dma_start3A_281, %dma_start3A_287] : memref<3x2x2560xi32, #tpu.memory_space<vmem>> -> memref<1x1x2320xi32, #tpu.memory_space<vmem>>
    %dma_start3A_289 = tpu.memref_squeeze %dma_start3A_288 : memref<1x1x2320xi32, #tpu.memory_space<vmem>> -> memref<2320xi32, #tpu.memory_space<vmem>>
    %dma_start3A_290 = tpu.memref_slice %arg3[%dma_start3A_279, %add3A_278] : memref<2x320000xi32, #tpu.memory_space<hbm>> -> memref<1x2320xi32, #tpu.memory_space<hbm>>
    %dma_start3A_291 = tpu.memref_squeeze %dma_start3A_290 : memref<1x2320xi32, #tpu.memory_space<hbm>> -> memref<2320xi32, #tpu.memory_space<hbm>>
    tpu.enqueue_dma source(%dma_start3A_291 : memref<2320xi32, #tpu.memory_space<hbm>>) target(%dma_start3A_289 : memref<2320xi32, #tpu.memory_space<vmem>>) target_semaphore(%arg9 : memref<!tpu.dma_semaphore, #tpu.memory_space<semaphore_mem>>)
    %dma_start3A_292 = arith.constant 2 : i32
    %dma_start3A_293 = arith.constant 0 : i32
    %dma_start3A_294 = arith.constant 0 : i32
    %dma_start3A_295 = arith.constant 0 : i32
    %dma_start3A_296 = arith.constant 0 : i32
    %dma_start3A_297 = tpu.memref_slice %arg7[%dma_start3A_294, %dma_start3A_295, %dma_start3A_296] : memref<2x2560x8xf32, #tpu.memory_space<vmem>> -> memref<1x2560x8xf32, #tpu.memory_space<vmem>>
    %dma_start3A_298 = tpu.memref_squeeze %dma_start3A_297 : memref<1x2560x8xf32, #tpu.memory_space<vmem>> -> memref<2560x8xf32, #tpu.memory_space<vmem>>
    %dma_start3A_299 = arith.constant 0 : i32
    %dma_start3A_300 = tpu.memref_slice %arg6[%dma_start3A_292, %dma_start3A_293, %dma_start3A_299] : memref<3x2x2560xi32, #tpu.memory_space<vmem>> -> memref<1x1x2560xi32, #tpu.memory_space<vmem>>
    %dma_start3A_301 = tpu.memref_squeeze %dma_start3A_300 : memref<1x1x2560xi32, #tpu.memory_space<vmem>> -> memref<2560xi32, #tpu.memory_space<vmem>>
    %dma_start3A_302 = arith.constant 0 : i32
    %dma_start3A_303 = arith.constant 0 : i32
    %dma_start3A_304 = tpu.memref_slice %arg2[%dma_start3A_302, %dma_start3A_303] : memref<10000x8xf32, #tpu.memory_space<hbm>> -> memref<10000x8xf32, #tpu.memory_space<hbm>>
    tpu.enqueue_indirect_dma source(%dma_start3A_304 : memref<10000x8xf32, #tpu.memory_space<hbm>>) target(%dma_start3A_298 : memref<2560x8xf32, #tpu.memory_space<vmem>>) offsets(%dma_start3A_301 : memref<2560xi32, #tpu.memory_space<vmem>>) semaphore(%arg10 : memref<!tpu.dma_semaphore, #tpu.memory_space<semaphore_mem>>)
    %dma_wait3A_305 = arith.constant 1 : i32
    %dma_wait3A_306 = arith.constant 1 : i32
    %dma_wait3A_307 = arith.constant 1 : i32
    %dma_wait3A_308 = arith.constant 0 : i32
    %dma_wait3A_309 = arith.constant 0 : i32
    %dma_wait3A_310 = tpu.memref_slice %arg7[%dma_wait3A_305, %dma_wait3A_308, %dma_wait3A_309] : memref<2x2560x8xf32, #tpu.memory_space<vmem>> -> memref<1x2560x8xf32, #tpu.memory_space<vmem>>
    %dma_wait3A_311 = tpu.memref_squeeze %dma_wait3A_310 : memref<1x2560x8xf32, #tpu.memory_space<vmem>> -> memref<2560x8xf32, #tpu.memory_space<vmem>>
    %dma_wait3A_312 = arith.constant 0 : i32
    %dma_wait3A_313 = tpu.memref_slice %arg6[%dma_wait3A_306, %dma_wait3A_307, %dma_wait3A_312] : memref<3x2x2560xi32, #tpu.memory_space<vmem>> -> memref<1x1x2560xi32, #tpu.memory_space<vmem>>
    %dma_wait3A_314 = tpu.memref_squeeze %dma_wait3A_313 : memref<1x1x2560xi32, #tpu.memory_space<vmem>> -> memref<2560xi32, #tpu.memory_space<vmem>>
    %dma_wait3A_315 = arith.constant 0 : i32
    %dma_wait3A_316 = arith.constant 0 : i32
    %dma_wait3A_317 = tpu.memref_slice %arg8[%dma_wait3A_315, %dma_wait3A_316] : memref<10240x8xf32, #tpu.memory_space<vmem_shared>> -> memref<10240x8xf32, #tpu.memory_space<vmem_shared>>
    tpu.wait_indirect_dma semaphore(%arg11 : memref<!tpu.dma_semaphore, #tpu.memory_space<semaphore_mem>>) src(%dma_wait3A_311 : memref<2560x8xf32, #tpu.memory_space<vmem>>) dst(%dma_wait3A_317 : memref<10240x8xf32, #tpu.memory_space<vmem_shared>>)
    %dma_wait3A_318 = arith.constant 2 : i32
    %dma_wait3A_319 = arith.constant 0 : i32
    %dma_wait3A_320 = arith.constant 0 : i32
    %dma_wait3A_321 = arith.constant 0 : i32
    %dma_wait3A_322 = arith.constant 0 : i32
    %dma_wait3A_323 = tpu.memref_slice %arg7[%dma_wait3A_320, %dma_wait3A_321, %dma_wait3A_322] : memref<2x2560x8xf32, #tpu.memory_space<vmem>> -> memref<1x2560x8xf32, #tpu.memory_space<vmem>>
    %dma_wait3A_324 = tpu.memref_squeeze %dma_wait3A_323 : memref<1x2560x8xf32, #tpu.memory_space<vmem>> -> memref<2560x8xf32, #tpu.memory_space<vmem>>
    %dma_wait3A_325 = arith.constant 0 : i32
    %dma_wait3A_326 = tpu.memref_slice %arg6[%dma_wait3A_318, %dma_wait3A_319, %dma_wait3A_325] : memref<3x2x2560xi32, #tpu.memory_space<vmem>> -> memref<1x1x2560xi32, #tpu.memory_space<vmem>>
    %dma_wait3A_327 = tpu.memref_squeeze %dma_wait3A_326 : memref<1x1x2560xi32, #tpu.memory_space<vmem>> -> memref<2560xi32, #tpu.memory_space<vmem>>
    %dma_wait3A_328 = arith.constant 0 : i32
    %dma_wait3A_329 = arith.constant 0 : i32
    %dma_wait3A_330 = tpu.memref_slice %arg2[%dma_wait3A_328, %dma_wait3A_329] : memref<10000x8xf32, #tpu.memory_space<hbm>> -> memref<10000x8xf32, #tpu.memory_space<hbm>>
    tpu.wait_indirect_dma semaphore(%arg10 : memref<!tpu.dma_semaphore, #tpu.memory_space<semaphore_mem>>) src(%dma_wait3A_330 : memref<10000x8xf32, #tpu.memory_space<hbm>>) dst(%dma_wait3A_324 : memref<2560x8xf32, #tpu.memory_space<vmem>>)
    %dma_start3A_331 = arith.constant 0 : i32
    %dma_start3A_332 = arith.constant 2 : i32
    %dma_start3A_333 = arith.constant 1 : i32
    %dma_start3A_334 = arith.constant 0 : i32
    %dma_start3A_335 = arith.constant 0 : i32
    %dma_start3A_336 = tpu.memref_slice %arg7[%dma_start3A_331, %dma_start3A_334, %dma_start3A_335] : memref<2x2560x8xf32, #tpu.memory_space<vmem>> -> memref<1x2560x8xf32, #tpu.memory_space<vmem>>
    %dma_start3A_337 = tpu.memref_squeeze %dma_start3A_336 : memref<1x2560x8xf32, #tpu.memory_space<vmem>> -> memref<2560x8xf32, #tpu.memory_space<vmem>>
    %dma_start3A_338 = arith.constant 0 : i32
    %dma_start3A_339 = tpu.memref_slice %arg6[%dma_start3A_332, %dma_start3A_333, %dma_start3A_338] : memref<3x2x2560xi32, #tpu.memory_space<vmem>> -> memref<1x1x2560xi32, #tpu.memory_space<vmem>>
    %dma_start3A_340 = tpu.memref_squeeze %dma_start3A_339 : memref<1x1x2560xi32, #tpu.memory_space<vmem>> -> memref<2560xi32, #tpu.memory_space<vmem>>
    %dma_start3A_341 = arith.constant 0 : i32
    %dma_start3A_342 = arith.constant 0 : i32
    %dma_start3A_343 = tpu.memref_slice %arg8[%dma_start3A_341, %dma_start3A_342] : memref<10240x8xf32, #tpu.memory_space<vmem_shared>> -> memref<10240x8xf32, #tpu.memory_space<vmem_shared>>
    tpu.enqueue_indirect_dma source(%dma_start3A_337 : memref<2560x8xf32, #tpu.memory_space<vmem>>) target(%dma_start3A_343 : memref<10240x8xf32, #tpu.memory_space<vmem_shared>>) offsets(%dma_start3A_340 : memref<2560xi32, #tpu.memory_space<vmem>>) semaphore(%arg11 : memref<!tpu.dma_semaphore, #tpu.memory_space<semaphore_mem>>) {add = true}
    %dma_wait3A_344 = arith.constant 0 : i32
    %dma_wait3A_345 = arith.constant 0 : i32
    %dma_wait3A_346 = arith.constant 0 : i32
    %dma_wait3A_347 = arith.constant 0 : i32
    %dma_wait3A_348 = tpu.memref_slice %arg6[%dma_wait3A_345, %dma_wait3A_346, %dma_wait3A_347] : memref<3x2x2560xi32, #tpu.memory_space<vmem>> -> memref<1x1x2320xi32, #tpu.memory_space<vmem>>
    %dma_wait3A_349 = tpu.memref_squeeze %dma_wait3A_348 : memref<1x1x2320xi32, #tpu.memory_space<vmem>> -> memref<2320xi32, #tpu.memory_space<vmem>>
    %dma_wait3A_350 = tpu.memref_slice %arg3[%dma_wait3A_344, %add3A_263] : memref<2x320000xi32, #tpu.memory_space<hbm>> -> memref<1x2320xi32, #tpu.memory_space<hbm>>
    %dma_wait3A_351 = tpu.memref_squeeze %dma_wait3A_350 : memref<1x2320xi32, #tpu.memory_space<hbm>> -> memref<2320xi32, #tpu.memory_space<hbm>>
    %dma_wait3A_352 = arith.constant 0 : i32
    %dma_wait3A_353 = tpu.memref_slice %arg6[%dma_wait3A_345, %dma_wait3A_346, %dma_wait3A_352] : memref<3x2x2560xi32, #tpu.memory_space<vmem>> -> memref<1x1x2320xi32, #tpu.memory_space<vmem>>
    %dma_wait3A_354 = tpu.memref_squeeze %dma_wait3A_353 : memref<1x1x2320xi32, #tpu.memory_space<vmem>> -> memref<2320xi32, #tpu.memory_space<vmem>>
    %dma_wait3A_355 = tpu.memref_slice %arg3[%dma_wait3A_344, %add3A_263] : memref<2x320000xi32, #tpu.memory_space<hbm>> -> memref<1x2320xi32, #tpu.memory_space<hbm>>
    %dma_wait3A_356 = tpu.memref_squeeze %dma_wait3A_355 : memref<1x2320xi32, #tpu.memory_space<hbm>> -> memref<2320xi32, #tpu.memory_space<hbm>>
    tpu.wait_dma2 semaphore(%arg9 : memref<!tpu.dma_semaphore, #tpu.memory_space<semaphore_mem>>) src(%dma_wait3A_356 : memref<2320xi32, #tpu.memory_space<hbm>>) dst(%dma_wait3A_354 : memref<2320xi32, #tpu.memory_space<vmem>>)
    %dma_wait3A_357 = arith.constant 1 : i32
    %dma_wait3A_358 = arith.constant 0 : i32
    %dma_wait3A_359 = arith.constant 1 : i32
    %dma_wait3A_360 = arith.constant 0 : i32
    %dma_wait3A_361 = tpu.memref_slice %arg6[%dma_wait3A_358, %dma_wait3A_359, %dma_wait3A_360] : memref<3x2x2560xi32, #tpu.memory_space<vmem>> -> memref<1x1x2320xi32, #tpu.memory_space<vmem>>
    %dma_wait3A_362 = tpu.memref_squeeze %dma_wait3A_361 : memref<1x1x2320xi32, #tpu.memory_space<vmem>> -> memref<2320xi32, #tpu.memory_space<vmem>>
    %dma_wait3A_363 = tpu.memref_slice %arg3[%dma_wait3A_357, %add3A_278] : memref<2x320000xi32, #tpu.memory_space<hbm>> -> memref<1x2320xi32, #tpu.memory_space<hbm>>
    %dma_wait3A_364 = tpu.memref_squeeze %dma_wait3A_363 : memref<1x2320xi32, #tpu.memory_space<hbm>> -> memref<2320xi32, #tpu.memory_space<hbm>>
    %dma_wait3A_365 = arith.constant 0 : i32
    %dma_wait3A_366 = tpu.memref_slice %arg6[%dma_wait3A_358, %dma_wait3A_359, %dma_wait3A_365] : memref<3x2x2560xi32, #tpu.memory_space<vmem>> -> memref<1x1x2320xi32, #tpu.memory_space<vmem>>
    %dma_wait3A_367 = tpu.memref_squeeze %dma_wait3A_366 : memref<1x1x2320xi32, #tpu.memory_space<vmem>> -> memref<2320xi32, #tpu.memory_space<vmem>>
    %dma_wait3A_368 = tpu.memref_slice %arg3[%dma_wait3A_357, %add3A_278] : memref<2x320000xi32, #tpu.memory_space<hbm>> -> memref<1x2320xi32, #tpu.memory_space<hbm>>
    %dma_wait3A_369 = tpu.memref_squeeze %dma_wait3A_368 : memref<1x2320xi32, #tpu.memory_space<hbm>> -> memref<2320xi32, #tpu.memory_space<hbm>>
    tpu.wait_dma2 semaphore(%arg9 : memref<!tpu.dma_semaphore, #tpu.memory_space<semaphore_mem>>) src(%dma_wait3A_369 : memref<2320xi32, #tpu.memory_space<hbm>>) dst(%dma_wait3A_367 : memref<2320xi32, #tpu.memory_space<vmem>>)
    %dma_start3A_370 = arith.constant 0 : i32
    %dma_start3A_371 = arith.constant 0 : i32
    %dma_start3A_372 = arith.constant 1 : i32
    %dma_start3A_373 = arith.constant 0 : i32
    %dma_start3A_374 = arith.constant 0 : i32
    %dma_start3A_375 = tpu.memref_slice %arg7[%dma_start3A_372, %dma_start3A_373, %dma_start3A_374] : memref<2x2560x8xf32, #tpu.memory_space<vmem>> -> memref<1x2320x8xf32, #tpu.memory_space<vmem>>
    %dma_start3A_376 = tpu.memref_squeeze %dma_start3A_375 : memref<1x2320x8xf32, #tpu.memory_space<vmem>> -> memref<2320x8xf32, #tpu.memory_space<vmem>>
    %dma_start3A_377 = arith.constant 0 : i32
    %dma_start3A_378 = tpu.memref_slice %arg6[%dma_start3A_370, %dma_start3A_371, %dma_start3A_377] : memref<3x2x2560xi32, #tpu.memory_space<vmem>> -> memref<1x1x2320xi32, #tpu.memory_space<vmem>>
    %dma_start3A_379 = tpu.memref_squeeze %dma_start3A_378 : memref<1x1x2320xi32, #tpu.memory_space<vmem>> -> memref<2320xi32, #tpu.memory_space<vmem>>
    %dma_start3A_380 = arith.constant 0 : i32
    %dma_start3A_381 = arith.constant 0 : i32
    %dma_start3A_382 = tpu.memref_slice %arg2[%dma_start3A_380, %dma_start3A_381] : memref<10000x8xf32, #tpu.memory_space<hbm>> -> memref<10000x8xf32, #tpu.memory_space<hbm>>
    tpu.enqueue_indirect_dma source(%dma_start3A_382 : memref<10000x8xf32, #tpu.memory_space<hbm>>) target(%dma_start3A_376 : memref<2320x8xf32, #tpu.memory_space<vmem>>) offsets(%dma_start3A_379 : memref<2320xi32, #tpu.memory_space<vmem>>) semaphore(%arg10 : memref<!tpu.dma_semaphore, #tpu.memory_space<semaphore_mem>>)
    %dma_wait3A_383 = arith.constant 0 : i32
    %dma_wait3A_384 = arith.constant 2 : i32
    %dma_wait3A_385 = arith.constant 1 : i32
    %dma_wait3A_386 = arith.constant 0 : i32
    %dma_wait3A_387 = arith.constant 0 : i32
    %dma_wait3A_388 = tpu.memref_slice %arg7[%dma_wait3A_383, %dma_wait3A_386, %dma_wait3A_387] : memref<2x2560x8xf32, #tpu.memory_space<vmem>> -> memref<1x2560x8xf32, #tpu.memory_space<vmem>>
    %dma_wait3A_389 = tpu.memref_squeeze %dma_wait3A_388 : memref<1x2560x8xf32, #tpu.memory_space<vmem>> -> memref<2560x8xf32, #tpu.memory_space<vmem>>
    %dma_wait3A_390 = arith.constant 0 : i32
    %dma_wait3A_391 = tpu.memref_slice %arg6[%dma_wait3A_384, %dma_wait3A_385, %dma_wait3A_390] : memref<3x2x2560xi32, #tpu.memory_space<vmem>> -> memref<1x1x2560xi32, #tpu.memory_space<vmem>>
    %dma_wait3A_392 = tpu.memref_squeeze %dma_wait3A_391 : memref<1x1x2560xi32, #tpu.memory_space<vmem>> -> memref<2560xi32, #tpu.memory_space<vmem>>
    %dma_wait3A_393 = arith.constant 0 : i32
    %dma_wait3A_394 = arith.constant 0 : i32
    %dma_wait3A_395 = tpu.memref_slice %arg8[%dma_wait3A_393, %dma_wait3A_394] : memref<10240x8xf32, #tpu.memory_space<vmem_shared>> -> memref<10240x8xf32, #tpu.memory_space<vmem_shared>>
    tpu.wait_indirect_dma semaphore(%arg11 : memref<!tpu.dma_semaphore, #tpu.memory_space<semaphore_mem>>) src(%dma_wait3A_389 : memref<2560x8xf32, #tpu.memory_space<vmem>>) dst(%dma_wait3A_395 : memref<10240x8xf32, #tpu.memory_space<vmem_shared>>)
    %dma_wait3A_396 = arith.constant 0 : i32
    %dma_wait3A_397 = arith.constant 0 : i32
    %dma_wait3A_398 = arith.constant 1 : i32
    %dma_wait3A_399 = arith.constant 0 : i32
    %dma_wait3A_400 = arith.constant 0 : i32
    %dma_wait3A_401 = tpu.memref_slice %arg7[%dma_wait3A_398, %dma_wait3A_399, %dma_wait3A_400] : memref<2x2560x8xf32, #tpu.memory_space<vmem>> -> memref<1x2320x8xf32, #tpu.memory_space<vmem>>
    %dma_wait3A_402 = tpu.memref_squeeze %dma_wait3A_401 : memref<1x2320x8xf32, #tpu.memory_space<vmem>> -> memref<2320x8xf32, #tpu.memory_space<vmem>>
    %dma_wait3A_403 = arith.constant 0 : i32
    %dma_wait3A_404 = tpu.memref_slice %arg6[%dma_wait3A_396, %dma_wait3A_397, %dma_wait3A_403] : memref<3x2x2560xi32, #tpu.memory_space<vmem>> -> memref<1x1x2320xi32, #tpu.memory_space<vmem>>
    %dma_wait3A_405 = tpu.memref_squeeze %dma_wait3A_404 : memref<1x1x2320xi32, #tpu.memory_space<vmem>> -> memref<2320xi32, #tpu.memory_space<vmem>>
    %dma_wait3A_406 = arith.constant 0 : i32
    %dma_wait3A_407 = arith.constant 0 : i32
    %dma_wait3A_408 = tpu.memref_slice %arg2[%dma_wait3A_406, %dma_wait3A_407] : memref<10000x8xf32, #tpu.memory_space<hbm>> -> memref<10000x8xf32, #tpu.memory_space<hbm>>
    tpu.wait_indirect_dma semaphore(%arg10 : memref<!tpu.dma_semaphore, #tpu.memory_space<semaphore_mem>>) src(%dma_wait3A_408 : memref<10000x8xf32, #tpu.memory_space<hbm>>) dst(%dma_wait3A_402 : memref<2320x8xf32, #tpu.memory_space<vmem>>)
    %dma_start3A_409 = arith.constant 1 : i32
    %dma_start3A_410 = arith.constant 0 : i32
    %dma_start3A_411 = arith.constant 1 : i32
    %dma_start3A_412 = arith.constant 0 : i32
    %dma_start3A_413 = arith.constant 0 : i32
    %dma_start3A_414 = tpu.memref_slice %arg7[%dma_start3A_409, %dma_start3A_412, %dma_start3A_413] : memref<2x2560x8xf32, #tpu.memory_space<vmem>> -> memref<1x2320x8xf32, #tpu.memory_space<vmem>>
    %dma_start3A_415 = tpu.memref_squeeze %dma_start3A_414 : memref<1x2320x8xf32, #tpu.memory_space<vmem>> -> memref<2320x8xf32, #tpu.memory_space<vmem>>
    %dma_start3A_416 = arith.constant 0 : i32
    %dma_start3A_417 = tpu.memref_slice %arg6[%dma_start3A_410, %dma_start3A_411, %dma_start3A_416] : memref<3x2x2560xi32, #tpu.memory_space<vmem>> -> memref<1x1x2320xi32, #tpu.memory_space<vmem>>
    %dma_start3A_418 = tpu.memref_squeeze %dma_start3A_417 : memref<1x1x2320xi32, #tpu.memory_space<vmem>> -> memref<2320xi32, #tpu.memory_space<vmem>>
    %dma_start3A_419 = arith.constant 0 : i32
    %dma_start3A_420 = arith.constant 0 : i32
    %dma_start3A_421 = tpu.memref_slice %arg8[%dma_start3A_419, %dma_start3A_420] : memref<10240x8xf32, #tpu.memory_space<vmem_shared>> -> memref<10240x8xf32, #tpu.memory_space<vmem_shared>>
    tpu.enqueue_indirect_dma source(%dma_start3A_415 : memref<2320x8xf32, #tpu.memory_space<vmem>>) target(%dma_start3A_421 : memref<10240x8xf32, #tpu.memory_space<vmem_shared>>) offsets(%dma_start3A_418 : memref<2320xi32, #tpu.memory_space<vmem>>) semaphore(%arg11 : memref<!tpu.dma_semaphore, #tpu.memory_space<semaphore_mem>>) {add = true}
    %dma_wait3A_422 = arith.constant 1 : i32
    %dma_wait3A_423 = arith.constant 0 : i32
    %dma_wait3A_424 = arith.constant 1 : i32
    %dma_wait3A_425 = arith.constant 0 : i32
    %dma_wait3A_426 = arith.constant 0 : i32
    %dma_wait3A_427 = tpu.memref_slice %arg7[%dma_wait3A_422, %dma_wait3A_425, %dma_wait3A_426] : memref<2x2560x8xf32, #tpu.memory_space<vmem>> -> memref<1x2320x8xf32, #tpu.memory_space<vmem>>
    %dma_wait3A_428 = tpu.memref_squeeze %dma_wait3A_427 : memref<1x2320x8xf32, #tpu.memory_space<vmem>> -> memref<2320x8xf32, #tpu.memory_space<vmem>>
    %dma_wait3A_429 = arith.constant 0 : i32
    %dma_wait3A_430 = tpu.memref_slice %arg6[%dma_wait3A_423, %dma_wait3A_424, %dma_wait3A_429] : memref<3x2x2560xi32, #tpu.memory_space<vmem>> -> memref<1x1x2320xi32, #tpu.memory_space<vmem>>
    %dma_wait3A_431 = tpu.memref_squeeze %dma_wait3A_430 : memref<1x1x2320xi32, #tpu.memory_space<vmem>> -> memref<2320xi32, #tpu.memory_space<vmem>>
    %dma_wait3A_432 = arith.constant 0 : i32
    %dma_wait3A_433 = arith.constant 0 : i32
    %dma_wait3A_434 = tpu.memref_slice %arg8[%dma_wait3A_432, %dma_wait3A_433] : memref<10240x8xf32, #tpu.memory_space<vmem_shared>> -> memref<10240x8xf32, #tpu.memory_space<vmem_shared>>
    tpu.wait_indirect_dma semaphore(%arg11 : memref<!tpu.dma_semaphore, #tpu.memory_space<semaphore_mem>>) src(%dma_wait3A_428 : memref<2320x8xf32, #tpu.memory_space<vmem>>) dst(%dma_wait3A_434 : memref<10240x8xf32, #tpu.memory_space<vmem_shared>>)
    %barrier3A_435 = arith.constant 0 : index
    tpu.barrier barrier_id(%barrier3A_435)
    %mul3A_436 = arith.constant 640 : i32
    %mul3A_437 = arith.muli %arg1, %mul3A_436 : i32
    %mul3A_438 = arith.constant 640 : i32
    %mul3A_439 = arith.muli %arg1, %mul3A_438 : i32
    "tpu.region"() ({
      %run_scoped3A = tpu.sem_alloc : memref<!tpu.dma_semaphore, #tpu.memory_space<semaphore_mem>>
      %dma_start3A_440 = arith.constant 0 : i32
      %dma_start3A_441 = tpu.memref_slice %arg5[%arg0, %mul3A_439, %dma_start3A_440] : memref<2x10240x8xf32, #tpu.memory_space<hbm>> -> memref<1x640x8xf32, #tpu.memory_space<hbm>>
      %dma_start3A_442 = tpu.memref_squeeze %dma_start3A_441 : memref<1x640x8xf32, #tpu.memory_space<hbm>> -> memref<640x8xf32, #tpu.memory_space<hbm>>
      %dma_start3A_443 = arith.constant 0 : i32
      %dma_start3A_444 = tpu.memref_slice %arg8[%mul3A_437, %dma_start3A_443] : memref<10240x8xf32, #tpu.memory_space<vmem_shared>> -> memref<640x8xf32, #tpu.memory_space<vmem_shared>>
      tpu.enqueue_dma source(%dma_start3A_444 : memref<640x8xf32, #tpu.memory_space<vmem_shared>>) target(%dma_start3A_442 : memref<640x8xf32, #tpu.memory_space<hbm>>) target_semaphore(%run_scoped3A : memref<!tpu.dma_semaphore, #tpu.memory_space<semaphore_mem>>)
      %dma_wait3A_445 = arith.constant 0 : i32
      %dma_wait3A_446 = tpu.memref_slice %arg5[%arg0, %mul3A_439, %dma_wait3A_445] : memref<2x10240x8xf32, #tpu.memory_space<hbm>> -> memref<1x640x8xf32, #tpu.memory_space<hbm>>
      %dma_wait3A_447 = tpu.memref_squeeze %dma_wait3A_446 : memref<1x640x8xf32, #tpu.memory_space<hbm>> -> memref<640x8xf32, #tpu.memory_space<hbm>>
      %dma_wait3A_448 = arith.constant 0 : i32
      %dma_wait3A_449 = tpu.memref_slice %arg8[%mul3A_437, %dma_wait3A_448] : memref<10240x8xf32, #tpu.memory_space<vmem_shared>> -> memref<640x8xf32, #tpu.memory_space<vmem_shared>>
      tpu.wait_dma2 semaphore(%run_scoped3A : memref<!tpu.dma_semaphore, #tpu.memory_space<semaphore_mem>>) src(%dma_wait3A_449 : memref<640x8xf32, #tpu.memory_space<vmem_shared>>) dst(%dma_wait3A_447 : memref<640x8xf32, #tpu.memory_space<hbm>>)
      tpu.yield
    }) : () -> ()
    return
  }
}

module attributes {stable_mosaic.version = 14 : i64} {
  func.func @_dense1_body(%arg0: memref<10000x128xf32, #tpu.memory_space<vmem>>, %arg1: memref<128x8xf32, #tpu.memory_space<vmem>>, %arg2: memref<2x2x10240x8xf32, #tpu.memory_space<vmem>>, %arg3: memref<10000x8xf32, #tpu.memory_space<vmem>>) attributes {dimension_semantics = [], scalar_prefetch = 0 : i64, scratch_operands = 0 : i64, tpu.core_type = #tpu.core_type<tc>} {
    %get3A = arith.constant 0 : index
    %get3A_0 = arith.constant 0 : index
    %get3A_1 = arith.constant 0 : index
    %get3A_2 = arith.constant 0 : index
    %get3A_3 = vector.load %arg2[%get3A, %get3A_0, %get3A_1, %get3A_2] : memref<2x2x10240x8xf32, #tpu.memory_space<vmem>>, vector<1x1x10240x8xf32>
    %get3A_4 = vector.shape_cast %get3A_3 : vector<1x1x10240x8xf32> to vector<10240x8xf32>
    %get3A_5 = arith.constant 1 : index
    %get3A_6 = arith.constant 0 : index
    %get3A_7 = arith.constant 0 : index
    %get3A_8 = arith.constant 0 : index
    %get3A_9 = vector.load %arg2[%get3A_5, %get3A_6, %get3A_7, %get3A_8] : memref<2x2x10240x8xf32, #tpu.memory_space<vmem>>, vector<1x1x10240x8xf32>
    %get3A_10 = vector.shape_cast %get3A_9 : vector<1x1x10240x8xf32> to vector<10240x8xf32>
    %add3A = arith.addf %get3A_4, %get3A_10 : vector<10240x8xf32>
    %slice3A = vector.extract_strided_slice %add3A {offsets = [0, 0], sizes = [10000, 1], strides = [1, 1]} : vector<10240x8xf32> to vector<10000x1xf32>
    %gt3A = arith.constant 0.000000e+00 : f32
    %gt3A_11 = vector.broadcast %gt3A : f32 to vector<10000x1xf32>
    %gt3A_12 = arith.cmpf ogt, %slice3A, %gt3A_11 : vector<10000x1xf32>
    %rsqrt3A = math.rsqrt %slice3A : vector<10000x1xf32>
    %jit3A = arith.constant 0.000000e+00 : f32
    %broadcast_in_dim3A = vector.broadcast %jit3A : f32 to vector<10000x1xf32>
    %select_n3A = arith.select %gt3A_12, %rsqrt3A, %broadcast_in_dim3A : vector<10000x1xi1>, vector<10000x1xf32>
    %get3A_13 = arith.constant 0 : index
    %get3A_14 = arith.constant 0 : index
    %get3A_15 = vector.load %arg0[%get3A_13, %get3A_14] : memref<10000x128xf32, #tpu.memory_space<vmem>>, vector<10000x128xf32>
    %get3A_16 = arith.constant 0 : index
    %get3A_17 = arith.constant 0 : index
    %get3A_18 = vector.load %arg1[%get3A_16, %get3A_17] : memref<128x8xf32, #tpu.memory_space<vmem>>, vector<128x8xf32>
    %dot_general3A = arith.constant dense<0.000000e+00> : vector<10000x8xf32>
    %dot_general3A_19 = tpu.matmul %get3A_15, %get3A_18, %dot_general3A {dimension_numbers = #tpu.dot_dimension_numbers<[1], [0], [0], [1], [0, 0, 1, 1], [], []>, transpose_lhs_hint = false} : vector<10000x128xf32>, vector<128x8xf32>, vector<10000x8xf32> -> vector<10000x8xf32>
    %mul3A = vector.broadcast %select_n3A : vector<10000x1xf32> to vector<10000x8xf32>
    %mul3A_20 = arith.mulf %dot_general3A_19, %mul3A : vector<10000x8xf32>
    %swap3A = arith.constant 0 : index
    %swap3A_21 = arith.constant 0 : index
    %swap3A_22 = vector.load %arg3[%swap3A, %swap3A_21] : memref<10000x8xf32, #tpu.memory_space<vmem>>, vector<10000x8xf32>
    tpu.vector_store %arg3[%swap3A, %swap3A_21], %mul3A_20 {strides = array<i32>} : memref<10000x8xf32, #tpu.memory_space<vmem>>, vector<10000x8xf32>,
    return
  }
}

module attributes {stable_mosaic.version = 14 : i64} {
  func.func @_dense2_body(%arg0: memref<2x10240x8xf32, #tpu.memory_space<vmem>>, %arg1: memref<2x2x10240x8xf32, #tpu.memory_space<vmem>>, %arg2: memref<8xf32, #tpu.memory_space<vmem>>, %arg3: memref<10000x8xf32, #tpu.memory_space<vmem>>) attributes {dimension_semantics = [], scalar_prefetch = 0 : i64, scratch_operands = 0 : i64, tpu.core_type = #tpu.core_type<tc>} {
    %get3A = arith.constant 0 : index
    %get3A_0 = arith.constant 0 : index
    %get3A_1 = arith.constant 0 : index
    %get3A_2 = arith.constant 0 : index
    %get3A_3 = vector.load %arg1[%get3A, %get3A_0, %get3A_1, %get3A_2] : memref<2x2x10240x8xf32, #tpu.memory_space<vmem>>, vector<1x1x10240x8xf32>
    %get3A_4 = vector.shape_cast %get3A_3 : vector<1x1x10240x8xf32> to vector<10240x8xf32>
    %get3A_5 = arith.constant 1 : index
    %get3A_6 = arith.constant 0 : index
    %get3A_7 = arith.constant 0 : index
    %get3A_8 = arith.constant 0 : index
    %get3A_9 = vector.load %arg1[%get3A_5, %get3A_6, %get3A_7, %get3A_8] : memref<2x2x10240x8xf32, #tpu.memory_space<vmem>>, vector<1x1x10240x8xf32>
    %get3A_10 = vector.shape_cast %get3A_9 : vector<1x1x10240x8xf32> to vector<10240x8xf32>
    %add3A = arith.addf %get3A_4, %get3A_10 : vector<10240x8xf32>
    %slice3A = vector.extract_strided_slice %add3A {offsets = [0, 0], sizes = [10000, 1], strides = [1, 1]} : vector<10240x8xf32> to vector<10000x1xf32>
    %get3A_11 = arith.constant 0 : index
    %get3A_12 = arith.constant 1 : index
    %get3A_13 = arith.constant 0 : index
    %get3A_14 = arith.constant 0 : index
    %get3A_15 = vector.load %arg1[%get3A_11, %get3A_12, %get3A_13, %get3A_14] : memref<2x2x10240x8xf32, #tpu.memory_space<vmem>>, vector<1x1x10240x8xf32>
    %get3A_16 = vector.shape_cast %get3A_15 : vector<1x1x10240x8xf32> to vector<10240x8xf32>
    %get3A_17 = arith.constant 1 : index
    %get3A_18 = arith.constant 1 : index
    %get3A_19 = arith.constant 0 : index
    %get3A_20 = arith.constant 0 : index
    %get3A_21 = vector.load %arg1[%get3A_17, %get3A_18, %get3A_19, %get3A_20] : memref<2x2x10240x8xf32, #tpu.memory_space<vmem>>, vector<1x1x10240x8xf32>
    %get3A_22 = vector.shape_cast %get3A_21 : vector<1x1x10240x8xf32> to vector<10240x8xf32>
    %add3A_23 = arith.addf %get3A_16, %get3A_22 : vector<10240x8xf32>
    %slice3A_24 = vector.extract_strided_slice %add3A_23 {offsets = [0, 0], sizes = [10000, 1], strides = [1, 1]} : vector<10240x8xf32> to vector<10000x1xf32>
    %gt3A = arith.constant 0.000000e+00 : f32
    %gt3A_25 = vector.broadcast %gt3A : f32 to vector<10000x1xf32>
    %gt3A_26 = arith.cmpf ogt, %slice3A, %gt3A_25 : vector<10000x1xf32>
    %rsqrt3A = math.rsqrt %slice3A : vector<10000x1xf32>
    %jit3A = arith.constant 0.000000e+00 : f32
    %broadcast_in_dim3A = vector.broadcast %jit3A : f32 to vector<10000x1xf32>
    %select_n3A = arith.select %gt3A_26, %rsqrt3A, %broadcast_in_dim3A : vector<10000x1xi1>, vector<10000x1xf32>
    %gt3A_27 = arith.constant 0.000000e+00 : f32
    %gt3A_28 = vector.broadcast %gt3A_27 : f32 to vector<10000x1xf32>
    %gt3A_29 = arith.cmpf ogt, %slice3A_24, %gt3A_28 : vector<10000x1xf32>
    %rsqrt3A_30 = math.rsqrt %slice3A_24 : vector<10000x1xf32>
    %jit3A_31 = arith.constant 0.000000e+00 : f32
    %broadcast_in_dim3A_32 = vector.broadcast %jit3A_31 : f32 to vector<10000x1xf32>
    %select_n3A_33 = arith.select %gt3A_29, %rsqrt3A_30, %broadcast_in_dim3A_32 : vector<10000x1xi1>, vector<10000x1xf32>
    %get3A_34 = arith.constant 0 : index
    %get3A_35 = arith.constant 0 : index
    %get3A_36 = arith.constant 0 : index
    %get3A_37 = vector.load %arg0[%get3A_34, %get3A_35, %get3A_36] : memref<2x10240x8xf32, #tpu.memory_space<vmem>>, vector<1x10000x8xf32>
    %get3A_38 = vector.shape_cast %get3A_37 : vector<1x10000x8xf32> to vector<10000x8xf32>
    %get3A_39 = arith.constant 1 : index
    %get3A_40 = arith.constant 0 : index
    %get3A_41 = arith.constant 0 : index
    %get3A_42 = vector.load %arg0[%get3A_39, %get3A_40, %get3A_41] : memref<2x10240x8xf32, #tpu.memory_space<vmem>>, vector<1x10000x8xf32>
    %get3A_43 = vector.shape_cast %get3A_42 : vector<1x10000x8xf32> to vector<10000x8xf32>
    %add3A_44 = arith.addf %get3A_38, %get3A_43 : vector<10000x8xf32>
    %mul3A = vector.broadcast %select_n3A_33 : vector<10000x1xf32> to vector<10000x8xf32>
    %mul3A_45 = arith.mulf %add3A_44, %mul3A : vector<10000x8xf32>
    %get3A_46 = arith.constant 0 : index
    %get3A_47 = vector.load %arg2[%get3A_46] : memref<8xf32, #tpu.memory_space<vmem>>, vector<8xf32>
    %broadcast_in_dim3A_48 = vector.shape_cast %get3A_47 : vector<8xf32> to vector<1x8xf32>
    %add3A_49 = vector.broadcast %broadcast_in_dim3A_48 : vector<1x8xf32> to vector<10000x8xf32>
    %add3A_50 = arith.addf %mul3A_45, %add3A_49 : vector<10000x8xf32>
    %max3A = arith.constant 0.000000e+00 : f32
    %max3A_51 = vector.broadcast %max3A : f32 to vector<10000x8xf32>
    %max3A_52 = arith.maximumf %add3A_50, %max3A_51 : vector<10000x8xf32>
    %mul3A_53 = vector.broadcast %select_n3A : vector<10000x1xf32> to vector<10000x8xf32>
    %mul3A_54 = arith.mulf %max3A_52, %mul3A_53 : vector<10000x8xf32>
    %swap3A = arith.constant 0 : index
    %swap3A_55 = arith.constant 0 : index
    %swap3A_56 = vector.load %arg3[%swap3A, %swap3A_55] : memref<10000x8xf32, #tpu.memory_space<vmem>>, vector<10000x8xf32>
    tpu.vector_store %arg3[%swap3A, %swap3A_55], %mul3A_54 {strides = array<i32>} : memref<10000x8xf32, #tpu.memory_space<vmem>>, vector<10000x8xf32>,
    return
  }
}

module attributes {stable_mosaic.version = 14 : i64} {
  func.func @_head_body(%arg0: memref<2x10240x8xf32, #tpu.memory_space<vmem>>, %arg1: memref<2x2x10240x8xf32, #tpu.memory_space<vmem>>, %arg2: memref<10000x1xi32, #tpu.memory_space<vmem>>, %arg3: memref<8x16xf32, #tpu.memory_space<vmem>>, %arg4: memref<16xf32, #tpu.memory_space<vmem>>, %arg5: memref<16x32xf32, #tpu.memory_space<vmem>>, %arg6: memref<32xf32, #tpu.memory_space<vmem>>, %arg7: memref<32x10xf32, #tpu.memory_space<vmem>>, %arg8: memref<10xf32, #tpu.memory_space<vmem>>, %arg9: memref<64x10xf32, #tpu.memory_space<vmem>>) attributes {dimension_semantics = [], scalar_prefetch = 0 : i64, scratch_operands = 0 : i64, tpu.core_type = #tpu.core_type<tc>} {
    %get3A = arith.constant 0 : index
    %get3A_0 = arith.constant 1 : index
    %get3A_1 = arith.constant 0 : index
    %get3A_2 = arith.constant 0 : index
    %get3A_3 = vector.load %arg1[%get3A, %get3A_0, %get3A_1, %get3A_2] : memref<2x2x10240x8xf32, #tpu.memory_space<vmem>>, vector<1x1x10240x8xf32>
    %get3A_4 = vector.shape_cast %get3A_3 : vector<1x1x10240x8xf32> to vector<10240x8xf32>
    %get3A_5 = arith.constant 1 : index
    %get3A_6 = arith.constant 1 : index
    %get3A_7 = arith.constant 0 : index
    %get3A_8 = arith.constant 0 : index
    %get3A_9 = vector.load %arg1[%get3A_5, %get3A_6, %get3A_7, %get3A_8] : memref<2x2x10240x8xf32, #tpu.memory_space<vmem>>, vector<1x1x10240x8xf32>
    %get3A_10 = vector.shape_cast %get3A_9 : vector<1x1x10240x8xf32> to vector<10240x8xf32>
    %add3A = arith.addf %get3A_4, %get3A_10 : vector<10240x8xf32>
    %slice3A = vector.extract_strided_slice %add3A {offsets = [0, 0], sizes = [10000, 1], strides = [1, 1]} : vector<10240x8xf32> to vector<10000x1xf32>
    %gt3A = arith.constant 0.000000e+00 : f32
    %gt3A_11 = vector.broadcast %gt3A : f32 to vector<10000x1xf32>
    %gt3A_12 = arith.cmpf ogt, %slice3A, %gt3A_11 : vector<10000x1xf32>
    %rsqrt3A = math.rsqrt %slice3A : vector<10000x1xf32>
    %jit3A = arith.constant 0.000000e+00 : f32
    %broadcast_in_dim3A = vector.broadcast %jit3A : f32 to vector<10000x1xf32>
    %select_n3A = arith.select %gt3A_12, %rsqrt3A, %broadcast_in_dim3A : vector<10000x1xi1>, vector<10000x1xf32>
    %get3A_13 = arith.constant 0 : index
    %get3A_14 = arith.constant 0 : index
    %get3A_15 = arith.constant 0 : index
    %get3A_16 = vector.load %arg0[%get3A_13, %get3A_14, %get3A_15] : memref<2x10240x8xf32, #tpu.memory_space<vmem>>, vector<1x10000x8xf32>
    %get3A_17 = vector.shape_cast %get3A_16 : vector<1x10000x8xf32> to vector<10000x8xf32>
    %get3A_18 = arith.constant 1 : index
    %get3A_19 = arith.constant 0 : index
    %get3A_20 = arith.constant 0 : index
    %get3A_21 = vector.load %arg0[%get3A_18, %get3A_19, %get3A_20] : memref<2x10240x8xf32, #tpu.memory_space<vmem>>, vector<1x10000x8xf32>
    %get3A_22 = vector.shape_cast %get3A_21 : vector<1x10000x8xf32> to vector<10000x8xf32>
    %add3A_23 = arith.addf %get3A_17, %get3A_22 : vector<10000x8xf32>
    %get3A_24 = arith.constant 0 : index
    %get3A_25 = arith.constant 0 : index
    %get3A_26 = vector.load %arg3[%get3A_24, %get3A_25] : memref<8x16xf32, #tpu.memory_space<vmem>>, vector<8x16xf32>
    %dot_general3A = arith.constant dense<0.000000e+00> : vector<10000x16xf32>
    %dot_general3A_27 = tpu.matmul %add3A_23, %get3A_26, %dot_general3A {dimension_numbers = #tpu.dot_dimension_numbers<[1], [0], [0], [1], [0, 0, 1, 1], [], []>, transpose_lhs_hint = false} : vector<10000x8xf32>, vector<8x16xf32>, vector<10000x16xf32> -> vector<10000x16xf32>
    %mul3A = vector.broadcast %select_n3A : vector<10000x1xf32> to vector<10000x16xf32>
    %mul3A_28 = arith.mulf %dot_general3A_27, %mul3A : vector<10000x16xf32>
    %get3A_29 = arith.constant 0 : index
    %get3A_30 = vector.load %arg4[%get3A_29] : memref<16xf32, #tpu.memory_space<vmem>>, vector<16xf32>
    %broadcast_in_dim3A_31 = vector.shape_cast %get3A_30 : vector<16xf32> to vector<1x16xf32>
    %add3A_32 = vector.broadcast %broadcast_in_dim3A_31 : vector<1x16xf32> to vector<10000x16xf32>
    %add3A_33 = arith.addf %mul3A_28, %add3A_32 : vector<10000x16xf32>
    %max3A = arith.constant 0.000000e+00 : f32
    %max3A_34 = vector.broadcast %max3A : f32 to vector<10000x16xf32>
    %max3A_35 = arith.maximumf %add3A_33, %max3A_34 : vector<10000x16xf32>
    %get3A_36 = arith.constant 0 : index
    %get3A_37 = arith.constant 0 : index
    %get3A_38 = vector.load %arg2[%get3A_36, %get3A_37] : memref<10000x1xi32, #tpu.memory_space<vmem>>, vector<10000x1xi32>
    %iota3A = tpu.iota {dimensions = array<i32: 1>} : vector<1x64xi32>
    %eq3A = vector.broadcast %get3A_38 : vector<10000x1xi32> to vector<10000x64xi32>
    %eq3A_39 = vector.broadcast %iota3A : vector<1x64xi32> to vector<10000x64xi32>
    %eq3A_40 = arith.cmpi eq, %eq3A, %eq3A_39 : vector<10000x64xi32>
    %convert_element_type3A = arith.extui %eq3A_40 : vector<10000x64xi1> to vector<10000x64xi32>
    %convert_element_type3A_41 = arith.sitofp %convert_element_type3A : vector<10000x64xi32> to vector<10000x64xf32>
    %dot_general3A_42 = arith.constant dense<0.000000e+00> : vector<64x16xf32>
    %dot_general3A_43 = tpu.matmul %convert_element_type3A_41, %max3A_35, %dot_general3A_42 {dimension_numbers = #tpu.dot_dimension_numbers<[0], [0], [1], [1], [0, 1, 1, 1], [], []>, transpose_lhs_hint = false} : vector<10000x64xf32>, vector<10000x16xf32>, vector<64x16xf32> -> vector<64x16xf32>
    %broadcast_in_dim3A_44 = arith.constant 1.000000e+00 : f32
    %broadcast_in_dim3A_45 = vector.broadcast %broadcast_in_dim3A_44 : f32 to vector<10000x1xf32>
    %dot_general3A_46 = arith.constant dense<0.000000e+00> : vector<64x1xf32>
    %dot_general3A_47 = tpu.matmul %convert_element_type3A_41, %broadcast_in_dim3A_45, %dot_general3A_46 {dimension_numbers = #tpu.dot_dimension_numbers<[0], [0], [1], [1], [0, 1, 1, 1], [], []>, transpose_lhs_hint = false} : vector<10000x64xf32>, vector<10000x1xf32>, vector<64x1xf32> -> vector<64x1xf32>
    %max3A_48 = arith.constant 1.000000e+00 : f32
    %max3A_49 = vector.broadcast %max3A_48 : f32 to vector<64x1xf32>
    %max3A_50 = arith.maximumf %dot_general3A_47, %max3A_49 : vector<64x1xf32>
    %div3A = vector.broadcast %max3A_50 : vector<64x1xf32> to vector<64x16xf32>
    %div3A_51 = arith.divf %dot_general3A_43, %div3A : vector<64x16xf32>
    %get3A_52 = arith.constant 0 : index
    %get3A_53 = arith.constant 0 : index
    %get3A_54 = vector.load %arg5[%get3A_52, %get3A_53] : memref<16x32xf32, #tpu.memory_space<vmem>>, vector<16x32xf32>
    %dot_general3A_55 = arith.constant dense<0.000000e+00> : vector<64x32xf32>
    %dot_general3A_56 = tpu.matmul %div3A_51, %get3A_54, %dot_general3A_55 {dimension_numbers = #tpu.dot_dimension_numbers<[1], [0], [0], [1], [0, 0, 1, 1], [], []>, transpose_lhs_hint = false} : vector<64x16xf32>, vector<16x32xf32>, vector<64x32xf32> -> vector<64x32xf32>
    %get3A_57 = arith.constant 0 : index
    %get3A_58 = vector.load %arg6[%get3A_57] : memref<32xf32, #tpu.memory_space<vmem>>, vector<32xf32>
    %broadcast_in_dim3A_59 = vector.shape_cast %get3A_58 : vector<32xf32> to vector<1x32xf32>
    %add3A_60 = vector.broadcast %broadcast_in_dim3A_59 : vector<1x32xf32> to vector<64x32xf32>
    %add3A_61 = arith.addf %dot_general3A_56, %add3A_60 : vector<64x32xf32>
    %get3A_62 = arith.constant 0 : index
    %get3A_63 = arith.constant 0 : index
    %get3A_64 = vector.load %arg7[%get3A_62, %get3A_63] : memref<32x10xf32, #tpu.memory_space<vmem>>, vector<32x10xf32>
    %dot_general3A_65 = arith.constant dense<0.000000e+00> : vector<64x10xf32>
    %dot_general3A_66 = tpu.matmul %add3A_61, %get3A_64, %dot_general3A_65 {dimension_numbers = #tpu.dot_dimension_numbers<[1], [0], [0], [1], [0, 0, 1, 1], [], []>, transpose_lhs_hint = false} : vector<64x32xf32>, vector<32x10xf32>, vector<64x10xf32> -> vector<64x10xf32>
    %get3A_67 = arith.constant 0 : index
    %get3A_68 = vector.load %arg8[%get3A_67] : memref<10xf32, #tpu.memory_space<vmem>>, vector<10xf32>
    %broadcast_in_dim3A_69 = vector.shape_cast %get3A_68 : vector<10xf32> to vector<1x10xf32>
    %add3A_70 = vector.broadcast %broadcast_in_dim3A_69 : vector<1x10xf32> to vector<64x10xf32>
    %add3A_71 = arith.addf %dot_general3A_66, %add3A_70 : vector<64x10xf32>
    %swap3A = arith.constant 0 : index
    %swap3A_72 = arith.constant 0 : index
    %swap3A_73 = vector.load %arg9[%swap3A, %swap3A_72] : memref<64x10xf32, #tpu.memory_space<vmem>>, vector<64x10xf32>
    tpu.vector_store %arg9[%swap3A, %swap3A_72], %add3A_71 {strides = array<i32>} : memref<64x10xf32, #tpu.memory_space<vmem>>, vector<64x10xf32>,
    return
  }
}

</mosaic_0001>

<sc_bundles>
// kernel: kernel.11.cloned.1.call-start
scs
__scs_entry_jumppad:
0x0: {  	(pc) =	sbr.rel $0x88, $3  }
0x1: {  	(tag) =	ssettag $0x0;
	lr =	simm.s32 $0x1  }
0x2: {  	[smem:$0x3F96] =	sst lr;
	_ =	strace $0xD0000000  }
0x3: {  	_ = 	snop  }
0x4: {  	_ = 	snop  }
0x5: {  	_ = 	snop  }
0x6: {  	_ = 	snop  }
0x7: {  	_ = 	snop  }
__scs_overlays_trampoline_lowered:
0x8: {  	[smem:$0x3FA5] =	sst s0  }
0x9: {  	[smem:$0x3FA6] =	sst s1  }
0xa: {  	[smem:$0x3FA7] =	sst s2  }
0xb: {  	[smem:$0x3FA8] =	sst s3  }
0xc: {  	[smem:$0x3FA9] =	sst s4  }
0xd: {  	[smem:$0x3FAA] =	sst s5  }
0xe: {  	[smem:$0x3FAB] =	sst s6  }
0xf: {  	[smem:$0x3FAC] =	sst s7  }
0x10: {  	[smem:$0x3FAD] =	sst s8  }
0x11: {  	[smem:$0x3FAE] =	sst s9;
	s0 =	simm.s32 @!p0 $0x0  }
0x12: {  	s1 =	sld [smem:$0x3F94];
	s0 =	simm.s32 @p0 $0x1  }
0x13: {  	[smem:$0x3FAF] =	sst s0;
	s0 =	simm.s32 @!p1 $0x0  }
0x14: {  	s2 =	sld [smem:$0x3F93];
	s0 =	simm.s32 @p1 $0x1  }
0x15: {  	[smem:$0x3FB0] =	sst s0;
	s0 =	simm.s32 @!p2 $0x0  }
0x16: {  	s3 =	sld [smem:$0x3FDB];
	s0 =	simm.s32 @p2 $0x1  }
0x17: {  	s4 =	simm.s32 $0x1BF5;
	[smem:$0x3FB2] =	sst s0  }
0x18: {  	s0 =	sld [smem:$0x3F95];
	_ =	swait.ge [sflag:s4], $0x0  }
0x19: {  	s7 =	sld [smem:$0x3F96]  }
0x1a: {  	s8 =	sadd.s32 $0xFFFFE003, lr  }
0x1b: {  	s9 =	sadd.s32 $0xFFFFFEF7, lr;
	s5 =	simm.s32 $0xFFFFFFFF;
	p2 =	slt.u32 s8, $0xFFFFF086  }
0x1c: {  	p1 =	slt.u32 s9, $0xF7A;
	s5 =	simm.s32 @!p2 $0x0  }
0x1d: {  	s5 =	simm.s32 @p1 $0x1;
	p0 =	seq.s32 s7, s2  }
0x1e: {  	s7 =	smul.u32 @!p0 $0xF7A, s2;
	p2 =	seq.s32 @!p0 s5, $0x0  }
0x1f: {  	s9 =	smul.u32 $0xF7A, s1;
	s8 =	simm.s32 @!p0 $0x1BF5;
	p2 =	por !p2, p0  }
0x20: {  	[sflag:s8] =	ssyncset.s32 @!p0 $0xFFFFF086;
	s6 =	sadd.s32 @!p0 s3, s7;
	s7 =	simm.s32 @!p0 $0x108  }
0x21: {  	s3 =	sadd.s32 s3, s9;
	s6 =	sadd.s32 @!p0 $0x88, s6;
	s7 =	simm.s32 @p2 $0x1082  }
0x22: {  	[simem:s7], [sflag:s8] =	dma.local @!p0 [hbm:s6], $0xF7A  }
0x23: {  	s9 =	sor.u32 $0xD0000000, s2;
	s6 =	simm.s32 $0x108;
	_ =	swait.ge @!p0 [sflag:s8], $0x0  }
0x24: {  	s3 =	sadd.s32 $0x88, s3;
	s6 =	simm.s32 @!p1 $0x1082;
	[sflag:s4] =	ssyncset.s32 $0xFFFFF086  }
0x25: {  	[simem:s6], [sflag:s4] =	dma.local [hbm:s3], $0xF7A  }
0x26: {  	[smem:$0x3F96] =	sst s1;
	(tag) =	ssettag s2;
	_ =	strace s9  }
0x27: {  	s1 =	sld [smem:$0x3FA6]  }
0x28: {  	s2 =	sld [smem:$0x3FA7]  }
0x29: {  	s4 =	sld [smem:$0x3FA9]  }
0x2a: {  	p0 =	seq.s32 s5, $0x0;
	s5 =	sld [smem:$0x3FAA]  }
0x2b: {  	s6 =	sld [smem:$0x3FAB]  }
0x2c: {  	s7 =	sld [smem:$0x3FAC]  }
0x2d: {  	s3 =	simm.s32 $0x108;
	s8 =	sld [smem:$0x3FAD]  }
0x2e: {  	s3 =	simm.s32 @!p0 $0x1082;
	s9 =	sld [smem:$0x3FAE]  }
0x2f: {  	lr =	sadd.s32 s0, s3;
	s0 =	sld [smem:$0x3FA5]  }
0x30: {  	s3 =	sld [smem:$0x3FA8]  }
0x31: {  	[smem:$0x3FB1] =	sst s10  }
0x32: {  	s10 =	sld [smem:$0x3FAF];
	_ =	sdelay $0x3  }
0x33: {  	p0 =	seq.s32 s10, $0x1;
	s10 =	sld [smem:$0x3FB1];
	_ =	sdelay $0x3  }
0x34: {  	[smem:$0x3FB1] =	sst s10  }
0x35: {  	s10 =	sld [smem:$0x3FB0];
	_ =	sdelay $0x3  }
0x36: {  	p1 =	seq.s32 s10, $0x1;
	s10 =	sld [smem:$0x3FB1];
	_ =	sdelay $0x3  }
0x37: {  	[smem:$0x3FB1] =	sst s10  }
0x38: {  	s10 =	sld [smem:$0x3FB2]  }
0x39: {  	_ = 	snop;
	(pc) =	sbr.ind lr, $3  }
0x3a: {  	_ = 	snop  }
0x3b: {  	_ = 	snop  }
0x3c: {  	p2 =	seq.s32 s10, $0x1;
	s10 =	sld [smem:$0x3FB1]  }
0x3d: {  	_ =	shalt  }
0x3e: {  	_ =	shalt  }
0x3f: {  	_ =	shalt  }
0x40: {  	_ =	shalt  }
0x41: {  	_ =	shalt  }
0x42: {  	_ =	shalt  }
0x43: {  	_ =	shalt  }
0x44: {  	_ =	shalt  }
0x45: {  	_ =	shalt  }
0x46: {  	_ =	shalt  }
0x47: {  	_ =	shalt  }
0x48: {  	_ =	shalt  }
0x49: {  	_ =	shalt  }
0x4a: {  	_ =	shalt  }
0x4b: {  	_ =	shalt  }
0x4c: {  	_ =	shalt  }
0x4d: {  	_ =	shalt  }
0x4e: {  	_ =	shalt  }
0x4f: {  	_ =	shalt  }
0x50: {  	_ =	shalt  }
0x51: {  	_ =	shalt  }
0x52: {  	_ =	shalt  }
0x53: {  	_ =	shalt  }
0x54: {  	_ =	shalt  }
0x55: {  	_ =	shalt  }
0x56: {  	_ =	shalt  }
0x57: {  	_ =	shalt  }
0x58: {  	_ =	shalt  }
0x59: {  	_ =	shalt  }
0x5a: {  	_ =	shalt  }
0x5b: {  	_ =	shalt  }
0x5c: {  	_ =	shalt  }
0x5d: {  	_ =	shalt  }
0x5e: {  	_ =	shalt  }
0x5f: {  	_ =	shalt  }
0x60: {  	_ =	shalt  }
0x61: {  	_ =	shalt  }
0x62: {  	_ =	shalt  }
0x63: {  	_ =	shalt  }
0x64: {  	_ =	shalt  }
0x65: {  	_ =	shalt  }
0x66: {  	_ =	shalt  }
0x67: {  	_ =	shalt  }
0x68: {  	_ =	shalt  }
0x69: {  	_ =	shalt  }
0x6a: {  	_ =	shalt  }
0x6b: {  	_ =	shalt  }
0x6c: {  	_ =	shalt  }
0x6d: {  	_ =	shalt  }
0x6e: {  	_ =	shalt  }
0x6f: {  	_ =	shalt  }
0x70: {  	_ =	shalt  }
0x71: {  	_ =	shalt  }
0x72: {  	_ =	shalt  }
0x73: {  	_ =	shalt  }
0x74: {  	_ =	shalt  }
0x75: {  	_ =	shalt  }
0x76: {  	_ =	shalt  }
0x77: {  	_ =	shalt  }
0x78: {  	_ =	shalt  }
0x79: {  	_ =	shalt  }
0x7a: {  	_ =	shalt  }
0x7b: {  	_ =	shalt  }
0x7c: {  	_ =	shalt  }
0x7d: {  	_ =	shalt  }
0x7e: {  	_ =	shalt  }
0x7f: {  	_ =	shalt  }
0x80: {  	_ =	shalt  }
0x81: {  	_ =	shalt  }
0x82: {  	_ =	shalt  }
0x83: {  	_ =	shalt  }
0x84: {  	_ =	shalt  }
0x85: {  	_ =	shalt  }
0x86: {  	_ =	shalt  }
0x87: {  	_ =	shalt  }
.Lfunc_end0:
.L_simem_size_0:
called_computation.1_lowered:
.L_overlay_start_0:
0x88: {  	s2 =	sld [smem:$0x3FD9]  }
0x89: {  	s3 =	sld [smem:$0x3FFE];
	_ =	sdelay $0x1  }
0x8a: {  	s1 =	srdreg.scid  }
0x8b: {  	s0 =	sand.u32 $0x1, s1  }
0x8c: {  	s16 =	sshll.u32 s0, $0xA;
	s2 =	sadd.s32 s3, s2  }
0x8d: {  	s2 =	sadd.s32 s2, s16  }
0x8e: {  	[smem:$0x3FBD] =	sst s2  }
0x8f: {  	_ = 	snop  }
0x90: {  	(tm) =	ssettm $0x1  }
0x91: {  	s17 =	sld [smem:$0x3FFB];
	_ =	sdelay $0x3  }
0x92: {  	_ =	strace s17  }
0x93: {  	s2 =	sld [smem:$0x3FFC];
	_ =	sdelay $0x3  }
0x94: {  	_ =	strace s2  }
0x95: {  	s2 =	sld [smem:$0x3FFD];
	_ =	sdelay $0x3  }
0x96: {  	_ =	strace s2  }
0x97: {  	_ =	strace $0x8FFFFFFF  }
0x98: {  	s18 =	sld [smem:$0x3FDB];
	_ =	sdelay $0x1  }
0x99: {  	s19 =	simm.s32 $_scs_section_size  }
0x9a: {  	s4 =	simm.s32 $_size__tile_overlayer_lowered;
	s5 =	simm.s32 $_tile_overlayer_lowered  }
0x9b: {  	s22 =	simm.s32 $0x1BFF;
	s21 =	sshll.u32 s5, $0x1;
	s2 =	sadd.s32 s19, s18  }
0x9c: {  	s6 =	simm.s32 $0x0;
	s20 =	sshll.u32 s4, $0x1;
	s4 =	sadd.s32 s21, s2  }
0x9d: {  	[timem:s6], [sflag:s22] =	dma.local [hbm:s4], s20  }
0x9e: {  	_ =	swait.ge [sflag:s22], s20  }
0x9f: {  	s3 =	ssub.s32 $0x0, s20;
	[sflag:s22] =	ssyncset.done $0x0  }
0xa0: {  	[sflag:s22] =	ssyncadd.s32 s3;
	_ =	sdelay $0x1  }
0xa1: {  	s23 =	simm.s32 $0x1B8B  }
0xa2: {  	_ =	swait.ge [sflag:s23], $0x1  }
0xa3: {  	[sflag:s23] =	ssyncset.done $0x0  }
0xa4: {  	s25 =	simm.s32 $0x1B8E;
	s24 =	sld [smem:$0x3FFE];
	[sflag:s23] =	ssyncadd.s32 $0xFFFFFFFF  }
0xa5: {  	s26 =	simm.s32 $execute0_lowered;
	[smem:$0x3FD2] =	sst s25  }
0xa6: {  	s4 =	sshll.u32 s26, $0x1;
	_ =	strace $0x80000049;
	[dreg:$0x1] =	wrdreg $0xFFFFFFFF  }
0xa7: {  	s28 =	simm.s32 $_size_execute0_lowered;
	s2 =	sadd.s32 s2, s4;
	[dreg:$0x0] =	wrdreg $0x0  }
0xa8: {  	s4 =	sshll.u32 s28, $0x1;
	[dreg:$0x2] =	wrdreg s2  }
0xa9: {  	[dreg:$0x3] =	wrdreg s4  }
0xaa: {  	[dreg:$0x4] =	wrdreg $0xC0  }
0xab: {  	_ =	task [dreg:s6], $0x5FFFF  }
0xac: {  	[dreg:$0x1] =	wrdreg $0xFFFFFFFF  }
0xad: {  	[dreg:$0x0] =	wrdreg $0x60  }
0xae: {  	[dreg:$0x2] =	wrdreg s24  }
0xaf: {  	[dreg:$0x3] =	wrdreg $0xDC000  }
0xb0: {  	[dreg:$0x4] =	wrdreg $0x9  }
0xb1: {  	_ =	task.clear_ibuf [dreg:s6], $0x5FFFF;
	_ =	strace $0x90000049  }
0xb2: {  	s29 =	simm.s32 $0x9;
	_ =	strace $0x8000004B  }
0xb3: {  	_ =	swait.ge [sflag:s29], $0x1  }
0xb4: {  	[sflag:s29] =	ssyncadd.s32 $0xFFFFFFFF  }
0xb5: {  	_ =	strace $0x9000004B  }
0xb6: {  	_ =	sfence  }
0xb7: {  	s30 =	sld [smem:$0x0];
	_ =	sdelay $0x2  }
0xb8: {  	s31 =	sshll.u32 s1, $0xD;
	s1 =	sshrl.u32 s1, $0x2  }
0xb9: {  	s3 =	sand.u32 $0x4000, s31;
	s1 =	sadd.s32 s1, s30  }
0xba: {  	s0 =	sor.u32 s3, s0;
	s1 =	sshll.u32 s1, $0x11  }
0xbb: {  	s0 =	sor.u32 s1, s0  }
0xbc: {  	s0 =	sadd.s32 $0x8F2B, s0  }
0xbd: {  	[sflag:s0] =	ssyncadd.remote.s32 $0x1  }
0xbe: {  	_ =	sfence.sel $0xFFFF  }
0xbf: {  	[dreg:$0x0] =	wrdreg $0xFFFFFFFF;
	(pc) =	sbr.abs _section_cstart, $3  }
0xc0: {  	[dreg:$0x1] =	wrdreg $0xFFFFFFFF  }
0xc1: {  	_ =	task.clear_ibuf [dreg:s6], $0x2FFFF;
	_ =	strace $0x9FFFFFFF  }
0xc2: {  	(tm) =	ssettm $0x7FFFFFFF  }
0xc3: {  	_ =	shalt  }
tec
execute0_lowered:
.L_overlay_start_1:
0x0: {  	(tag) =	ssettag $0x1  }
0x1: {  	s26 =	rddreg [dreg:$0x0]  }
0x2: {  	s4 =	srdreg.scid;
	s1 =	stileid.u32  }
0x3: {  	s2 =	rddreg [dreg:$0x1];
	s28 =	sand.u32 $0x1, s4;
	s31 =	sshll.u32 s1, $0x1  }
0x4: {  	s0 =	rddreg [dreg:$0x2];
	s3 =	simm.s32 $0x0;
	s4 =	sor.u32 s28, s31  }
0x5: {  	[smem:$0x7FF] =	sst s3;
	s4 =	smul.u32 $0x2710, s4  }
0x6: {  	s5 =	sadd.s32 $0x16000, s26;
	s30 =	smul.u32 $0x1400, s1;
	s29 =	sshll.u32 s1, $0x6  }
0x7: {  	_ =	strace $0x8000004A;
	[dreg:$0x3] =	wrdreg s5;
	s4 =	sshrl.u32 s4, $0x3  }
0x8: {  	s7 =	rddreg [dreg:$0x3];
	s6 =	sadd.s32 s30, s2;
	s24 =	sadd.s32 s4, s26  }
0x9: {  	s6 =	sshrl.u32 s6, $0x3;
	s4 =	sor.u32 $0x1C01, s29;
	s5 =	sadd.s32 $0x2600, s24  }
0xa: {  	[spmem:s6], [sflag:s4] =	dma.local [hbm:s7], $0x280  }
0xb: {  	[tilespmem:s3], [sflag:$0x1] =	stream.linear.gather [hbm4b:s5+s3], $0xA00, $0x38;
	[tilespmem:$0xF000] =	vst v63  }
0xc: {  	s8 =	simm.s32 $0xA00;
	s9 =	simm.s32 $0x1;
	s7 =	sadd.s32 $0xC240, s24  }
0xd: {  	[tilespmem:s8], [sflag:$0x1] =	stream.linear.gather [hbm4b:s7+s3], $0xA00, $0x38;
	[tilespmem:$0xF000] =	vst v63  }
0xe: {  	_ =	swait.ge [sflag:s9], $0x280  }
0xf: {  	[sflag:s9] =	ssyncset.done $0x0  }
0x10: {  	[sflag:s9] =	ssyncadd.s32 $0xFFFFFD80  }
0x11: {  	_ =	swait.ge [sflag:s9], $0xA00  }
0x12: {  	[sflag:s9] =	ssyncset.done $0x0  }
0x13: {  	[sflag:s9] =	ssyncadd.s32 $0xFFFFF600  }
0x14: {  	_ =	swait.ge [sflag:s9], $0xA00  }
0x15: {  	[sflag:s9] =	ssyncset.done $0x0  }
0x16: {  	[sflag:s9] =	ssyncadd.s32 $0xFFFFF600  }
0x17: {  	s11 =	simm.s32 $0x1400;
	s10 =	sadd.s32 $0x2740, s24;
	[bflag:$0x0] =	sbarrier.arrive $0xFFFF  }
0x18: {  	[tilespmem:s11], [sflag:$0x1] =	stream.linear.gather [hbm4b:s10+s3], $0xA00, $0x38;
	[tilespmem:$0xF000] =	vst v63  }
0x19: {  	s13 =	simm.s32 $0x1E00;
	s12 =	sadd.s32 $0xC380, s24  }
0x1a: {  	[tilespmem:s13], [sflag:$0x1] =	stream.linear.gather [hbm4b:s12+s3], $0xA00, $0x38;
	[tilespmem:$0xF000] =	vst v63  }
0x1b: {  	s15 =	simm.s32 $0x3C00;
	s16 =	simm.s32 $0x2;
	s14 =	sadd.s32 $0x16400, s26  }
0x1c: {  	[tilespmem:s15], [sflag:$0x2] =	stream.indirect.gather [hbm4b:s14+s8], $0x8, s3, s8, $0xb8;
	[tilespmem:$0xF000] =	vst v63  }
0x1d: {  	_ =	swait.ge [sflag:s16], $0x5000  }
0x1e: {  	[sflag:s16] =	ssyncset.done $0x0  }
0x1f: {  	[sflag:s16] =	ssyncadd.s32 $0xFFFFB000  }
0x20: {  	[spmem:s2] =	stream.indirect.scatter.add.f32 [tilespmem:s15], [sflag:$0x3], $0x8, s8, s8, $0xb8;
	[tilespmem:$0xF000] =	vst v63  }
0x21: {  	_ =	swait.ge [sflag:s9], $0xA00  }
0x22: {  	[sflag:s9] =	ssyncset.done $0x0  }
0x23: {  	[sflag:s9] =	ssyncadd.s32 $0xFFFFF600  }
0x24: {  	_ =	swait.ge [sflag:s9], $0xA00  }
0x25: {  	[sflag:s9] =	ssyncset.done $0x0  }
0x26: {  	s18 =	simm.s32 $0x2800;
	s17 =	sadd.s32 $0x2880, s24;
	[sflag:s9] =	ssyncadd.s32 $0xFFFFF600  }
0x27: {  	[tilespmem:s18], [sflag:$0x1] =	stream.linear.gather [hbm4b:s17+s3], $0xA00, $0x38;
	[tilespmem:$0xF000] =	vst v63  }
0x28: {  	s20 =	simm.s32 $0x3200;
	s19 =	sadd.s32 $0xC4C0, s24  }
0x29: {  	[tilespmem:s20], [sflag:$0x1] =	stream.linear.gather [hbm4b:s19+s3], $0xA00, $0x38;
	[tilespmem:$0xF000] =	vst v63  }
0x2a: {  	s21 =	simm.s32 $0x8C00;
	s22 =	simm.s32 $0x3  }
0x2b: {  	[tilespmem:s21], [sflag:$0x2] =	stream.indirect.gather [hbm4b:s14+s8], $0x8, s11, s8, $0xb8;
	[tilespmem:$0xF000] =	vst v63  }
0x2c: {  	_ =	swait.ge [sflag:s22], $0x5000  }
0x2d: {  	[sflag:s22] =	ssyncset.done $0x0  }
0x2e: {  	[sflag:s22] =	ssyncadd.s32 $0xFFFFB000  }
0x2f: {  	_ =	swait.ge [sflag:s16], $0x5000  }
0x30: {  	[sflag:s16] =	ssyncset.done $0x0  }
0x31: {  	[sflag:s16] =	ssyncadd.s32 $0xFFFFB000  }
0x32: {  	[spmem:s2] =	stream.indirect.scatter.add.f32 [tilespmem:s21], [sflag:$0x3], $0x8, s13, s8, $0xb8;
	[tilespmem:$0xF000] =	vst v63  }
0x33: {  	_ =	swait.ge [sflag:s9], $0xA00  }
0x34: {  	[sflag:s9] =	ssyncset.done $0x0  }
0x35: {  	[sflag:s9] =	ssyncadd.s32 $0xFFFFF600  }
0x36: {  	_ =	swait.ge [sflag:s9], $0xA00  }
0x37: {  	[sflag:s9] =	ssyncset.done $0x0  }
0x38: {  	s23 =	sadd.s32 $0x29C0, s24;
	[sflag:s9] =	ssyncadd.s32 $0xFFFFF600  }
0x39: {  	[tilespmem:s3], [sflag:$0x1] =	stream.linear.gather [hbm4b:s23+s3], $0x910, $0x38;
	[tilespmem:$0xF000] =	vst v63  }
0x3a: {  	s24 =	sadd.s32 $0xC600, s24  }
0x3b: {  	[tilespmem:s8], [sflag:$0x1] =	stream.linear.gather [hbm4b:s24+s3], $0x910, $0x38;
	[tilespmem:$0xF000] =	vst v63  }
0x3c: {  	_ = 	snop  }
0x3d: {  	[tilespmem:s15], [sflag:$0x2] =	stream.indirect.gather [hbm4b:s14+s8], $0x8, s18, s8, $0xb8;
	[tilespmem:$0xF000] =	vst v63  }
0x3e: {  	_ =	swait.ge [sflag:s22], $0x5000  }
0x3f: {  	[sflag:s22] =	ssyncset.done $0x0  }
0x40: {  	[sflag:s22] =	ssyncadd.s32 $0xFFFFB000  }
0x41: {  	_ =	swait.ge [sflag:s16], $0x5000  }
0x42: {  	[sflag:s16] =	ssyncset.done $0x0  }
0x43: {  	[sflag:s16] =	ssyncadd.s32 $0xFFFFB000  }
0x44: {  	[spmem:s2] =	stream.indirect.scatter.add.f32 [tilespmem:s15], [sflag:$0x3], $0x8, s20, s8, $0xb8;
	[tilespmem:$0xF000] =	vst v63  }
0x45: {  	_ =	swait.ge [sflag:s9], $0x910  }
0x46: {  	[sflag:s9] =	ssyncset.done $0x0  }
0x47: {  	[sflag:s9] =	ssyncadd.s32 $0xFFFFF6F0  }
0x48: {  	_ =	swait.ge [sflag:s9], $0x910  }
0x49: {  	[sflag:s9] =	ssyncset.done $0x0  }
0x4a: {  	s25 =	simm.s32 $0x910;
	s31 =	smul.u32 $0x14000, s28;
	[sflag:s9] =	ssyncadd.s32 $0xFFFFF6F0  }
0x4b: {  	[tilespmem:s21], [sflag:$0x2] =	stream.indirect.gather [hbm4b:s14+s25], $0x8, s3, s25, $0xb8;
	[tilespmem:$0xF000] =	vst v63  }
0x4c: {  	_ =	swait.ge [sflag:s22], $0x5000  }
0x4d: {  	s30 =	sadd.s32 s30, s31;
	[sflag:s22] =	ssyncset.done $0x0  }
0x4e: {  	s28 =	ssub.s32 $0x2, s28;
	s30 =	sshrl.u32 s30, $0x3;
	[sflag:s22] =	ssyncadd.s32 $0xFFFFB000  }
0x4f: {  	s26 =	sadd.s32 s30, s26;
	s30 =	sshrl.u32 s28, $0x1;
	_ =	swait.ge [sflag:s16], $0x4880  }
0x50: {  	s28 =	ssub.s32 s28, s30;
	[sflag:s16] =	ssyncset.done $0x0  }
0x51: {  	s30 =	smax.u32 s28, $0x1;
	[sflag:s16] =	ssyncadd.s32 $0xFFFFB780  }
0x52: {  	[spmem:s2] =	stream.indirect.scatter.add.f32 [tilespmem:s21], [sflag:$0x3], $0x8, s8, s25, $0xb8;
	[tilespmem:$0xF000] =	vst v63  }
0x53: {  	p0 =	sne.s32 s30, $0x1;
	_ =	swait.ge [sflag:s22], $0x4880  }
.Ltmp0:
0x54: {  	[sflag:s22] =	ssyncset.done $0x0;
	(pc) =	sbr.rel @!p0 .LBB2_2-.Ltmp0, $4  }
0x55: {  	s26 =	sadd.s32 $0x18C00, s26;
	[sflag:s22] =	ssyncadd.s32 $0xFFFFB780  }
0x56: {  	s28 =	sor.u32 $0x1C04, s29;
	s29 =	simm.s32 $0x4;
	[bflag:$0x0] =	sbarrier.arrive $0xFFFF  }
0x57: {  	[hbm:s26], [sflag:s28] =	dma.local [spmem:s6], $0x280  }
0x58: {  	s30 =	sadd.s32 $0xFFFFFFFF, s30;
	_ =	swait.ge [sflag:s29], $0x280  }
.LBB2_1:
0x59: {  	[sflag:s29] =	ssyncset.done $0x0  }
0x5a: {  	s31 =	rddreg [dreg:$0x3];
	[sflag:s29] =	ssyncadd.s32 $0xFFFFFD80  }
0x5b: {  	[spmem:s6], [sflag:s4] =	dma.local [hbm:s31], $0x280  }
0x5c: {  	[tilespmem:s3], [sflag:$0x1] =	stream.linear.gather [hbm4b:s5+s3], $0xA00, $0x38;
	[tilespmem:$0xF000] =	vst v63  }
0x5d: {  	_ = 	snop  }
0x5e: {  	[tilespmem:s8], [sflag:$0x1] =	stream.linear.gather [hbm4b:s7+s3], $0xA00, $0x38;
	[tilespmem:$0xF000] =	vst v63  }
0x5f: {  	_ =	swait.ge [sflag:s9], $0x280  }
0x60: {  	[sflag:s9] =	ssyncset.done $0x0  }
0x61: {  	[sflag:s9] =	ssyncadd.s32 $0xFFFFFD80  }
0x62: {  	_ =	swait.ge [sflag:s9], $0xA00  }
0x63: {  	[sflag:s9] =	ssyncset.done $0x0  }
0x64: {  	[sflag:s9] =	ssyncadd.s32 $0xFFFFF600  }
0x65: {  	_ =	swait.ge [sflag:s9], $0xA00  }
0x66: {  	[sflag:s9] =	ssyncset.done $0x0  }
0x67: {  	[sflag:s9] =	ssyncadd.s32 $0xFFFFF600  }
0x68: {  	[bflag:$0x0] =	sbarrier.arrive $0xFFFF  }
0x69: {  	[tilespmem:s11], [sflag:$0x1] =	stream.linear.gather [hbm4b:s10+s3], $0xA00, $0x38;
	[tilespmem:$0xF000] =	vst v63  }
0x6a: {  	_ = 	snop  }
0x6b: {  	[tilespmem:s13], [sflag:$0x1] =	stream.linear.gather [hbm4b:s12+s3], $0xA00, $0x38;
	[tilespmem:$0xF000] =	vst v63  }
0x6c: {  	_ = 	snop  }
0x6d: {  	[tilespmem:s15], [sflag:$0x2] =	stream.indirect.gather [hbm4b:s14+s8], $0x8, s3, s8, $0xb8;
	[tilespmem:$0xF000] =	vst v63  }
0x6e: {  	_ =	swait.ge [sflag:s16], $0x5000  }
0x6f: {  	[sflag:s16] =	ssyncset.done $0x0  }
0x70: {  	[sflag:s16] =	ssyncadd.s32 $0xFFFFB000  }
0x71: {  	[spmem:s2] =	stream.indirect.scatter.add.f32 [tilespmem:s15], [sflag:$0x3], $0x8, s8, s8, $0xb8;
	[tilespmem:$0xF000] =	vst v63  }
0x72: {  	_ =	swait.ge [sflag:s9], $0xA00  }
0x73: {  	[sflag:s9] =	ssyncset.done $0x0  }
0x74: {  	[sflag:s9] =	ssyncadd.s32 $0xFFFFF600  }
0x75: {  	_ =	swait.ge [sflag:s9], $0xA00  }
0x76: {  	[sflag:s9] =	ssyncset.done $0x0  }
0x77: {  	[sflag:s9] =	ssyncadd.s32 $0xFFFFF600  }
0x78: {  	[tilespmem:s18], [sflag:$0x1] =	stream.linear.gather [hbm4b:s17+s3], $0xA00, $0x38;
	[tilespmem:$0xF000] =	vst v63  }
0x79: {  	_ = 	snop  }
0x7a: {  	[tilespmem:s20], [sflag:$0x1] =	stream.linear.gather [hbm4b:s19+s3], $0xA00, $0x38;
	[tilespmem:$0xF000] =	vst v63  }
0x7b: {  	_ = 	snop  }
0x7c: {  	[tilespmem:s21], [sflag:$0x2] =	stream.indirect.gather [hbm4b:s14+s8], $0x8, s11, s8, $0xb8;
	[tilespmem:$0xF000] =	vst v63  }
0x7d: {  	_ =	swait.ge [sflag:s22], $0x5000  }
0x7e: {  	[sflag:s22] =	ssyncset.done $0x0  }
0x7f: {  	[sflag:s22] =	ssyncadd.s32 $0xFFFFB000  }
0x80: {  	_ =	swait.ge [sflag:s16], $0x5000  }
0x81: {  	[sflag:s16] =	ssyncset.done $0x0  }
0x82: {  	[sflag:s16] =	ssyncadd.s32 $0xFFFFB000  }
0x83: {  	[spmem:s2] =	stream.indirect.scatter.add.f32 [tilespmem:s21], [sflag:$0x3], $0x8, s13, s8, $0xb8;
	[tilespmem:$0xF000] =	vst v63  }
0x84: {  	_ =	swait.ge [sflag:s9], $0xA00  }
0x85: {  	[sflag:s9] =	ssyncset.done $0x0  }
0x86: {  	[sflag:s9] =	ssyncadd.s32 $0xFFFFF600  }
0x87: {  	_ =	swait.ge [sflag:s9], $0xA00  }
0x88: {  	[sflag:s9] =	ssyncset.done $0x0  }
0x89: {  	[sflag:s9] =	ssyncadd.s32 $0xFFFFF600  }
0x8a: {  	[tilespmem:s3], [sflag:$0x1] =	stream.linear.gather [hbm4b:s23+s3], $0x910, $0x38;
	[tilespmem:$0xF000] =	vst v63  }
0x8b: {  	_ = 	snop  }
0x8c: {  	[tilespmem:s8], [sflag:$0x1] =	stream.linear.gather [hbm4b:s24+s3], $0x910, $0x38;
	[tilespmem:$0xF000] =	vst v63  }
0x8d: {  	_ = 	snop  }
0x8e: {  	[tilespmem:s15], [sflag:$0x2] =	stream.indirect.gather [hbm4b:s14+s8], $0x8, s18, s8, $0xb8;
	[tilespmem:$0xF000] =	vst v63  }
0x8f: {  	_ =	swait.ge [sflag:s22], $0x5000  }
0x90: {  	[sflag:s22] =	ssyncset.done $0x0  }
0x91: {  	[sflag:s22] =	ssyncadd.s32 $0xFFFFB000  }
0x92: {  	_ =	swait.ge [sflag:s16], $0x5000  }
0x93: {  	[sflag:s16] =	ssyncset.done $0x0  }
0x94: {  	[sflag:s16] =	ssyncadd.s32 $0xFFFFB000  }
0x95: {  	[spmem:s2] =	stream.indirect.scatter.add.f32 [tilespmem:s15], [sflag:$0x3], $0x8, s20, s8, $0xb8;
	[tilespmem:$0xF000] =	vst v63  }
0x96: {  	_ =	swait.ge [sflag:s9], $0x910  }
0x97: {  	[sflag:s9] =	ssyncset.done $0x0  }
0x98: {  	[sflag:s9] =	ssyncadd.s32 $0xFFFFF6F0  }
0x99: {  	_ =	swait.ge [sflag:s9], $0x910  }
0x9a: {  	[sflag:s9] =	ssyncset.done $0x0  }
0x9b: {  	[sflag:s9] =	ssyncadd.s32 $0xFFFFF6F0  }
0x9c: {  	[tilespmem:s21], [sflag:$0x2] =	stream.indirect.gather [hbm4b:s14+s25], $0x8, s3, s25, $0xb8;
	[tilespmem:$0xF000] =	vst v63  }
0x9d: {  	_ =	swait.ge [sflag:s22], $0x5000  }
0x9e: {  	[sflag:s22] =	ssyncset.done $0x0  }
0x9f: {  	[sflag:s22] =	ssyncadd.s32 $0xFFFFB000  }
0xa0: {  	_ =	swait.ge [sflag:s16], $0x4880  }
0xa1: {  	[sflag:s16] =	ssyncset.done $0x0  }
0xa2: {  	[sflag:s16] =	ssyncadd.s32 $0xFFFFB780  }
0xa3: {  	[spmem:s2] =	stream.indirect.scatter.add.f32 [tilespmem:s21], [sflag:$0x3], $0x8, s8, s25, $0xb8;
	[tilespmem:$0xF000] =	vst v63  }
0xa4: {  	p0 =	sne.s32 s30, $0x1;
	_ =	swait.ge [sflag:s22], $0x4880  }
.Ltmp1:
0xa5: {  	[sflag:s22] =	ssyncset.done $0x0;
	(pc) =	sbr.rel @p0 .LBB2_1-.Ltmp1, $4  }
0xa6: {  	[sflag:s22] =	ssyncadd.s32 $0xFFFFB780  }
0xa7: {  	[bflag:$0x0] =	sbarrier.arrive $0xFFFF  }
0xa8: {  	[hbm:s26], [sflag:s28] =	dma.local [spmem:s6], $0x280  }
0xa9: {  	s30 =	sadd.s32 $0xFFFFFFFF, s30;
	_ =	swait.ge [sflag:s29], $0x280  }
.LBB2_2:
0xaa: {  	[sflag:s29] =	ssyncset.done $0x0  }
0xab: {  	[sflag:s29] =	ssyncadd.s32 $0xFFFFFD80  }
0xac: {  	_ =	sfence.sel $0x180000  }
0xad: {  	[bflag:$0x0] =	sbarrier.arrive $0xFFFF  }
0xae: {  	p0 =	sne.s32 s1, $0x0;
	_ =	strace $0x9000004A  }
0xaf: {  	s0 =	sadd.s32 @!p0 $0x100000, s0;
	[bflag:$0x2] =	sbarrier.arrive $0xFFFF  }
0xb0: {  	[sflag:s0] =	ssyncadd.tile.s32 @!p0 $0x1;
	_ =	shalt  }
.Lfunc_end2:
_tile_overlayer_lowered:
.L_overlay_start_2:
0xb1: {  	(tag) =	ssettag $0x2  }
0xb2: {  	s0 =	rddreg [dreg:$0x0];
	s2 =	stileid.u32  }
0xb3: {  	s1 =	rddreg [dreg:$0x1];
	p0 =	sne.s32 s2, $0x0  }
0xb4: {  	s3 =	rddreg [dreg:$0x2];
	[bflag:$0x3] =	sbarrier.arrive $0xFFFF;
	s2 =	simm.s32 @!p0 $0x1C04  }
0xb5: {  	[timem:s3], [sflag:s2] =	dma.local @!p0 [hbm:s0], s1  }
0xb6: {  	s0 =	simm.s32 @!p0 $0x4  }
0xb7: {  	_ =	swait.ge @!p0 [sflag:s0], s1  }
0xb8: {  	s1 =	ssub.s32 @!p0 $0x0, s1;
	[sflag:s0] =	ssyncset.done @!p0 $0x0  }
0xb9: {  	[sflag:s0] =	ssyncadd.s32 @!p0 s1  }
0xba: {  	[bflag:$0x3] =	sbarrier.arrive $0xFFFF  }
0xbb: {  	_ =	shalt  }

// kernel: kernel.14.cloned.1.call-start
scs
__scs_entry_jumppad:
0x0: {  	(pc) =	sbr.rel $0x88, $3  }
0x1: {  	(tag) =	ssettag $0x0;
	lr =	simm.s32 $0x1  }
0x2: {  	[smem:$0x3F96] =	sst lr;
	_ =	strace $0xD0000000  }
0x3: {  	_ = 	snop  }
0x4: {  	_ = 	snop  }
0x5: {  	_ = 	snop  }
0x6: {  	_ = 	snop  }
0x7: {  	_ = 	snop  }
__scs_overlays_trampoline_lowered:
0x8: {  	[smem:$0x3FA5] =	sst s0  }
0x9: {  	[smem:$0x3FA6] =	sst s1  }
0xa: {  	[smem:$0x3FA7] =	sst s2  }
0xb: {  	[smem:$0x3FA8] =	sst s3  }
0xc: {  	[smem:$0x3FA9] =	sst s4  }
0xd: {  	[smem:$0x3FAA] =	sst s5  }
0xe: {  	[smem:$0x3FAB] =	sst s6  }
0xf: {  	[smem:$0x3FAC] =	sst s7  }
0x10: {  	[smem:$0x3FAD] =	sst s8  }
0x11: {  	[smem:$0x3FAE] =	sst s9;
	s0 =	simm.s32 @!p0 $0x0  }
0x12: {  	s1 =	sld [smem:$0x3F94];
	s0 =	simm.s32 @p0 $0x1  }
0x13: {  	[smem:$0x3FAF] =	sst s0;
	s0 =	simm.s32 @!p1 $0x0  }
0x14: {  	s2 =	sld [smem:$0x3F93];
	s0 =	simm.s32 @p1 $0x1  }
0x15: {  	[smem:$0x3FB0] =	sst s0;
	s0 =	simm.s32 @!p2 $0x0  }
0x16: {  	s3 =	sld [smem:$0x3FDB];
	s0 =	simm.s32 @p2 $0x1  }
0x17: {  	s4 =	simm.s32 $0x1BF5;
	[smem:$0x3FB2] =	sst s0  }
0x18: {  	s0 =	sld [smem:$0x3F95];
	_ =	swait.ge [sflag:s4], $0x0  }
0x19: {  	s7 =	sld [smem:$0x3F96]  }
0x1a: {  	s8 =	sadd.s32 $0xFFFFE003, lr  }
0x1b: {  	s9 =	sadd.s32 $0xFFFFFEF7, lr;
	s5 =	simm.s32 $0xFFFFFFFF;
	p2 =	slt.u32 s8, $0xFFFFF086  }
0x1c: {  	p1 =	slt.u32 s9, $0xF7A;
	s5 =	simm.s32 @!p2 $0x0  }
0x1d: {  	s5 =	simm.s32 @p1 $0x1;
	p0 =	seq.s32 s7, s2  }
0x1e: {  	s7 =	smul.u32 @!p0 $0xF7A, s2;
	p2 =	seq.s32 @!p0 s5, $0x0  }
0x1f: {  	s9 =	smul.u32 $0xF7A, s1;
	s8 =	simm.s32 @!p0 $0x1BF5;
	p2 =	por !p2, p0  }
0x20: {  	[sflag:s8] =	ssyncset.s32 @!p0 $0xFFFFF086;
	s6 =	sadd.s32 @!p0 s3, s7;
	s7 =	simm.s32 @!p0 $0x108  }
0x21: {  	s3 =	sadd.s32 s3, s9;
	s6 =	sadd.s32 @!p0 $0x88, s6;
	s7 =	simm.s32 @p2 $0x1082  }
0x22: {  	[simem:s7], [sflag:s8] =	dma.local @!p0 [hbm:s6], $0xF7A  }
0x23: {  	s9 =	sor.u32 $0xD0000000, s2;
	s6 =	simm.s32 $0x108;
	_ =	swait.ge @!p0 [sflag:s8], $0x0  }
0x24: {  	s3 =	sadd.s32 $0x88, s3;
	s6 =	simm.s32 @!p1 $0x1082;
	[sflag:s4] =	ssyncset.s32 $0xFFFFF086  }
0x25: {  	[simem:s6], [sflag:s4] =	dma.local [hbm:s3], $0xF7A  }
0x26: {  	[smem:$0x3F96] =	sst s1;
	(tag) =	ssettag s2;
	_ =	strace s9  }
0x27: {  	s1 =	sld [smem:$0x3FA6]  }
0x28: {  	s2 =	sld [smem:$0x3FA7]  }
0x29: {  	s4 =	sld [smem:$0x3FA9]  }
0x2a: {  	p0 =	seq.s32 s5, $0x0;
	s5 =	sld [smem:$0x3FAA]  }
0x2b: {  	s6 =	sld [smem:$0x3FAB]  }
0x2c: {  	s7 =	sld [smem:$0x3FAC]  }
0x2d: {  	s3 =	simm.s32 $0x108;
	s8 =	sld [smem:$0x3FAD]  }
0x2e: {  	s3 =	simm.s32 @!p0 $0x1082;
	s9 =	sld [smem:$0x3FAE]  }
0x2f: {  	lr =	sadd.s32 s0, s3;
	s0 =	sld [smem:$0x3FA5]  }
0x30: {  	s3 =	sld [smem:$0x3FA8]  }
0x31: {  	[smem:$0x3FB1] =	sst s10  }
0x32: {  	s10 =	sld [smem:$0x3FAF];
	_ =	sdelay $0x3  }
0x33: {  	p0 =	seq.s32 s10, $0x1;
	s10 =	sld [smem:$0x3FB1];
	_ =	sdelay $0x3  }
0x34: {  	[smem:$0x3FB1] =	sst s10  }
0x35: {  	s10 =	sld [smem:$0x3FB0];
	_ =	sdelay $0x3  }
0x36: {  	p1 =	seq.s32 s10, $0x1;
	s10 =	sld [smem:$0x3FB1];
	_ =	sdelay $0x3  }
0x37: {  	[smem:$0x3FB1] =	sst s10  }
0x38: {  	s10 =	sld [smem:$0x3FB2]  }
0x39: {  	_ = 	snop;
	(pc) =	sbr.ind lr, $3  }
0x3a: {  	_ = 	snop  }
0x3b: {  	_ = 	snop  }
0x3c: {  	p2 =	seq.s32 s10, $0x1;
	s10 =	sld [smem:$0x3FB1]  }
0x3d: {  	_ =	shalt  }
0x3e: {  	_ =	shalt  }
0x3f: {  	_ =	shalt  }
0x40: {  	_ =	shalt  }
0x41: {  	_ =	shalt  }
0x42: {  	_ =	shalt  }
0x43: {  	_ =	shalt  }
0x44: {  	_ =	shalt  }
0x45: {  	_ =	shalt  }
0x46: {  	_ =	shalt  }
0x47: {  	_ =	shalt  }
0x48: {  	_ =	shalt  }
0x49: {  	_ =	shalt  }
0x4a: {  	_ =	shalt  }
0x4b: {  	_ =	shalt  }
0x4c: {  	_ =	shalt  }
0x4d: {  	_ =	shalt  }
0x4e: {  	_ =	shalt  }
0x4f: {  	_ =	shalt  }
0x50: {  	_ =	shalt  }
0x51: {  	_ =	shalt  }
0x52: {  	_ =	shalt  }
0x53: {  	_ =	shalt  }
0x54: {  	_ =	shalt  }
0x55: {  	_ =	shalt  }
0x56: {  	_ =	shalt  }
0x57: {  	_ =	shalt  }
0x58: {  	_ =	shalt  }
0x59: {  	_ =	shalt  }
0x5a: {  	_ =	shalt  }
0x5b: {  	_ =	shalt  }
0x5c: {  	_ =	shalt  }
0x5d: {  	_ =	shalt  }
0x5e: {  	_ =	shalt  }
0x5f: {  	_ =	shalt  }
0x60: {  	_ =	shalt  }
0x61: {  	_ =	shalt  }
0x62: {  	_ =	shalt  }
0x63: {  	_ =	shalt  }
0x64: {  	_ =	shalt  }
0x65: {  	_ =	shalt  }
0x66: {  	_ =	shalt  }
0x67: {  	_ =	shalt  }
0x68: {  	_ =	shalt  }
0x69: {  	_ =	shalt  }
0x6a: {  	_ =	shalt  }
0x6b: {  	_ =	shalt  }
0x6c: {  	_ =	shalt  }
0x6d: {  	_ =	shalt  }
0x6e: {  	_ =	shalt  }
0x6f: {  	_ =	shalt  }
0x70: {  	_ =	shalt  }
0x71: {  	_ =	shalt  }
0x72: {  	_ =	shalt  }
0x73: {  	_ =	shalt  }
0x74: {  	_ =	shalt  }
0x75: {  	_ =	shalt  }
0x76: {  	_ =	shalt  }
0x77: {  	_ =	shalt  }
0x78: {  	_ =	shalt  }
0x79: {  	_ =	shalt  }
0x7a: {  	_ =	shalt  }
0x7b: {  	_ =	shalt  }
0x7c: {  	_ =	shalt  }
0x7d: {  	_ =	shalt  }
0x7e: {  	_ =	shalt  }
0x7f: {  	_ =	shalt  }
0x80: {  	_ =	shalt  }
0x81: {  	_ =	shalt  }
0x82: {  	_ =	shalt  }
0x83: {  	_ =	shalt  }
0x84: {  	_ =	shalt  }
0x85: {  	_ =	shalt  }
0x86: {  	_ =	shalt  }
0x87: {  	_ =	shalt  }
.Lfunc_end0:
.L_simem_size_0:
called_computation.2_lowered:
.L_overlay_start_0:
0x88: {  	s2 =	sld [smem:$0x3FD9]  }
0x89: {  	s3 =	sld [smem:$0x3FFE];
	_ =	sdelay $0x1  }
0x8a: {  	s1 =	srdreg.scid  }
0x8b: {  	s0 =	sand.u32 $0x1, s1  }
0x8c: {  	s16 =	sshll.u32 s0, $0xA;
	s2 =	sadd.s32 s3, s2  }
0x8d: {  	s2 =	sadd.s32 s2, s16  }
0x8e: {  	[smem:$0x3FBD] =	sst s2  }
0x8f: {  	_ = 	snop  }
0x90: {  	(tm) =	ssettm $0x1  }
0x91: {  	s17 =	sld [smem:$0x3FFB];
	_ =	sdelay $0x3  }
0x92: {  	_ =	strace s17  }
0x93: {  	s2 =	sld [smem:$0x3FFC];
	_ =	sdelay $0x3  }
0x94: {  	_ =	strace s2  }
0x95: {  	s2 =	sld [smem:$0x3FFD];
	_ =	sdelay $0x3  }
0x96: {  	_ =	strace s2  }
0x97: {  	_ =	strace $0x8FFFFFFF  }
0x98: {  	s18 =	sld [smem:$0x3FDB];
	_ =	sdelay $0x1  }
0x99: {  	s19 =	simm.s32 $_scs_section_size  }
0x9a: {  	s4 =	simm.s32 $_size__tile_overlayer_lowered;
	s5 =	simm.s32 $_tile_overlayer_lowered  }
0x9b: {  	s22 =	simm.s32 $0x1BFF;
	s21 =	sshll.u32 s5, $0x1;
	s2 =	sadd.s32 s19, s18  }
0x9c: {  	s6 =	simm.s32 $0x0;
	s20 =	sshll.u32 s4, $0x1;
	s4 =	sadd.s32 s21, s2  }
0x9d: {  	[timem:s6], [sflag:s22] =	dma.local [hbm:s4], s20  }
0x9e: {  	_ =	swait.ge [sflag:s22], s20  }
0x9f: {  	s3 =	ssub.s32 $0x0, s20;
	[sflag:s22] =	ssyncset.done $0x0  }
0xa0: {  	[sflag:s22] =	ssyncadd.s32 s3;
	_ =	sdelay $0x1  }
0xa1: {  	s23 =	simm.s32 $0x1B8B  }
0xa2: {  	_ =	swait.ge [sflag:s23], $0x1  }
0xa3: {  	[sflag:s23] =	ssyncset.done $0x0  }
0xa4: {  	s25 =	simm.s32 $0x1B8E;
	s24 =	sld [smem:$0x3FFE];
	[sflag:s23] =	ssyncadd.s32 $0xFFFFFFFF  }
0xa5: {  	s26 =	simm.s32 $execute0_lowered;
	[smem:$0x3FD2] =	sst s25  }
0xa6: {  	s4 =	sshll.u32 s26, $0x1;
	_ =	strace $0x8000004C;
	[dreg:$0x1] =	wrdreg $0xFFFFFFFF  }
0xa7: {  	s28 =	simm.s32 $_size_execute0_lowered;
	s2 =	sadd.s32 s2, s4;
	[dreg:$0x0] =	wrdreg $0x0  }
0xa8: {  	s4 =	sshll.u32 s28, $0x1;
	[dreg:$0x2] =	wrdreg s2  }
0xa9: {  	[dreg:$0x3] =	wrdreg s4  }
0xaa: {  	[dreg:$0x4] =	wrdreg $0xC0  }
0xab: {  	_ =	task [dreg:s6], $0x5FFFF  }
0xac: {  	[dreg:$0x1] =	wrdreg $0xFFFFFFFF  }
0xad: {  	[dreg:$0x0] =	wrdreg $0x60  }
0xae: {  	[dreg:$0x2] =	wrdreg s24  }
0xaf: {  	[dreg:$0x3] =	wrdreg $0xDC000  }
0xb0: {  	[dreg:$0x4] =	wrdreg $0x9  }
0xb1: {  	_ =	task.clear_ibuf [dreg:s6], $0x5FFFF;
	_ =	strace $0x9000004C  }
0xb2: {  	s29 =	simm.s32 $0x9;
	_ =	strace $0x8000004E  }
0xb3: {  	_ =	swait.ge [sflag:s29], $0x1  }
0xb4: {  	[sflag:s29] =	ssyncadd.s32 $0xFFFFFFFF  }
0xb5: {  	_ =	strace $0x9000004E  }
0xb6: {  	_ =	sfence  }
0xb7: {  	s30 =	sld [smem:$0x0];
	_ =	sdelay $0x2  }
0xb8: {  	s31 =	sshll.u32 s1, $0xD;
	s1 =	sshrl.u32 s1, $0x2  }
0xb9: {  	s3 =	sand.u32 $0x4000, s31;
	s1 =	sadd.s32 s1, s30  }
0xba: {  	s0 =	sor.u32 s3, s0;
	s1 =	sshll.u32 s1, $0x11  }
0xbb: {  	s0 =	sor.u32 s1, s0  }
0xbc: {  	s0 =	sadd.s32 $0x8F2B, s0  }
0xbd: {  	[sflag:s0] =	ssyncadd.remote.s32 $0x1  }
0xbe: {  	_ =	sfence.sel $0xFFFF  }
0xbf: {  	[dreg:$0x0] =	wrdreg $0xFFFFFFFF;
	(pc) =	sbr.abs _section_cstart, $3  }
0xc0: {  	[dreg:$0x1] =	wrdreg $0xFFFFFFFF  }
0xc1: {  	_ =	task.clear_ibuf [dreg:s6], $0x2FFFF;
	_ =	strace $0x9FFFFFFF  }
0xc2: {  	(tm) =	ssettm $0x7FFFFFFF  }
0xc3: {  	_ =	shalt  }
tec
execute0_lowered:
.L_overlay_start_1:
0x0: {  	(tag) =	ssettag $0x1  }
0x1: {  	s26 =	rddreg [dreg:$0x0]  }
0x2: {  	s4 =	srdreg.scid;
	s1 =	stileid.u32  }
0x3: {  	s2 =	rddreg [dreg:$0x1];
	s28 =	sand.u32 $0x1, s4;
	s31 =	sshll.u32 s1, $0x1  }
0x4: {  	s0 =	rddreg [dreg:$0x2];
	s3 =	simm.s32 $0x0;
	s4 =	sor.u32 s28, s31  }
0x5: {  	[smem:$0x7FF] =	sst s3;
	s4 =	smul.u32 $0x2710, s4  }
0x6: {  	s5 =	sadd.s32 $0x16000, s26;
	s30 =	smul.u32 $0x1400, s1;
	s29 =	sshll.u32 s1, $0x6  }
0x7: {  	_ =	strace $0x8000004D;
	[dreg:$0x3] =	wrdreg s5;
	s4 =	sshrl.u32 s4, $0x3  }
0x8: {  	s7 =	rddreg [dreg:$0x3];
	s6 =	sadd.s32 s30, s2;
	s24 =	sadd.s32 s4, s26  }
0x9: {  	s6 =	sshrl.u32 s6, $0x3;
	s4 =	sor.u32 $0x1C01, s29;
	s5 =	sadd.s32 $0x2600, s24  }
0xa: {  	[spmem:s6], [sflag:s4] =	dma.local [hbm:s7], $0x280  }
0xb: {  	[tilespmem:s3], [sflag:$0x1] =	stream.linear.gather [hbm4b:s5+s3], $0xA00, $0x38;
	[tilespmem:$0xF000] =	vst v63  }
0xc: {  	s8 =	simm.s32 $0xA00;
	s9 =	simm.s32 $0x1;
	s7 =	sadd.s32 $0xC240, s24  }
0xd: {  	[tilespmem:s8], [sflag:$0x1] =	stream.linear.gather [hbm4b:s7+s3], $0xA00, $0x38;
	[tilespmem:$0xF000] =	vst v63  }
0xe: {  	_ =	swait.ge [sflag:s9], $0x280  }
0xf: {  	[sflag:s9] =	ssyncset.done $0x0  }
0x10: {  	[sflag:s9] =	ssyncadd.s32 $0xFFFFFD80  }
0x11: {  	_ =	swait.ge [sflag:s9], $0xA00  }
0x12: {  	[sflag:s9] =	ssyncset.done $0x0  }
0x13: {  	[sflag:s9] =	ssyncadd.s32 $0xFFFFF600  }
0x14: {  	_ =	swait.ge [sflag:s9], $0xA00  }
0x15: {  	[sflag:s9] =	ssyncset.done $0x0  }
0x16: {  	[sflag:s9] =	ssyncadd.s32 $0xFFFFF600  }
0x17: {  	s11 =	simm.s32 $0x1400;
	s10 =	sadd.s32 $0x2740, s24;
	[bflag:$0x0] =	sbarrier.arrive $0xFFFF  }
0x18: {  	[tilespmem:s11], [sflag:$0x1] =	stream.linear.gather [hbm4b:s10+s3], $0xA00, $0x38;
	[tilespmem:$0xF000] =	vst v63  }
0x19: {  	s13 =	simm.s32 $0x1E00;
	s12 =	sadd.s32 $0xC380, s24  }
0x1a: {  	[tilespmem:s13], [sflag:$0x1] =	stream.linear.gather [hbm4b:s12+s3], $0xA00, $0x38;
	[tilespmem:$0xF000] =	vst v63  }
0x1b: {  	s15 =	simm.s32 $0x3C00;
	s16 =	simm.s32 $0x2;
	s14 =	sadd.s32 $0x16400, s26  }
0x1c: {  	[tilespmem:s15], [sflag:$0x2] =	stream.indirect.gather [hbm4b:s14+s8], $0x8, s3, s8, $0xb8;
	[tilespmem:$0xF000] =	vst v63  }
0x1d: {  	_ =	swait.ge [sflag:s16], $0x5000  }
0x1e: {  	[sflag:s16] =	ssyncset.done $0x0  }
0x1f: {  	[sflag:s16] =	ssyncadd.s32 $0xFFFFB000  }
0x20: {  	[spmem:s2] =	stream.indirect.scatter.add.f32 [tilespmem:s15], [sflag:$0x3], $0x8, s8, s8, $0xb8;
	[tilespmem:$0xF000] =	vst v63  }
0x21: {  	_ =	swait.ge [sflag:s9], $0xA00  }
0x22: {  	[sflag:s9] =	ssyncset.done $0x0  }
0x23: {  	[sflag:s9] =	ssyncadd.s32 $0xFFFFF600  }
0x24: {  	_ =	swait.ge [sflag:s9], $0xA00  }
0x25: {  	[sflag:s9] =	ssyncset.done $0x0  }
0x26: {  	s18 =	simm.s32 $0x2800;
	s17 =	sadd.s32 $0x2880, s24;
	[sflag:s9] =	ssyncadd.s32 $0xFFFFF600  }
0x27: {  	[tilespmem:s18], [sflag:$0x1] =	stream.linear.gather [hbm4b:s17+s3], $0xA00, $0x38;
	[tilespmem:$0xF000] =	vst v63  }
0x28: {  	s20 =	simm.s32 $0x3200;
	s19 =	sadd.s32 $0xC4C0, s24  }
0x29: {  	[tilespmem:s20], [sflag:$0x1] =	stream.linear.gather [hbm4b:s19+s3], $0xA00, $0x38;
	[tilespmem:$0xF000] =	vst v63  }
0x2a: {  	s21 =	simm.s32 $0x8C00;
	s22 =	simm.s32 $0x3  }
0x2b: {  	[tilespmem:s21], [sflag:$0x2] =	stream.indirect.gather [hbm4b:s14+s8], $0x8, s11, s8, $0xb8;
	[tilespmem:$0xF000] =	vst v63  }
0x2c: {  	_ =	swait.ge [sflag:s22], $0x5000  }
0x2d: {  	[sflag:s22] =	ssyncset.done $0x0  }
0x2e: {  	[sflag:s22] =	ssyncadd.s32 $0xFFFFB000  }
0x2f: {  	_ =	swait.ge [sflag:s16], $0x5000  }
0x30: {  	[sflag:s16] =	ssyncset.done $0x0  }
0x31: {  	[sflag:s16] =	ssyncadd.s32 $0xFFFFB000  }
0x32: {  	[spmem:s2] =	stream.indirect.scatter.add.f32 [tilespmem:s21], [sflag:$0x3], $0x8, s13, s8, $0xb8;
	[tilespmem:$0xF000] =	vst v63  }
0x33: {  	_ =	swait.ge [sflag:s9], $0xA00  }
0x34: {  	[sflag:s9] =	ssyncset.done $0x0  }
0x35: {  	[sflag:s9] =	ssyncadd.s32 $0xFFFFF600  }
0x36: {  	_ =	swait.ge [sflag:s9], $0xA00  }
0x37: {  	[sflag:s9] =	ssyncset.done $0x0  }
0x38: {  	s23 =	sadd.s32 $0x29C0, s24;
	[sflag:s9] =	ssyncadd.s32 $0xFFFFF600  }
0x39: {  	[tilespmem:s3], [sflag:$0x1] =	stream.linear.gather [hbm4b:s23+s3], $0x910, $0x38;
	[tilespmem:$0xF000] =	vst v63  }
0x3a: {  	s24 =	sadd.s32 $0xC600, s24  }
0x3b: {  	[tilespmem:s8], [sflag:$0x1] =	stream.linear.gather [hbm4b:s24+s3], $0x910, $0x38;
	[tilespmem:$0xF000] =	vst v63  }
0x3c: {  	_ = 	snop  }
0x3d: {  	[tilespmem:s15], [sflag:$0x2] =	stream.indirect.gather [hbm4b:s14+s8], $0x8, s18, s8, $0xb8;
	[tilespmem:$0xF000] =	vst v63  }
0x3e: {  	_ =	swait.ge [sflag:s22], $0x5000  }
0x3f: {  	[sflag:s22] =	ssyncset.done $0x0  }
0x40: {  	[sflag:s22] =	ssyncadd.s32 $0xFFFFB000  }
0x41: {  	_ =	swait.ge [sflag:s16], $0x5000  }
0x42: {  	[sflag:s16] =	ssyncset.done $0x0  }
0x43: {  	[sflag:s16] =	ssyncadd.s32 $0xFFFFB000  }
0x44: {  	[spmem:s2] =	stream.indirect.scatter.add.f32 [tilespmem:s15], [sflag:$0x3], $0x8, s20, s8, $0xb8;
	[tilespmem:$0xF000] =	vst v63  }
0x45: {  	_ =	swait.ge [sflag:s9], $0x910  }
0x46: {  	[sflag:s9] =	ssyncset.done $0x0  }
0x47: {  	[sflag:s9] =	ssyncadd.s32 $0xFFFFF6F0  }
0x48: {  	_ =	swait.ge [sflag:s9], $0x910  }
0x49: {  	[sflag:s9] =	ssyncset.done $0x0  }
0x4a: {  	s25 =	simm.s32 $0x910;
	s31 =	smul.u32 $0x14000, s28;
	[sflag:s9] =	ssyncadd.s32 $0xFFFFF6F0  }
0x4b: {  	[tilespmem:s21], [sflag:$0x2] =	stream.indirect.gather [hbm4b:s14+s25], $0x8, s3, s25, $0xb8;
	[tilespmem:$0xF000] =	vst v63  }
0x4c: {  	_ =	swait.ge [sflag:s22], $0x5000  }
0x4d: {  	s30 =	sadd.s32 s30, s31;
	[sflag:s22] =	ssyncset.done $0x0  }
0x4e: {  	s28 =	ssub.s32 $0x2, s28;
	s30 =	sshrl.u32 s30, $0x3;
	[sflag:s22] =	ssyncadd.s32 $0xFFFFB000  }
0x4f: {  	s26 =	sadd.s32 s30, s26;
	s30 =	sshrl.u32 s28, $0x1;
	_ =	swait.ge [sflag:s16], $0x4880  }
0x50: {  	s28 =	ssub.s32 s28, s30;
	[sflag:s16] =	ssyncset.done $0x0  }
0x51: {  	s30 =	smax.u32 s28, $0x1;
	[sflag:s16] =	ssyncadd.s32 $0xFFFFB780  }
0x52: {  	[spmem:s2] =	stream.indirect.scatter.add.f32 [tilespmem:s21], [sflag:$0x3], $0x8, s8, s25, $0xb8;
	[tilespmem:$0xF000] =	vst v63  }
0x53: {  	p0 =	sne.s32 s30, $0x1;
	_ =	swait.ge [sflag:s22], $0x4880  }
.Ltmp0:
0x54: {  	[sflag:s22] =	ssyncset.done $0x0;
	(pc) =	sbr.rel @!p0 .LBB2_2-.Ltmp0, $4  }
0x55: {  	s26 =	sadd.s32 $0x18C00, s26;
	[sflag:s22] =	ssyncadd.s32 $0xFFFFB780  }
0x56: {  	s28 =	sor.u32 $0x1C04, s29;
	s29 =	simm.s32 $0x4;
	[bflag:$0x0] =	sbarrier.arrive $0xFFFF  }
0x57: {  	[hbm:s26], [sflag:s28] =	dma.local [spmem:s6], $0x280  }
0x58: {  	s30 =	sadd.s32 $0xFFFFFFFF, s30;
	_ =	swait.ge [sflag:s29], $0x280  }
.LBB2_1:
0x59: {  	[sflag:s29] =	ssyncset.done $0x0  }
0x5a: {  	s31 =	rddreg [dreg:$0x3];
	[sflag:s29] =	ssyncadd.s32 $0xFFFFFD80  }
0x5b: {  	[spmem:s6], [sflag:s4] =	dma.local [hbm:s31], $0x280  }
0x5c: {  	[tilespmem:s3], [sflag:$0x1] =	stream.linear.gather [hbm4b:s5+s3], $0xA00, $0x38;
	[tilespmem:$0xF000] =	vst v63  }
0x5d: {  	_ = 	snop  }
0x5e: {  	[tilespmem:s8], [sflag:$0x1] =	stream.linear.gather [hbm4b:s7+s3], $0xA00, $0x38;
	[tilespmem:$0xF000] =	vst v63  }
0x5f: {  	_ =	swait.ge [sflag:s9], $0x280  }
0x60: {  	[sflag:s9] =	ssyncset.done $0x0  }
0x61: {  	[sflag:s9] =	ssyncadd.s32 $0xFFFFFD80  }
0x62: {  	_ =	swait.ge [sflag:s9], $0xA00  }
0x63: {  	[sflag:s9] =	ssyncset.done $0x0  }
0x64: {  	[sflag:s9] =	ssyncadd.s32 $0xFFFFF600  }
0x65: {  	_ =	swait.ge [sflag:s9], $0xA00  }
0x66: {  	[sflag:s9] =	ssyncset.done $0x0  }
0x67: {  	[sflag:s9] =	ssyncadd.s32 $0xFFFFF600  }
0x68: {  	[bflag:$0x0] =	sbarrier.arrive $0xFFFF  }
0x69: {  	[tilespmem:s11], [sflag:$0x1] =	stream.linear.gather [hbm4b:s10+s3], $0xA00, $0x38;
	[tilespmem:$0xF000] =	vst v63  }
0x6a: {  	_ = 	snop  }
0x6b: {  	[tilespmem:s13], [sflag:$0x1] =	stream.linear.gather [hbm4b:s12+s3], $0xA00, $0x38;
	[tilespmem:$0xF000] =	vst v63  }
0x6c: {  	_ = 	snop  }
0x6d: {  	[tilespmem:s15], [sflag:$0x2] =	stream.indirect.gather [hbm4b:s14+s8], $0x8, s3, s8, $0xb8;
	[tilespmem:$0xF000] =	vst v63  }
0x6e: {  	_ =	swait.ge [sflag:s16], $0x5000  }
0x6f: {  	[sflag:s16] =	ssyncset.done $0x0  }
0x70: {  	[sflag:s16] =	ssyncadd.s32 $0xFFFFB000  }
0x71: {  	[spmem:s2] =	stream.indirect.scatter.add.f32 [tilespmem:s15], [sflag:$0x3], $0x8, s8, s8, $0xb8;
	[tilespmem:$0xF000] =	vst v63  }
0x72: {  	_ =	swait.ge [sflag:s9], $0xA00  }
0x73: {  	[sflag:s9] =	ssyncset.done $0x0  }
0x74: {  	[sflag:s9] =	ssyncadd.s32 $0xFFFFF600  }
0x75: {  	_ =	swait.ge [sflag:s9], $0xA00  }
0x76: {  	[sflag:s9] =	ssyncset.done $0x0  }
0x77: {  	[sflag:s9] =	ssyncadd.s32 $0xFFFFF600  }
0x78: {  	[tilespmem:s18], [sflag:$0x1] =	stream.linear.gather [hbm4b:s17+s3], $0xA00, $0x38;
	[tilespmem:$0xF000] =	vst v63  }
0x79: {  	_ = 	snop  }
0x7a: {  	[tilespmem:s20], [sflag:$0x1] =	stream.linear.gather [hbm4b:s19+s3], $0xA00, $0x38;
	[tilespmem:$0xF000] =	vst v63  }
0x7b: {  	_ = 	snop  }
0x7c: {  	[tilespmem:s21], [sflag:$0x2] =	stream.indirect.gather [hbm4b:s14+s8], $0x8, s11, s8, $0xb8;
	[tilespmem:$0xF000] =	vst v63  }
0x7d: {  	_ =	swait.ge [sflag:s22], $0x5000  }
0x7e: {  	[sflag:s22] =	ssyncset.done $0x0  }
0x7f: {  	[sflag:s22] =	ssyncadd.s32 $0xFFFFB000  }
0x80: {  	_ =	swait.ge [sflag:s16], $0x5000  }
0x81: {  	[sflag:s16] =	ssyncset.done $0x0  }
0x82: {  	[sflag:s16] =	ssyncadd.s32 $0xFFFFB000  }
0x83: {  	[spmem:s2] =	stream.indirect.scatter.add.f32 [tilespmem:s21], [sflag:$0x3], $0x8, s13, s8, $0xb8;
	[tilespmem:$0xF000] =	vst v63  }
0x84: {  	_ =	swait.ge [sflag:s9], $0xA00  }
0x85: {  	[sflag:s9] =	ssyncset.done $0x0  }
0x86: {  	[sflag:s9] =	ssyncadd.s32 $0xFFFFF600  }
0x87: {  	_ =	swait.ge [sflag:s9], $0xA00  }
0x88: {  	[sflag:s9] =	ssyncset.done $0x0  }
0x89: {  	[sflag:s9] =	ssyncadd.s32 $0xFFFFF600  }
0x8a: {  	[tilespmem:s3], [sflag:$0x1] =	stream.linear.gather [hbm4b:s23+s3], $0x910, $0x38;
	[tilespmem:$0xF000] =	vst v63  }
0x8b: {  	_ = 	snop  }
0x8c: {  	[tilespmem:s8], [sflag:$0x1] =	stream.linear.gather [hbm4b:s24+s3], $0x910, $0x38;
	[tilespmem:$0xF000] =	vst v63  }
0x8d: {  	_ = 	snop  }
0x8e: {  	[tilespmem:s15], [sflag:$0x2] =	stream.indirect.gather [hbm4b:s14+s8], $0x8, s18, s8, $0xb8;
	[tilespmem:$0xF000] =	vst v63  }
0x8f: {  	_ =	swait.ge [sflag:s22], $0x5000  }
0x90: {  	[sflag:s22] =	ssyncset.done $0x0  }
0x91: {  	[sflag:s22] =	ssyncadd.s32 $0xFFFFB000  }
0x92: {  	_ =	swait.ge [sflag:s16], $0x5000  }
0x93: {  	[sflag:s16] =	ssyncset.done $0x0  }
0x94: {  	[sflag:s16] =	ssyncadd.s32 $0xFFFFB000  }
0x95: {  	[spmem:s2] =	stream.indirect.scatter.add.f32 [tilespmem:s15], [sflag:$0x3], $0x8, s20, s8, $0xb8;
	[tilespmem:$0xF000] =	vst v63  }
0x96: {  	_ =	swait.ge [sflag:s9], $0x910  }
0x97: {  	[sflag:s9] =	ssyncset.done $0x0  }
0x98: {  	[sflag:s9] =	ssyncadd.s32 $0xFFFFF6F0  }
0x99: {  	_ =	swait.ge [sflag:s9], $0x910  }
0x9a: {  	[sflag:s9] =	ssyncset.done $0x0  }
0x9b: {  	[sflag:s9] =	ssyncadd.s32 $0xFFFFF6F0  }
0x9c: {  	[tilespmem:s21], [sflag:$0x2] =	stream.indirect.gather [hbm4b:s14+s25], $0x8, s3, s25, $0xb8;
	[tilespmem:$0xF000] =	vst v63  }
0x9d: {  	_ =	swait.ge [sflag:s22], $0x5000  }
0x9e: {  	[sflag:s22] =	ssyncset.done $0x0  }
0x9f: {  	[sflag:s22] =	ssyncadd.s32 $0xFFFFB000  }
0xa0: {  	_ =	swait.ge [sflag:s16], $0x4880  }
0xa1: {  	[sflag:s16] =	ssyncset.done $0x0  }
0xa2: {  	[sflag:s16] =	ssyncadd.s32 $0xFFFFB780  }
0xa3: {  	[spmem:s2] =	stream.indirect.scatter.add.f32 [tilespmem:s21], [sflag:$0x3], $0x8, s8, s25, $0xb8;
	[tilespmem:$0xF000] =	vst v63  }
0xa4: {  	p0 =	sne.s32 s30, $0x1;
	_ =	swait.ge [sflag:s22], $0x4880  }
.Ltmp1:
0xa5: {  	[sflag:s22] =	ssyncset.done $0x0;
	(pc) =	sbr.rel @p0 .LBB2_1-.Ltmp1, $4  }
0xa6: {  	[sflag:s22] =	ssyncadd.s32 $0xFFFFB780  }
0xa7: {  	[bflag:$0x0] =	sbarrier.arrive $0xFFFF  }
0xa8: {  	[hbm:s26], [sflag:s28] =	dma.local [spmem:s6], $0x280  }
0xa9: {  	s30 =	sadd.s32 $0xFFFFFFFF, s30;
	_ =	swait.ge [sflag:s29], $0x280  }
.LBB2_2:
0xaa: {  	[sflag:s29] =	ssyncset.done $0x0  }
0xab: {  	[sflag:s29] =	ssyncadd.s32 $0xFFFFFD80  }
0xac: {  	_ =	sfence.sel $0x180000  }
0xad: {  	[bflag:$0x0] =	sbarrier.arrive $0xFFFF  }
0xae: {  	p0 =	sne.s32 s1, $0x0;
	_ =	strace $0x9000004D  }
0xaf: {  	s0 =	sadd.s32 @!p0 $0x100000, s0;
	[bflag:$0x2] =	sbarrier.arrive $0xFFFF  }
0xb0: {  	[sflag:s0] =	ssyncadd.tile.s32 @!p0 $0x1;
	_ =	shalt  }
.Lfunc_end2:
_tile_overlayer_lowered:
.L_overlay_start_2:
0xb1: {  	(tag) =	ssettag $0x2  }
0xb2: {  	s0 =	rddreg [dreg:$0x0];
	s2 =	stileid.u32  }
0xb3: {  	s1 =	rddreg [dreg:$0x1];
	p0 =	sne.s32 s2, $0x0  }
0xb4: {  	s3 =	rddreg [dreg:$0x2];
	[bflag:$0x3] =	sbarrier.arrive $0xFFFF;
	s2 =	simm.s32 @!p0 $0x1C04  }
0xb5: {  	[timem:s3], [sflag:s2] =	dma.local @!p0 [hbm:s0], s1  }
0xb6: {  	s0 =	simm.s32 @!p0 $0x4  }
0xb7: {  	_ =	swait.ge @!p0 [sflag:s0], s1  }
0xb8: {  	s1 =	ssub.s32 @!p0 $0x0, s1;
	[sflag:s0] =	ssyncset.done @!p0 $0x0  }
0xb9: {  	[sflag:s0] =	ssyncadd.s32 @!p0 s1  }
0xba: {  	[bflag:$0x3] =	sbarrier.arrive $0xFFFF  }
0xbb: {  	_ =	shalt  }

// kernel: kernel.8.cloned.1.call-start
scs
__scs_entry_jumppad:
0x0: {  	(pc) =	sbr.rel $0x88, $3  }
0x1: {  	(tag) =	ssettag $0x0;
	lr =	simm.s32 $0x1  }
0x2: {  	[smem:$0x3F96] =	sst lr;
	_ =	strace $0xD0000000  }
0x3: {  	_ = 	snop  }
0x4: {  	_ = 	snop  }
0x5: {  	_ = 	snop  }
0x6: {  	_ = 	snop  }
0x7: {  	_ = 	snop  }
__scs_overlays_trampoline_lowered:
0x8: {  	[smem:$0x3FA5] =	sst s0  }
0x9: {  	[smem:$0x3FA6] =	sst s1  }
0xa: {  	[smem:$0x3FA7] =	sst s2  }
0xb: {  	[smem:$0x3FA8] =	sst s3  }
0xc: {  	[smem:$0x3FA9] =	sst s4  }
0xd: {  	[smem:$0x3FAA] =	sst s5  }
0xe: {  	[smem:$0x3FAB] =	sst s6  }
0xf: {  	[smem:$0x3FAC] =	sst s7  }
0x10: {  	[smem:$0x3FAD] =	sst s8  }
0x11: {  	[smem:$0x3FAE] =	sst s9;
	s0 =	simm.s32 @!p0 $0x0  }
0x12: {  	s1 =	sld [smem:$0x3F94];
	s0 =	simm.s32 @p0 $0x1  }
0x13: {  	[smem:$0x3FAF] =	sst s0;
	s0 =	simm.s32 @!p1 $0x0  }
0x14: {  	s2 =	sld [smem:$0x3F93];
	s0 =	simm.s32 @p1 $0x1  }
0x15: {  	[smem:$0x3FB0] =	sst s0;
	s0 =	simm.s32 @!p2 $0x0  }
0x16: {  	s3 =	sld [smem:$0x3FDB];
	s0 =	simm.s32 @p2 $0x1  }
0x17: {  	s4 =	simm.s32 $0x1BF5;
	[smem:$0x3FB2] =	sst s0  }
0x18: {  	s0 =	sld [smem:$0x3F95];
	_ =	swait.ge [sflag:s4], $0x0  }
0x19: {  	s7 =	sld [smem:$0x3F96]  }
0x1a: {  	s8 =	sadd.s32 $0xFFFFE003, lr  }
0x1b: {  	s9 =	sadd.s32 $0xFFFFFEF7, lr;
	s5 =	simm.s32 $0xFFFFFFFF;
	p2 =	slt.u32 s8, $0xFFFFF086  }
0x1c: {  	p1 =	slt.u32 s9, $0xF7A;
	s5 =	simm.s32 @!p2 $0x0  }
0x1d: {  	s5 =	simm.s32 @p1 $0x1;
	p0 =	seq.s32 s7, s2  }
0x1e: {  	s7 =	smul.u32 @!p0 $0xF7A, s2;
	p2 =	seq.s32 @!p0 s5, $0x0  }
0x1f: {  	s9 =	smul.u32 $0xF7A, s1;
	s8 =	simm.s32 @!p0 $0x1BF5;
	p2 =	por !p2, p0  }
0x20: {  	[sflag:s8] =	ssyncset.s32 @!p0 $0xFFFFF086;
	s6 =	sadd.s32 @!p0 s3, s7;
	s7 =	simm.s32 @!p0 $0x108  }
0x21: {  	s3 =	sadd.s32 s3, s9;
	s6 =	sadd.s32 @!p0 $0x88, s6;
	s7 =	simm.s32 @p2 $0x1082  }
0x22: {  	[simem:s7], [sflag:s8] =	dma.local @!p0 [hbm:s6], $0xF7A  }
0x23: {  	s9 =	sor.u32 $0xD0000000, s2;
	s6 =	simm.s32 $0x108;
	_ =	swait.ge @!p0 [sflag:s8], $0x0  }
0x24: {  	s3 =	sadd.s32 $0x88, s3;
	s6 =	simm.s32 @!p1 $0x1082;
	[sflag:s4] =	ssyncset.s32 $0xFFFFF086  }
0x25: {  	[simem:s6], [sflag:s4] =	dma.local [hbm:s3], $0xF7A  }
0x26: {  	[smem:$0x3F96] =	sst s1;
	(tag) =	ssettag s2;
	_ =	strace s9  }
0x27: {  	s1 =	sld [smem:$0x3FA6]  }
0x28: {  	s2 =	sld [smem:$0x3FA7]  }
0x29: {  	s4 =	sld [smem:$0x3FA9]  }
0x2a: {  	p0 =	seq.s32 s5, $0x0;
	s5 =	sld [smem:$0x3FAA]  }
0x2b: {  	s6 =	sld [smem:$0x3FAB]  }
0x2c: {  	s7 =	sld [smem:$0x3FAC]  }
0x2d: {  	s3 =	simm.s32 $0x108;
	s8 =	sld [smem:$0x3FAD]  }
0x2e: {  	s3 =	simm.s32 @!p0 $0x1082;
	s9 =	sld [smem:$0x3FAE]  }
0x2f: {  	lr =	sadd.s32 s0, s3;
	s0 =	sld [smem:$0x3FA5]  }
0x30: {  	s3 =	sld [smem:$0x3FA8]  }
0x31: {  	[smem:$0x3FB1] =	sst s10  }
0x32: {  	s10 =	sld [smem:$0x3FAF];
	_ =	sdelay $0x3  }
0x33: {  	p0 =	seq.s32 s10, $0x1;
	s10 =	sld [smem:$0x3FB1];
	_ =	sdelay $0x3  }
0x34: {  	[smem:$0x3FB1] =	sst s10  }
0x35: {  	s10 =	sld [smem:$0x3FB0];
	_ =	sdelay $0x3  }
0x36: {  	p1 =	seq.s32 s10, $0x1;
	s10 =	sld [smem:$0x3FB1];
	_ =	sdelay $0x3  }
0x37: {  	[smem:$0x3FB1] =	sst s10  }
0x38: {  	s10 =	sld [smem:$0x3FB2]  }
0x39: {  	_ = 	snop;
	(pc) =	sbr.ind lr, $3  }
0x3a: {  	_ = 	snop  }
0x3b: {  	_ = 	snop  }
0x3c: {  	p2 =	seq.s32 s10, $0x1;
	s10 =	sld [smem:$0x3FB1]  }
0x3d: {  	_ =	shalt  }
0x3e: {  	_ =	shalt  }
0x3f: {  	_ =	shalt  }
0x40: {  	_ =	shalt  }
0x41: {  	_ =	shalt  }
0x42: {  	_ =	shalt  }
0x43: {  	_ =	shalt  }
0x44: {  	_ =	shalt  }
0x45: {  	_ =	shalt  }
0x46: {  	_ =	shalt  }
0x47: {  	_ =	shalt  }
0x48: {  	_ =	shalt  }
0x49: {  	_ =	shalt  }
0x4a: {  	_ =	shalt  }
0x4b: {  	_ =	shalt  }
0x4c: {  	_ =	shalt  }
0x4d: {  	_ =	shalt  }
0x4e: {  	_ =	shalt  }
0x4f: {  	_ =	shalt  }
0x50: {  	_ =	shalt  }
0x51: {  	_ =	shalt  }
0x52: {  	_ =	shalt  }
0x53: {  	_ =	shalt  }
0x54: {  	_ =	shalt  }
0x55: {  	_ =	shalt  }
0x56: {  	_ =	shalt  }
0x57: {  	_ =	shalt  }
0x58: {  	_ =	shalt  }
0x59: {  	_ =	shalt  }
0x5a: {  	_ =	shalt  }
0x5b: {  	_ =	shalt  }
0x5c: {  	_ =	shalt  }
0x5d: {  	_ =	shalt  }
0x5e: {  	_ =	shalt  }
0x5f: {  	_ =	shalt  }
0x60: {  	_ =	shalt  }
0x61: {  	_ =	shalt  }
0x62: {  	_ =	shalt  }
0x63: {  	_ =	shalt  }
0x64: {  	_ =	shalt  }
0x65: {  	_ =	shalt  }
0x66: {  	_ =	shalt  }
0x67: {  	_ =	shalt  }
0x68: {  	_ =	shalt  }
0x69: {  	_ =	shalt  }
0x6a: {  	_ =	shalt  }
0x6b: {  	_ =	shalt  }
0x6c: {  	_ =	shalt  }
0x6d: {  	_ =	shalt  }
0x6e: {  	_ =	shalt  }
0x6f: {  	_ =	shalt  }
0x70: {  	_ =	shalt  }
0x71: {  	_ =	shalt  }
0x72: {  	_ =	shalt  }
0x73: {  	_ =	shalt  }
0x74: {  	_ =	shalt  }
0x75: {  	_ =	shalt  }
0x76: {  	_ =	shalt  }
0x77: {  	_ =	shalt  }
0x78: {  	_ =	shalt  }
0x79: {  	_ =	shalt  }
0x7a: {  	_ =	shalt  }
0x7b: {  	_ =	shalt  }
0x7c: {  	_ =	shalt  }
0x7d: {  	_ =	shalt  }
0x7e: {  	_ =	shalt  }
0x7f: {  	_ =	shalt  }
0x80: {  	_ =	shalt  }
0x81: {  	_ =	shalt  }
0x82: {  	_ =	shalt  }
0x83: {  	_ =	shalt  }
0x84: {  	_ =	shalt  }
0x85: {  	_ =	shalt  }
0x86: {  	_ =	shalt  }
0x87: {  	_ =	shalt  }
.Lfunc_end0:
.L_simem_size_0:
called_computation_lowered:
.L_overlay_start_0:
0x88: {  	s2 =	sld [smem:$0x3FD9]  }
0x89: {  	s3 =	sld [smem:$0x3FFE];
	_ =	sdelay $0x1  }
0x8a: {  	s1 =	srdreg.scid  }
0x8b: {  	s0 =	sand.u32 $0x1, s1  }
0x8c: {  	s16 =	sshll.u32 s0, $0xA;
	s2 =	sadd.s32 s3, s2  }
0x8d: {  	s2 =	sadd.s32 s2, s16  }
0x8e: {  	[smem:$0x3FBD] =	sst s2  }
0x8f: {  	_ = 	snop  }
0x90: {  	(tm) =	ssettm $0x1  }
0x91: {  	s17 =	sld [smem:$0x3FFB];
	_ =	sdelay $0x3  }
0x92: {  	_ =	strace s17  }
0x93: {  	s2 =	sld [smem:$0x3FFC];
	_ =	sdelay $0x3  }
0x94: {  	_ =	strace s2  }
0x95: {  	s2 =	sld [smem:$0x3FFD];
	_ =	sdelay $0x3  }
0x96: {  	_ =	strace s2  }
0x97: {  	_ =	strace $0x8FFFFFFF  }
0x98: {  	s18 =	sld [smem:$0x3FDB];
	_ =	sdelay $0x1  }
0x99: {  	s19 =	simm.s32 $_scs_section_size  }
0x9a: {  	s4 =	simm.s32 $_size__tile_overlayer_lowered;
	s5 =	simm.s32 $_tile_overlayer_lowered  }
0x9b: {  	s22 =	simm.s32 $0x1BFF;
	s21 =	sshll.u32 s5, $0x1;
	s2 =	sadd.s32 s19, s18  }
0x9c: {  	s6 =	simm.s32 $0x0;
	s20 =	sshll.u32 s4, $0x1;
	s4 =	sadd.s32 s21, s2  }
0x9d: {  	[timem:s6], [sflag:s22] =	dma.local [hbm:s4], s20  }
0x9e: {  	_ =	swait.ge [sflag:s22], s20  }
0x9f: {  	s3 =	ssub.s32 $0x0, s20;
	[sflag:s22] =	ssyncset.done $0x0  }
0xa0: {  	[sflag:s22] =	ssyncadd.s32 s3;
	_ =	sdelay $0x1  }
0xa1: {  	s23 =	simm.s32 $0x1B8B  }
0xa2: {  	_ =	swait.ge [sflag:s23], $0x1  }
0xa3: {  	[sflag:s23] =	ssyncset.done $0x0  }
0xa4: {  	s25 =	simm.s32 $0x1B8E;
	s24 =	sld [smem:$0x3FFE];
	[sflag:s23] =	ssyncadd.s32 $0xFFFFFFFF  }
0xa5: {  	s26 =	simm.s32 $execute0_lowered;
	[smem:$0x3FD2] =	sst s25  }
0xa6: {  	s4 =	sshll.u32 s26, $0x1;
	_ =	strace $0x80000046;
	[dreg:$0x1] =	wrdreg $0xFFFFFFFF  }
0xa7: {  	s28 =	simm.s32 $_size_execute0_lowered;
	s2 =	sadd.s32 s2, s4;
	[dreg:$0x0] =	wrdreg $0x0  }
0xa8: {  	s4 =	sshll.u32 s28, $0x1;
	[dreg:$0x2] =	wrdreg s2  }
0xa9: {  	[dreg:$0x3] =	wrdreg s4  }
0xaa: {  	[dreg:$0x4] =	wrdreg $0xC0  }
0xab: {  	_ =	task [dreg:s6], $0x5FFFF  }
0xac: {  	[dreg:$0x1] =	wrdreg $0xFFFFFFFF  }
0xad: {  	[dreg:$0x0] =	wrdreg $0x60  }
0xae: {  	[dreg:$0x2] =	wrdreg s24  }
0xaf: {  	[dreg:$0x3] =	wrdreg $0x8C000  }
0xb0: {  	[dreg:$0x4] =	wrdreg $0xA0000  }
0xb1: {  	[dreg:$0x5] =	wrdreg $0x9  }
0xb2: {  	_ =	task.clear_ibuf [dreg:s6], $0x6FFFF;
	_ =	strace $0x90000046  }
0xb3: {  	s29 =	simm.s32 $0x9;
	_ =	strace $0x80000048  }
0xb4: {  	_ =	swait.ge [sflag:s29], $0x1  }
0xb5: {  	[sflag:s29] =	ssyncadd.s32 $0xFFFFFFFF  }
0xb6: {  	_ =	strace $0x90000048  }
0xb7: {  	_ =	sfence  }
0xb8: {  	s30 =	sld [smem:$0x0];
	_ =	sdelay $0x2  }
0xb9: {  	s31 =	sshll.u32 s1, $0xD;
	s1 =	sshrl.u32 s1, $0x2  }
0xba: {  	s3 =	sand.u32 $0x4000, s31;
	s1 =	sadd.s32 s1, s30  }
0xbb: {  	s0 =	sor.u32 s3, s0;
	s1 =	sshll.u32 s1, $0x11  }
0xbc: {  	s0 =	sor.u32 s1, s0  }
0xbd: {  	s0 =	sadd.s32 $0x8F2B, s0  }
0xbe: {  	[sflag:s0] =	ssyncadd.remote.s32 $0x1  }
0xbf: {  	_ =	sfence.sel $0xFFFF  }
0xc0: {  	[dreg:$0x0] =	wrdreg $0xFFFFFFFF;
	(pc) =	sbr.abs _section_cstart, $3  }
0xc1: {  	[dreg:$0x1] =	wrdreg $0xFFFFFFFF  }
0xc2: {  	_ =	task.clear_ibuf [dreg:s6], $0x2FFFF;
	_ =	strace $0x9FFFFFFF  }
0xc3: {  	(tm) =	ssettm $0x7FFFFFFF  }
tec
execute0_lowered:
.L_overlay_start_1:
0x0: {  	(tag) =	ssettag $0x1  }
0x1: {  	s26 =	rddreg [dreg:$0x0]  }
0x2: {  	s1 =	rddreg [dreg:$0x1]  }
0x3: {  	s3 =	rddreg [dreg:$0x2]  }
0x4: {  	s4 =	simm.s32 $0x0;
	s5 =	srdreg.scid;
	s2 =	stileid.u32  }
0x5: {  	[smem:$0x7FF] =	sst s4;
	s29 =	sand.u32 $0x1, s5;
	s25 =	sshll.u32 s2, $0x1  }
0x6: {  	s6 =	sadd.s32 $0x16400, s26;
	s30 =	smul.u32 $0x1400, s2;
	s28 =	sshll.u32 s2, $0x6  }
0x7: {  	_ =	strace $0x80000047;
	s5 =	sor.u32 s29, s25;
	[dreg:$0x4] =	wrdreg s6  }
0x8: {  	s6 =	sor.u32 $0x1C01, s28;
	s9 =	smul.u32 $0x2710, s5;
	s7 =	sadd.s32 s30, s1  }
0x9: {  	s5 =	sadd.s32 $0x16000, s26;
	s8 =	sadd.s32 s30, s3;
	s7 =	sshrl.u32 s7, $0x3  }
0xa: {  	[spmem:s7], [sflag:s6] =	dma.local [hbm:s5], $0x280  }
0xb: {  	s8 =	sshrl.u32 s8, $0x3;
	s9 =	sshrl.u32 s9, $0x3  }
0xc: {  	[spmem:s8], [sflag:s6] =	dma.local [hbm:s5], $0x280  }
0xd: {  	s24 =	sadd.s32 s9, s26;
	s9 =	simm.s32 $0x3C00;
	s10 =	rddreg [dreg:$0x4]  }
0xe: {  	[tilespmem:s9], [sflag:$0x1] =	stream.linear.gather [hbm4b:s10+s4], $0x5000, $0x38;
	[tilespmem:$0xB400] =	vst v63  }
0xf: {  	s10 =	sadd.s32 $0x2600, s24  }
0x10: {  	[tilespmem:s4], [sflag:$0x1] =	stream.linear.gather [hbm4b:s10+s4], $0xA00, $0x38;
	[tilespmem:$0xB400] =	vst v63  }
0x11: {  	s12 =	simm.s32 $0xA00;
	s13 =	simm.s32 $0x1;
	s11 =	sadd.s32 $0xC240, s24  }
0x12: {  	[tilespmem:s12], [sflag:$0x1] =	stream.linear.gather [hbm4b:s11+s4], $0xA00, $0x38;
	[tilespmem:$0xB400] =	vst v63  }
0x13: {  	_ =	swait.ge [sflag:s13], $0x280  }
0x14: {  	[sflag:s13] =	ssyncset.done $0x0  }
0x15: {  	[sflag:s13] =	ssyncadd.s32 $0xFFFFFD80  }
0x16: {  	_ =	swait.ge [sflag:s13], $0x280  }
0x17: {  	[sflag:s13] =	ssyncset.done $0x0  }
0x18: {  	[sflag:s13] =	ssyncadd.s32 $0xFFFFFD80  }
0x19: {  	_ =	swait.ge [sflag:s13], $0x5000  }
0x1a: {  	[sflag:s13] =	ssyncset.done $0x0  }
0x1b: {  	[sflag:s13] =	ssyncadd.s32 $0xFFFFB000  }
0x1c: {  	_ =	swait.ge [sflag:s13], $0xA00  }
0x1d: {  	[sflag:s13] =	ssyncset.done $0x0  }
0x1e: {  	[sflag:s13] =	ssyncadd.s32 $0xFFFFF600  }
0x1f: {  	_ =	swait.ge [sflag:s13], $0xA00  }
0x20: {  	[sflag:s13] =	ssyncset.done $0x0  }
0x21: {  	[sflag:s13] =	ssyncadd.s32 $0xFFFFF600  }
0x22: {  	s15 =	simm.s32 $0x1400;
	s14 =	sadd.s32 $0x2740, s24;
	[bflag:$0x0] =	sbarrier.arrive $0xFFFF  }
0x23: {  	[tilespmem:s15], [sflag:$0x1] =	stream.linear.gather [hbm4b:s14+s4], $0xA00, $0x38;
	[tilespmem:$0xB400] =	vst v63  }
0x24: {  	s17 =	simm.s32 $0x1E00;
	s16 =	sadd.s32 $0xC380, s24  }
0x25: {  	[tilespmem:s17], [sflag:$0x1] =	stream.linear.gather [hbm4b:s16+s4], $0xA00, $0x38;
	[tilespmem:$0xB400] =	vst v63  }
0x26: {  	_ = 	snop  }
0x27: {  	[spmem:s1] =	stream.indirect.scatter.add.f32 [tilespmem:s9], [sflag:$0x2], $0x8, s4, s12, $0xb8;
	[tilespmem:$0xB400] =	vst v63  }
0x28: {  	_ = 	snop  }
0x29: {  	[spmem:s3] =	stream.indirect.scatter.add.f32 [tilespmem:s9], [sflag:$0x2], $0x8, s12, s12, $0xb8;
	[tilespmem:$0xB400] =	vst v63  }
0x2a: {  	_ =	swait.ge [sflag:s13], $0xA00  }
0x2b: {  	[sflag:s13] =	ssyncset.done $0x0  }
0x2c: {  	[sflag:s13] =	ssyncadd.s32 $0xFFFFF600  }
0x2d: {  	_ =	swait.ge [sflag:s13], $0xA00  }
0x2e: {  	[sflag:s13] =	ssyncset.done $0x0  }
0x2f: {  	s19 =	simm.s32 $0x2800;
	s18 =	sadd.s32 $0x2880, s24;
	[sflag:s13] =	ssyncadd.s32 $0xFFFFF600  }
0x30: {  	[tilespmem:s19], [sflag:$0x1] =	stream.linear.gather [hbm4b:s18+s4], $0xA00, $0x38;
	[tilespmem:$0xB400] =	vst v63  }
0x31: {  	s21 =	simm.s32 $0x3200;
	s20 =	sadd.s32 $0xC4C0, s24  }
0x32: {  	[tilespmem:s21], [sflag:$0x1] =	stream.linear.gather [hbm4b:s20+s4], $0xA00, $0x38;
	[tilespmem:$0xB400] =	vst v63  }
0x33: {  	_ = 	snop  }
0x34: {  	[spmem:s1] =	stream.indirect.scatter.add.f32 [tilespmem:s9], [sflag:$0x2], $0x8, s15, s12, $0xb8;
	[tilespmem:$0xB400] =	vst v63  }
0x35: {  	s22 =	simm.s32 $0x2  }
0x36: {  	[spmem:s3] =	stream.indirect.scatter.add.f32 [tilespmem:s9], [sflag:$0x2], $0x8, s17, s12, $0xb8;
	[tilespmem:$0xB400] =	vst v63  }
0x37: {  	_ =	swait.ge [sflag:s22], $0x5000  }
0x38: {  	[sflag:s22] =	ssyncset.done $0x0  }
0x39: {  	[sflag:s22] =	ssyncadd.s32 $0xFFFFB000  }
0x3a: {  	_ =	swait.ge [sflag:s22], $0x5000  }
0x3b: {  	[sflag:s22] =	ssyncset.done $0x0  }
0x3c: {  	[sflag:s22] =	ssyncadd.s32 $0xFFFFB000  }
0x3d: {  	_ =	swait.ge [sflag:s13], $0xA00  }
0x3e: {  	[sflag:s13] =	ssyncset.done $0x0  }
0x3f: {  	[sflag:s13] =	ssyncadd.s32 $0xFFFFF600  }
0x40: {  	_ =	swait.ge [sflag:s13], $0xA00  }
0x41: {  	[sflag:s13] =	ssyncset.done $0x0  }
0x42: {  	s23 =	sadd.s32 $0x29C0, s24;
	[sflag:s13] =	ssyncadd.s32 $0xFFFFF600  }
0x43: {  	[tilespmem:s4], [sflag:$0x1] =	stream.linear.gather [hbm4b:s23+s4], $0x910, $0x38;
	[tilespmem:$0xB400] =	vst v63  }
0x44: {  	s24 =	sadd.s32 $0xC600, s24  }
0x45: {  	[tilespmem:s12], [sflag:$0x1] =	stream.linear.gather [hbm4b:s24+s4], $0x910, $0x38;
	[tilespmem:$0xB400] =	vst v63  }
0x46: {  	_ = 	snop  }
0x47: {  	[spmem:s1] =	stream.indirect.scatter.add.f32 [tilespmem:s9], [sflag:$0x2], $0x8, s19, s12, $0xb8;
	[tilespmem:$0xB400] =	vst v63  }
0x48: {  	_ = 	snop  }
0x49: {  	[spmem:s3] =	stream.indirect.scatter.add.f32 [tilespmem:s9], [sflag:$0x2], $0x8, s21, s12, $0xb8;
	[tilespmem:$0xB400] =	vst v63  }
0x4a: {  	_ =	swait.ge [sflag:s22], $0x5000  }
0x4b: {  	[sflag:s22] =	ssyncset.done $0x0  }
0x4c: {  	[sflag:s22] =	ssyncadd.s32 $0xFFFFB000  }
0x4d: {  	_ =	swait.ge [sflag:s22], $0x5000  }
0x4e: {  	[sflag:s22] =	ssyncset.done $0x0  }
0x4f: {  	[sflag:s22] =	ssyncadd.s32 $0xFFFFB000  }
0x50: {  	_ =	swait.ge [sflag:s13], $0x910  }
0x51: {  	[sflag:s13] =	ssyncset.done $0x0  }
0x52: {  	[sflag:s13] =	ssyncadd.s32 $0xFFFFF6F0  }
0x53: {  	_ =	swait.ge [sflag:s13], $0x910  }
0x54: {  	[sflag:s13] =	ssyncset.done $0x0  }
0x55: {  	s25 =	simm.s32 $0x910;
	[sflag:s13] =	ssyncadd.s32 $0xFFFFF6F0  }
0x56: {  	[spmem:s1] =	stream.indirect.scatter.add.f32 [tilespmem:s9], [sflag:$0x2], $0x8, s4, s25, $0xb8;
	[tilespmem:$0xB400] =	vst v63  }
0x57: {  	_ = 	snop  }
0x58: {  	[spmem:s3] =	stream.indirect.scatter.add.f32 [tilespmem:s9], [sflag:$0x2], $0x8, s12, s25, $0xb8;
	[tilespmem:$0xB400] =	vst v63  }
0x59: {  	_ =	swait.ge [sflag:s22], $0x5000  }
0x5a: {  	[sflag:s22] =	ssyncset.done $0x0  }
0x5b: {  	[sflag:s22] =	ssyncadd.s32 $0xFFFFB000  }
0x5c: {  	_ =	swait.ge [sflag:s22], $0x5000  }
0x5d: {  	[sflag:s22] =	ssyncset.done $0x0  }
0x5e: {  	[sflag:s22] =	ssyncadd.s32 $0xFFFFB000  }
0x5f: {  	s31 =	smul.u32 $0x28000, s29;
	_ =	swait.ge [sflag:s22], $0x4880  }
0x60: {  	[sflag:s22] =	ssyncset.done $0x0  }
0x61: {  	s30 =	sadd.s32 s30, s31;
	s31 =	ssub.s32 $0x2, s29;
	[sflag:s22] =	ssyncadd.s32 $0xFFFFB780  }
0x62: {  	s29 =	simm.s32 $0x3;
	s30 =	sshrl.u32 s30, $0x3;
	_ =	swait.ge [sflag:s22], $0x4880  }
0x63: {  	s0 =	sshrl.u32 s31, $0x1;
	s30 =	sadd.s32 s30, s26;
	[sflag:s22] =	ssyncset.done $0x0  }
0x64: {  	s26 =	sor.u32 $0x1C03, s28;
	s0 =	ssub.s32 s31, s0;
	[sflag:s22] =	ssyncadd.s32 $0xFFFFB780  }
0x65: {  	s28 =	sadd.s32 $0x16E00, s30;
	s0 =	smax.u32 s0, $0x1;
	[bflag:$0x0] =	sbarrier.arrive $0xFFFF  }
0x66: {  	[hbm:s28], [sflag:s26] =	dma.local [spmem:s7], $0x280  }
0x67: {  	p0 =	sne.s32 s0, $0x1;
	_ =	swait.ge [sflag:s29], $0x280  }
.Ltmp0:
0x68: {  	[sflag:s29] =	ssyncset.done $0x0;
	(pc) =	sbr.rel @!p0 .LBB2_2-.Ltmp0, $4  }
0x69: {  	s30 =	sadd.s32 $0x19600, s30;
	[sflag:s29] =	ssyncadd.s32 $0xFFFFFD80  }
0x6a: {  	[hbm:s30], [sflag:s26] =	dma.local [spmem:s8], $0x280  }
0x6b: {  	_ =	swait.ge [sflag:s29], $0x280  }
0x6c: {  	s31 =	sadd.s32 $0xFFFFFFFF, s0;
	[sflag:s29] =	ssyncset.done $0x0  }
.LBB2_1:
0x6d: {  	[sflag:s29] =	ssyncadd.s32 $0xFFFFFD80  }
0x6e: {  	[spmem:s7], [sflag:s6] =	dma.local [hbm:s5], $0x280  }
0x6f: {  	[spmem:s8], [sflag:s6] =	dma.local [hbm:s5], $0x280  }
0x70: {  	s0 =	rddreg [dreg:$0x4]  }
0x71: {  	[tilespmem:s9], [sflag:$0x1] =	stream.linear.gather [hbm4b:s0+s4], $0x5000, $0x38;
	[tilespmem:$0xB400] =	vst v63  }
0x72: {  	_ = 	snop  }
0x73: {  	[tilespmem:s4], [sflag:$0x1] =	stream.linear.gather [hbm4b:s10+s4], $0xA00, $0x38;
	[tilespmem:$0xB400] =	vst v63  }
0x74: {  	_ = 	snop  }
0x75: {  	[tilespmem:s12], [sflag:$0x1] =	stream.linear.gather [hbm4b:s11+s4], $0xA00, $0x38;
	[tilespmem:$0xB400] =	vst v63  }
0x76: {  	_ =	swait.ge [sflag:s13], $0x280  }
0x77: {  	[sflag:s13] =	ssyncset.done $0x0  }
0x78: {  	[sflag:s13] =	ssyncadd.s32 $0xFFFFFD80  }
0x79: {  	_ =	swait.ge [sflag:s13], $0x280  }
0x7a: {  	[sflag:s13] =	ssyncset.done $0x0  }
0x7b: {  	[sflag:s13] =	ssyncadd.s32 $0xFFFFFD80  }
0x7c: {  	_ =	swait.ge [sflag:s13], $0x5000  }
0x7d: {  	[sflag:s13] =	ssyncset.done $0x0  }
0x7e: {  	[sflag:s13] =	ssyncadd.s32 $0xFFFFB000  }
0x7f: {  	_ =	swait.ge [sflag:s13], $0xA00  }
0x80: {  	[sflag:s13] =	ssyncset.done $0x0  }
0x81: {  	[sflag:s13] =	ssyncadd.s32 $0xFFFFF600  }
0x82: {  	_ =	swait.ge [sflag:s13], $0xA00  }
0x83: {  	[sflag:s13] =	ssyncset.done $0x0  }
0x84: {  	[sflag:s13] =	ssyncadd.s32 $0xFFFFF600  }
0x85: {  	[bflag:$0x0] =	sbarrier.arrive $0xFFFF  }
0x86: {  	[tilespmem:s15], [sflag:$0x1] =	stream.linear.gather [hbm4b:s14+s4], $0xA00, $0x38;
	[tilespmem:$0xB400] =	vst v63  }
0x87: {  	_ = 	snop  }
0x88: {  	[tilespmem:s17], [sflag:$0x1] =	stream.linear.gather [hbm4b:s16+s4], $0xA00, $0x38;
	[tilespmem:$0xB400] =	vst v63  }
0x89: {  	_ = 	snop  }
0x8a: {  	[spmem:s1] =	stream.indirect.scatter.add.f32 [tilespmem:s9], [sflag:$0x2], $0x8, s4, s12, $0xb8;
	[tilespmem:$0xB400] =	vst v63  }
0x8b: {  	_ = 	snop  }
0x8c: {  	[spmem:s3] =	stream.indirect.scatter.add.f32 [tilespmem:s9], [sflag:$0x2], $0x8, s12, s12, $0xb8;
	[tilespmem:$0xB400] =	vst v63  }
0x8d: {  	_ =	swait.ge [sflag:s13], $0xA00  }
0x8e: {  	[sflag:s13] =	ssyncset.done $0x0  }
0x8f: {  	[sflag:s13] =	ssyncadd.s32 $0xFFFFF600  }
0x90: {  	_ =	swait.ge [sflag:s13], $0xA00  }
0x91: {  	[sflag:s13] =	ssyncset.done $0x0  }
0x92: {  	[sflag:s13] =	ssyncadd.s32 $0xFFFFF600  }
0x93: {  	[tilespmem:s19], [sflag:$0x1] =	stream.linear.gather [hbm4b:s18+s4], $0xA00, $0x38;
	[tilespmem:$0xB400] =	vst v63  }
0x94: {  	_ = 	snop  }
0x95: {  	[tilespmem:s21], [sflag:$0x1] =	stream.linear.gather [hbm4b:s20+s4], $0xA00, $0x38;
	[tilespmem:$0xB400] =	vst v63  }
0x96: {  	_ = 	snop  }
0x97: {  	[spmem:s1] =	stream.indirect.scatter.add.f32 [tilespmem:s9], [sflag:$0x2], $0x8, s15, s12, $0xb8;
	[tilespmem:$0xB400] =	vst v63  }
0x98: {  	_ = 	snop  }
0x99: {  	[spmem:s3] =	stream.indirect.scatter.add.f32 [tilespmem:s9], [sflag:$0x2], $0x8, s17, s12, $0xb8;
	[tilespmem:$0xB400] =	vst v63  }
0x9a: {  	_ =	swait.ge [sflag:s22], $0x5000  }
0x9b: {  	[sflag:s22] =	ssyncset.done $0x0  }
0x9c: {  	[sflag:s22] =	ssyncadd.s32 $0xFFFFB000  }
0x9d: {  	_ =	swait.ge [sflag:s22], $0x5000  }
0x9e: {  	[sflag:s22] =	ssyncset.done $0x0  }
0x9f: {  	[sflag:s22] =	ssyncadd.s32 $0xFFFFB000  }
0xa0: {  	_ =	swait.ge [sflag:s13], $0xA00  }
0xa1: {  	[sflag:s13] =	ssyncset.done $0x0  }
0xa2: {  	[sflag:s13] =	ssyncadd.s32 $0xFFFFF600  }
0xa3: {  	_ =	swait.ge [sflag:s13], $0xA00  }
0xa4: {  	[sflag:s13] =	ssyncset.done $0x0  }
0xa5: {  	[sflag:s13] =	ssyncadd.s32 $0xFFFFF600  }
0xa6: {  	[tilespmem:s4], [sflag:$0x1] =	stream.linear.gather [hbm4b:s23+s4], $0x910, $0x38;
	[tilespmem:$0xB400] =	vst v63  }
0xa7: {  	_ = 	snop  }
0xa8: {  	[tilespmem:s12], [sflag:$0x1] =	stream.linear.gather [hbm4b:s24+s4], $0x910, $0x38;
	[tilespmem:$0xB400] =	vst v63  }
0xa9: {  	_ = 	snop  }
0xaa: {  	[spmem:s1] =	stream.indirect.scatter.add.f32 [tilespmem:s9], [sflag:$0x2], $0x8, s19, s12, $0xb8;
	[tilespmem:$0xB400] =	vst v63  }
0xab: {  	_ = 	snop  }
0xac: {  	[spmem:s3] =	stream.indirect.scatter.add.f32 [tilespmem:s9], [sflag:$0x2], $0x8, s21, s12, $0xb8;
	[tilespmem:$0xB400] =	vst v63  }
0xad: {  	_ =	swait.ge [sflag:s22], $0x5000  }
0xae: {  	[sflag:s22] =	ssyncset.done $0x0  }
0xaf: {  	[sflag:s22] =	ssyncadd.s32 $0xFFFFB000  }
0xb0: {  	_ =	swait.ge [sflag:s22], $0x5000  }
0xb1: {  	[sflag:s22] =	ssyncset.done $0x0  }
0xb2: {  	[sflag:s22] =	ssyncadd.s32 $0xFFFFB000  }
0xb3: {  	_ =	swait.ge [sflag:s13], $0x910  }
0xb4: {  	[sflag:s13] =	ssyncset.done $0x0  }
0xb5: {  	[sflag:s13] =	ssyncadd.s32 $0xFFFFF6F0  }
0xb6: {  	_ =	swait.ge [sflag:s13], $0x910  }
0xb7: {  	[sflag:s13] =	ssyncset.done $0x0  }
0xb8: {  	[sflag:s13] =	ssyncadd.s32 $0xFFFFF6F0  }
0xb9: {  	[spmem:s1] =	stream.indirect.scatter.add.f32 [tilespmem:s9], [sflag:$0x2], $0x8, s4, s25, $0xb8;
	[tilespmem:$0xB400] =	vst v63  }
0xba: {  	_ = 	snop  }
0xbb: {  	[spmem:s3] =	stream.indirect.scatter.add.f32 [tilespmem:s9], [sflag:$0x2], $0x8, s12, s25, $0xb8;
	[tilespmem:$0xB400] =	vst v63  }
0xbc: {  	_ =	swait.ge [sflag:s22], $0x5000  }
0xbd: {  	[sflag:s22] =	ssyncset.done $0x0  }
0xbe: {  	[sflag:s22] =	ssyncadd.s32 $0xFFFFB000  }
0xbf: {  	_ =	swait.ge [sflag:s22], $0x5000  }
0xc0: {  	[sflag:s22] =	ssyncset.done $0x0  }
0xc1: {  	[sflag:s22] =	ssyncadd.s32 $0xFFFFB000  }
0xc2: {  	_ =	swait.ge [sflag:s22], $0x4880  }
0xc3: {  	[sflag:s22] =	ssyncset.done $0x0  }
0xc4: {  	[sflag:s22] =	ssyncadd.s32 $0xFFFFB780  }
0xc5: {  	_ =	swait.ge [sflag:s22], $0x4880  }
0xc6: {  	[sflag:s22] =	ssyncset.done $0x0  }
0xc7: {  	[sflag:s22] =	ssyncadd.s32 $0xFFFFB780  }
0xc8: {  	[bflag:$0x0] =	sbarrier.arrive $0xFFFF  }
0xc9: {  	[hbm:s28], [sflag:s26] =	dma.local [spmem:s7], $0x280  }
0xca: {  	p0 =	sne.s32 s31, $0x1;
	_ =	swait.ge [sflag:s29], $0x280  }
.Ltmp1:
0xcb: {  	[sflag:s29] =	ssyncset.done $0x0;
	(pc) =	sbr.rel @p0 .LBB2_1-.Ltmp1, $4  }
0xcc: {  	[sflag:s29] =	ssyncadd.s32 $0xFFFFFD80  }
0xcd: {  	[hbm:s30], [sflag:s26] =	dma.local [spmem:s8], $0x280  }
0xce: {  	_ =	swait.ge [sflag:s29], $0x280  }
0xcf: {  	s31 =	sadd.s32 $0xFFFFFFFF, s31;
	[sflag:s29] =	ssyncset.done $0x0  }
.LBB2_2:
0xd0: {  	[sflag:s29] =	ssyncadd.s32 $0xFFFFFD80  }
0xd1: {  	_ =	sfence.sel $0x180000  }
0xd2: {  	[bflag:$0x0] =	sbarrier.arrive $0xFFFF  }
0xd3: {  	_ =	strace $0x90000047  }
0xd4: {  	[bflag:$0x2] =	sbarrier.arrive $0xFFFF  }
0xd5: {  	p0 =	sne.s32 s2, $0x0;
	s0 =	rddreg [dreg:$0x3]  }
0xd6: {  	s0 =	sadd.s32 @!p0 $0x100000, s0  }
0xd7: {  	[sflag:s0] =	ssyncadd.tile.s32 @!p0 $0x1;
	_ =	shalt  }
.Lfunc_end2:
_tile_overlayer_lowered:
.L_overlay_start_2:
0xd8: {  	(tag) =	ssettag $0x2  }
0xd9: {  	s0 =	rddreg [dreg:$0x0];
	s2 =	stileid.u32  }
0xda: {  	s1 =	rddreg [dreg:$0x1];
	p0 =	sne.s32 s2, $0x0  }
0xdb: {  	s3 =	rddreg [dreg:$0x2];
	[bflag:$0x3] =	sbarrier.arrive $0xFFFF;
	s2 =	simm.s32 @!p0 $0x1C03  }
0xdc: {  	[timem:s3], [sflag:s2] =	dma.local @!p0 [hbm:s0], s1  }
0xdd: {  	s0 =	simm.s32 @!p0 $0x3  }
0xde: {  	_ =	swait.ge @!p0 [sflag:s0], s1  }
0xdf: {  	s1 =	ssub.s32 @!p0 $0x0, s1;
	[sflag:s0] =	ssyncset.done @!p0 $0x0  }
0xe0: {  	[sflag:s0] =	ssyncadd.s32 @!p0 s1  }
0xe1: {  	[bflag:$0x3] =	sbarrier.arrive $0xFFFF  }
0xe2: {  	_ =	shalt  }

</sc_bundles>
